<compile_context>
chip_gen: v7x
topology: tpu7x:2x2x1
jax: 0.10.2.dev20260603
libtpu: 0.0.44.dev20260713+nightly
codegen_flags: <defaults>
</compile_context>

<pallas_src>
import functools

import jax
import jax.numpy as jnp
from jax import lax
from jax.experimental import pallas as pl
from jax.experimental.pallas import tpu as pltpu
from jax.experimental.pallas import tpu_sc as plsc

UNITS = 128
VOCAB = 1000
ROWS = VOCAB + 1
DPAD = 1024
BATCH = 4096
SEQ = 20
TOK = BATCH * SEQ

NC, NS, L = 2, 16, 16
NW = NC * NS
BPW = BATCH // NW
STRIDE = 24
XPW = BPW * STRIDE
GR = 24
NWIN = ROWS // L
TAIL = ROWS - L


def _gram_body(w_ref, wp_ref, g_ref):
    g_ref[...] = lax.dot_general(
        w_ref[...], wp_ref[...], (((1,), (1,)), ((), ())),
        preferred_element_type=jnp.float32,
    )


def _gram(w):
    wp = jnp.pad(w, ((0, DPAD - ROWS), (0, 0)))
    return pl.pallas_call(
        _gram_body,
        out_shape=jax.ShapeDtypeStruct((ROWS, DPAD), jnp.float32),
    )(w, wp)


def _gather_body(x_hbm, g_hbm, out_hbm,
                 xbuf, idxbuf, rows0, rows1, ob0, ob1,
                 gsem0, gsem1, wsem0, wsem1):
    wid = lax.axis_index("s") * NC + lax.axis_index("c")
    b0 = wid * BPW

    pltpu.sync_copy(x_hbm.at[pl.ds(wid * XPW, XPW)], xbuf)

    def conv(j, c):
        sl = pl.ds(j * L, L)
        idxbuf[sl] = (xbuf[sl] * float(VOCAB)).astype(jnp.int32)
        return c

    lax.fori_loop(0, XPW // L, conv, 0)

    rows = (rows0, rows1)
    obufs = (ob0, ob1)
    gsems = (gsem0, gsem1)
    wsems = (wsem0, wsem1)

    def gdesc(b, s):
        idxsl = idxbuf.at[pl.ds(b * STRIDE, GR)]
        return g_hbm.at[idxsl], rows[s], gsems[s]

    def issue(b, s):
        src_d, dst_d, sem_d = gdesc(b, s)
        pltpu.async_copy(src_d, dst_d, sem_d)

    def process(b, s):
        src_d, dst_d, sem_d = gdesc(b, s)
        pltpu.make_async_copy(src_d, dst_d, sem_d).wait()

        @pl.when(b >= 2)
        def _():
            pltpu.make_async_copy(
                obufs[s], out_hbm.at[b0 + b - 2], wsems[s]).wait()

        @plsc.parallel_loop(0, SEQ, 1, unroll=2)
        def _(r):
            src = rows[s].at[r]
            ob = obufs[s]
            for j in range(NWIN):
                sl = pl.ds(j * L, L)
                ob[r, sl] = src[sl]
            tl = pl.ds(TAIL, L)
            ob[r, tl] = src[tl]

        pltpu.async_copy(obufs[s], out_hbm.at[b0 + b], wsems[s])

    issue(0, 0)

    def pair(i, carry):
        g0 = i * 2
        issue(g0 + 1, 1)
        process(g0, 0)

        @pl.when(i + 1 < BPW // 2)
        def _():
            issue(g0 + 2, 0)

        process(g0 + 1, 1)
        return carry

    lax.fori_loop(0, BPW // 2, pair, 0)

    pltpu.make_async_copy(obufs[0], out_hbm.at[b0 + BPW - 2], wsems[0]).wait()
    pltpu.make_async_copy(obufs[1], out_hbm.at[b0 + BPW - 1], wsems[1]).wait()



_gather = functools.partial(
    pl.kernel,
    out_type=jax.ShapeDtypeStruct((BATCH, SEQ, ROWS), jnp.float32),
    mesh=plsc.VectorSubcoreMesh(core_axis_name="c", subcore_axis_name="s"),
    scratch_types=[
        pltpu.VMEM((XPW,), jnp.float32),
        pltpu.VMEM((XPW,), jnp.int32),
        pltpu.VMEM((GR, DPAD), jnp.float32),
        pltpu.VMEM((GR, DPAD), jnp.float32),
        pltpu.VMEM((SEQ, ROWS), jnp.float32),
        pltpu.VMEM((SEQ, ROWS), jnp.float32),
        pltpu.SemaphoreType.DMA,
        pltpu.SemaphoreType.DMA,
        pltpu.SemaphoreType.DMA,
        pltpu.SemaphoreType.DMA,
    ],
)(_gather_body)


def kernel(x, c, we_item):
    del c
    g = _gram(we_item)
    x2 = x.reshape(BATCH, SEQ)
    xs = jnp.concatenate([x2, x2[:, : STRIDE - SEQ]], axis=1)
    return _gather(xs.reshape(BATCH * STRIDE), g)

# --- scband reference (transcript-rebuilt; emitter-appended) ---
"""Pipeline reference for scband-ceemodel-65515431133427 (READ-ONLY COPY).

The authoritative reference and input builder live on the scoring server;
editing this copy changes nothing except your own understanding.
"""

import jax, jax.numpy as jnp
import numpy as np

UNITS = 128
VOCAB = 1000  # channels['item']; table has VOCAB+1 rows
BATCH = 4096
SEQ = 20

def setup_inputs(seed: int = 0) -> dict:
    key = jax.random.key(seed)
    k1, k2, k3 = jax.random.split(key, 3)
    # x in [0,1): values are scaled by channels and cast to int indices
    x = jax.random.uniform(k1, (BATCH, SEQ, 1), dtype=jnp.float32)
    # c is the conditioning tensor; unused by call() but part of the signature
    c = jax.random.uniform(k2, (BATCH, SEQ, 1), dtype=jnp.float32)
    # embedding table 'embedding_item': [VOCAB+1, UNITS], stddev=0.02 init
    we_item = jax.random.normal(k3, (VOCAB + 1, UNITS), dtype=jnp.float32) * 0.02
    return {"x": x, "c": c, "we_item": we_item}

def reference(x, c, we_item):
    # embed(): unstack x along last axis; single field 'item' with embedding>1
    e_parts = []
    for i in range(x.shape[-1]):
        r = x[..., i]                      # [m, n]
        r = r * VOCAB                      # scale by channels['item']
        idx = r.astype(jnp.int32)          # cast to int indices
        g = jnp.take(we_item, idx, axis=0)  # gather -> [m, n, UNITS]
        e_parts.append(g)
    h = jnp.concatenate(e_parts, axis=-1)   # [m, n, UNITS]
    # out(): for each target field, dot with transposed embedding table
    outs = []
    outs.append(jnp.dot(h, we_item.T))      # [m, n, VOCAB+1]
    # original returns a list; single target field -> return the single tensor
    return outs[0]

if __name__ == "__main__":
    import jax
    _d = setup_inputs()
    print(jax.jit(kernel)(*tuple(_d.values())))

</pallas_src>

<mosaic_0001>
#map = affine_map<(d0, d1) -> (0)>
#map1 = affine_map<(d0, d1) -> (0, 0)>
#map2 = affine_map<(d0, d1) -> (0, 0, 0)>
module attributes {stable_mosaic.version = 14 : i64} {
  func.func @_gather_body(%arg0: i32, %arg1: i32, %arg2: memref<98304xf32, #tpu.memory_space<hbm>>, %arg3: memref<1001x1024xf32, #tpu.memory_space<hbm>>, %arg4: memref<4096x20x1001xf32, #tpu.memory_space<hbm>>, %arg5: memref<3072xf32, #tpu.memory_space<vmem>>, %arg6: memref<3072xi32, #tpu.memory_space<vmem>>, %arg7: memref<24x1024xf32, #tpu.memory_space<vmem>>, %arg8: memref<24x1024xf32, #tpu.memory_space<vmem>>, %arg9: memref<20x1001xf32, #tpu.memory_space<vmem>>, %arg10: memref<20x1001xf32, #tpu.memory_space<vmem>>, %arg11: memref<!tpu.dma_semaphore, #tpu.memory_space<semaphore_mem>>, %arg12: memref<!tpu.dma_semaphore, #tpu.memory_space<semaphore_mem>>, %arg13: memref<!tpu.dma_semaphore, #tpu.memory_space<semaphore_mem>>, %arg14: memref<!tpu.dma_semaphore, #tpu.memory_space<semaphore_mem>>) attributes {dimension_semantics = [#tpu.dimension_semantics<core_parallel>, #tpu.dimension_semantics<subcore_parallel>], iteration_bounds = array<i64: 2, 16>, scalar_prefetch = 0 : i64, scratch_operands = 10 : i64, tpu.core_type = #tpu.core_type<sc_vector_subcore>, window_params = [{transform_indices = #map}, {transform_indices = #map1}, {transform_indices = #map2}]} {
    %mul3A = arith.constant 2 : i32
    %mul3A_0 = arith.muli %arg1, %mul3A : i32
    %add3A = arith.addi %mul3A_0, %arg0 : i32
    %mul3A_1 = arith.constant 128 : i32
    %mul3A_2 = arith.muli %add3A, %mul3A_1 : i32
    %mul3A_3 = arith.constant 3072 : i32
    %mul3A_4 = arith.muli %add3A, %mul3A_3 : i32
    "tpu.region"() ({
      %run_scoped3A = tpu.sem_alloc : memref<!tpu.dma_semaphore, #tpu.memory_space<semaphore_mem>>
      %dma_start3A_42 = tpu.memref_slice %arg2[%mul3A_4] : memref<98304xf32, #tpu.memory_space<hbm>> -> memref<3072xf32, #tpu.memory_space<hbm>>
      %dma_start3A_43 = tpu.memref_slice %arg2[%mul3A_4] : memref<98304xf32, #tpu.memory_space<hbm>> -> memref<3072xf32, #tpu.memory_space<hbm>>
      tpu.enqueue_dma source(%dma_start3A_43 : memref<3072xf32, #tpu.memory_space<hbm>>) target(%arg5 : memref<3072xf32, #tpu.memory_space<vmem>>) target_semaphore(%run_scoped3A : memref<!tpu.dma_semaphore, #tpu.memory_space<semaphore_mem>>)
      %dma_wait3A_44 = tpu.memref_slice %arg2[%mul3A_4] : memref<98304xf32, #tpu.memory_space<hbm>> -> memref<3072xf32, #tpu.memory_space<hbm>>
      %dma_wait3A_45 = tpu.memref_slice %arg2[%mul3A_4] : memref<98304xf32, #tpu.memory_space<hbm>> -> memref<3072xf32, #tpu.memory_space<hbm>>
      tpu.wait_dma2 semaphore(%run_scoped3A : memref<!tpu.dma_semaphore, #tpu.memory_space<semaphore_mem>>) src(%dma_wait3A_45 : memref<3072xf32, #tpu.memory_space<hbm>>) dst(%arg5 : memref<3072xf32, #tpu.memory_space<vmem>>)
      tpu.yield
    }) : () -> ()
    %scan3A = arith.constant 0 : i32
    %scan3A_5 = arith.constant 0 : i32
    %scan3A_6 = arith.constant 192 : i32
    %scan3A_7 = arith.addi %scan3A_5, %scan3A_6 : i32
    %scan3A_8 = arith.constant 1 : i32
    scf.for %scan3A_42 = %scan3A_5 to %scan3A_7 step %scan3A_8  : i32 {
      %mul3A_43 = arith.constant 16 : i32
      %mul3A_44 = arith.muli %scan3A_42, %mul3A_43 : i32
      %get3A = arith.index_cast %mul3A_44 : i32 to index
      %get3A_45 = tpu.vector_load %arg5[%get3A] {strides = array<i32>} : memref<3072xf32, #tpu.memory_space<vmem>>, vector<16xf32>,
      %get3A_46 = vector.shape_cast %get3A_45 : vector<16xf32> to vector<16xf32>
      %mul3A_47 = arith.constant 1.000000e+03 : f32
      %mul3A_48 = vector.broadcast %mul3A_47 : f32 to vector<16xf32>
      %mul3A_49 = arith.mulf %get3A_46, %mul3A_48 : vector<16xf32>
      %convert_element_type3A = arith.fptosi %mul3A_49 : vector<16xf32> to vector<16xi32>
      %swap3A = arith.index_cast %mul3A_44 : i32 to index
      %swap3A_50 = tpu.vector_load %arg6[%swap3A] {strides = array<i32>} : memref<3072xi32, #tpu.memory_space<vmem>>, vector<16xi32>,
      %swap3A_51 = vector.shape_cast %swap3A_50 : vector<16xi32> to vector<16xi32>
      %swap3A_52 = vector.shape_cast %convert_element_type3A : vector<16xi32> to vector<16xi32>
      tpu.vector_store %arg6[%swap3A], %swap3A_52 {strides = array<i32>} : memref<3072xi32, #tpu.memory_space<vmem>>, vector<16xi32>,
    }
    %scan3A_9 = arith.constant 192 : i32
    %dma_start3A = arith.constant 0 : i32
    %dma_start3A_10 = tpu.memref_slice %arg6[%dma_start3A] : memref<3072xi32, #tpu.memory_space<vmem>> -> memref<24xi32, #tpu.memory_space<vmem>>
    %dma_start3A_11 = arith.constant 0 : i32
    %dma_start3A_12 = arith.constant 0 : i32
    %dma_start3A_13 = tpu.memref_slice %arg3[%dma_start3A_11, %dma_start3A_12] : memref<1001x1024xf32, #tpu.memory_space<hbm>> -> memref<1001x1024xf32, #tpu.memory_space<hbm>>
    tpu.enqueue_indirect_dma source(%dma_start3A_13 : memref<1001x1024xf32, #tpu.memory_space<hbm>>) target(%arg7 : memref<24x1024xf32, #tpu.memory_space<vmem>>) offsets(%dma_start3A_10 : memref<24xi32, #tpu.memory_space<vmem>>) semaphore(%arg11 : memref<!tpu.dma_semaphore, #tpu.memory_space<semaphore_mem>>)
    %scan3A_14 = arith.constant 0 : i32
    %scan3A_15 = arith.constant 0 : i32
    %scan3A_16 = arith.constant 64 : i32
    %scan3A_17 = arith.addi %scan3A_15, %scan3A_16 : i32
    %scan3A_18 = arith.constant 1 : i32
    scf.for %scan3A_42 = %scan3A_15 to %scan3A_17 step %scan3A_18  : i32 {
      %mul3A_43 = arith.constant 2 : i32
      %mul3A_44 = arith.muli %scan3A_42, %mul3A_43 : i32
      %add3A_45 = arith.constant 1 : i32
      %add3A_46 = arith.addi %mul3A_44, %add3A_45 : i32
      %mul3A_47 = arith.constant 24 : i32
      %mul3A_48 = arith.muli %add3A_46, %mul3A_47 : i32
      %dma_start3A_49 = tpu.memref_slice %arg6[%mul3A_48] : memref<3072xi32, #tpu.memory_space<vmem>> -> memref<24xi32, #tpu.memory_space<vmem>>
      %dma_start3A_50 = arith.constant 0 : i32
      %dma_start3A_51 = arith.constant 0 : i32
      %dma_start3A_52 = tpu.memref_slice %arg3[%dma_start3A_50, %dma_start3A_51] : memref<1001x1024xf32, #tpu.memory_space<hbm>> -> memref<1001x1024xf32, #tpu.memory_space<hbm>>
      tpu.enqueue_indirect_dma source(%dma_start3A_52 : memref<1001x1024xf32, #tpu.memory_space<hbm>>) target(%arg8 : memref<24x1024xf32, #tpu.memory_space<vmem>>) offsets(%dma_start3A_49 : memref<24xi32, #tpu.memory_space<vmem>>) semaphore(%arg12 : memref<!tpu.dma_semaphore, #tpu.memory_space<semaphore_mem>>)
      %mul3A_53 = arith.constant 24 : i32
      %mul3A_54 = arith.muli %mul3A_44, %mul3A_53 : i32
      %dma_wait3A_55 = tpu.memref_slice %arg6[%mul3A_54] : memref<3072xi32, #tpu.memory_space<vmem>> -> memref<24xi32, #tpu.memory_space<vmem>>
      %dma_wait3A_56 = arith.constant 0 : i32
      %dma_wait3A_57 = arith.constant 0 : i32
      %dma_wait3A_58 = tpu.memref_slice %arg3[%dma_wait3A_56, %dma_wait3A_57] : memref<1001x1024xf32, #tpu.memory_space<hbm>> -> memref<1001x1024xf32, #tpu.memory_space<hbm>>
      tpu.wait_indirect_dma semaphore(%arg11 : memref<!tpu.dma_semaphore, #tpu.memory_space<semaphore_mem>>) src(%dma_wait3A_58 : memref<1001x1024xf32, #tpu.memory_space<hbm>>) dst(%arg7 : memref<24x1024xf32, #tpu.memory_space<vmem>>)
      %ge3A = arith.constant 2 : i32
      %ge3A_59 = arith.cmpi sge, %mul3A_44, %ge3A : i32
      %convert_element_type3A = arith.extui %ge3A_59 : i1 to i32
      %cond3A = arith.constant 0 : i32
      %cond3A_60 = arith.cmpi ne, %convert_element_type3A, %cond3A : i32
      scf.if %cond3A_60 {
        %add3A_103 = arith.addi %mul3A_2, %mul3A_44 : i32
        %sub3A_104 = arith.constant 2 : i32
        %sub3A_105 = arith.subi %add3A_103, %sub3A_104 : i32
        %dma_wait3A_106 = arith.constant 0 : i32
        %dma_wait3A_107 = arith.constant 0 : i32
        %dma_wait3A_108 = tpu.memref_slice %arg4[%sub3A_105, %dma_wait3A_106, %dma_wait3A_107] : memref<4096x20x1001xf32, #tpu.memory_space<hbm>> -> memref<1x20x1001xf32, #tpu.memory_space<hbm>>
        %dma_wait3A_109 = tpu.memref_squeeze %dma_wait3A_108 : memref<1x20x1001xf32, #tpu.memory_space<hbm>> -> memref<20x1001xf32, #tpu.memory_space<hbm>>
        %dma_wait3A_110 = arith.constant 0 : i32
        %dma_wait3A_111 = arith.constant 0 : i32
        %dma_wait3A_112 = tpu.memref_slice %arg4[%sub3A_105, %dma_wait3A_110, %dma_wait3A_111] : memref<4096x20x1001xf32, #tpu.memory_space<hbm>> -> memref<1x20x1001xf32, #tpu.memory_space<hbm>>
        %dma_wait3A_113 = tpu.memref_squeeze %dma_wait3A_112 : memref<1x20x1001xf32, #tpu.memory_space<hbm>> -> memref<20x1001xf32, #tpu.memory_space<hbm>>
        tpu.wait_dma2 semaphore(%arg13 : memref<!tpu.dma_semaphore, #tpu.memory_space<semaphore_mem>>) src(%arg9 : memref<20x1001xf32, #tpu.memory_space<vmem>>) dst(%dma_wait3A_113 : memref<20x1001xf32, #tpu.memory_space<hbm>>)
      } else {
      }
      %parallel_loop3A = arith.constant 0 : i32
      %parallel_loop3A_61 = arith.constant 20 : i32
      %parallel_loop3A_62 = arith.constant 1 : i32
      scf.for %parallel_loop3A_103 = %parallel_loop3A to %parallel_loop3A_61 step %parallel_loop3A_62  : i32 {
        %parallel_loop3A_104 = arith.constant 0 : i32
        %parallel_loop3A_105 = tpu.memref_slice %arg7[%parallel_loop3A_103, %parallel_loop3A_104] : memref<24x1024xf32, #tpu.memory_space<vmem>> -> memref<1x1024xf32, #tpu.memory_space<vmem>>
        %parallel_loop3A_106 = tpu.memref_squeeze %parallel_loop3A_105 : memref<1x1024xf32, #tpu.memory_space<vmem>> -> memref<1024xf32, #tpu.memory_space<vmem>>
        %parallel_loop3A_107 = arith.constant 0 : index
        %parallel_loop3A_108 = tpu.vector_load %parallel_loop3A_106[%parallel_loop3A_107] {strides = array<i32>} : memref<1024xf32, #tpu.memory_space<vmem>>, vector<16xf32>,
        %parallel_loop3A_109 = vector.shape_cast %parallel_loop3A_108 : vector<16xf32> to vector<16xf32>
        %parallel_loop3A_110 = arith.index_cast %parallel_loop3A_103 : i32 to index
        %parallel_loop3A_111 = arith.constant 0 : index
        %parallel_loop3A_112 = tpu.vector_load %arg9[%parallel_loop3A_110, %parallel_loop3A_111] {strides = array<i32>} : memref<20x1001xf32, #tpu.memory_space<vmem>>, vector<1x16xf32>,
        %parallel_loop3A_113 = vector.shape_cast %parallel_loop3A_112 : vector<1x16xf32> to vector<16xf32>
        %parallel_loop3A_114 = vector.shape_cast %parallel_loop3A_109 : vector<16xf32> to vector<1x16xf32>
        tpu.vector_store %arg9[%parallel_loop3A_110, %parallel_loop3A_111], %parallel_loop3A_114 {strides = array<i32>} : memref<20x1001xf32, #tpu.memory_space<vmem>>, vector<1x16xf32>,
        %parallel_loop3A_115 = arith.constant 0 : i32
        %parallel_loop3A_116 = tpu.memref_slice %arg7[%parallel_loop3A_103, %parallel_loop3A_115] : memref<24x1024xf32, #tpu.memory_space<vmem>> -> memref<1x1024xf32, #tpu.memory_space<vmem>>
        %parallel_loop3A_117 = tpu.memref_squeeze %parallel_loop3A_116 : memref<1x1024xf32, #tpu.memory_space<vmem>> -> memref<1024xf32, #tpu.memory_space<vmem>>
        %parallel_loop3A_118 = arith.constant 16 : index
        %parallel_loop3A_119 = tpu.vector_load %parallel_loop3A_117[%parallel_loop3A_118] {strides = array<i32>} : memref<1024xf32, #tpu.memory_space<vmem>>, vector<16xf32>,
        %parallel_loop3A_120 = vector.shape_cast %parallel_loop3A_119 : vector<16xf32> to vector<16xf32>
        %parallel_loop3A_121 = arith.index_cast %parallel_loop3A_103 : i32 to index
        %parallel_loop3A_122 = arith.constant 16 : index
        %parallel_loop3A_123 = tpu.vector_load %arg9[%parallel_loop3A_121, %parallel_loop3A_122] {strides = array<i32>} : memref<20x1001xf32, #tpu.memory_space<vmem>>, vector<1x16xf32>,
        %parallel_loop3A_124 = vector.shape_cast %parallel_loop3A_123 : vector<1x16xf32> to vector<16xf32>
        %parallel_loop3A_125 = vector.shape_cast %parallel_loop3A_120 : vector<16xf32> to vector<1x16xf32>
        tpu.vector_store %arg9[%parallel_loop3A_121, %parallel_loop3A_122], %parallel_loop3A_125 {strides = array<i32>} : memref<20x1001xf32, #tpu.memory_space<vmem>>, vector<1x16xf32>,
        %parallel_loop3A_126 = arith.constant 0 : i32
        %parallel_loop3A_127 = tpu.memref_slice %arg7[%parallel_loop3A_103, %parallel_loop3A_126] : memref<24x1024xf32, #tpu.memory_space<vmem>> -> memref<1x1024xf32, #tpu.memory_space<vmem>>
        %parallel_loop3A_128 = tpu.memref_squeeze %parallel_loop3A_127 : memref<1x1024xf32, #tpu.memory_space<vmem>> -> memref<1024xf32, #tpu.memory_space<vmem>>
        %parallel_loop3A_129 = arith.constant 32 : index
        %parallel_loop3A_130 = tpu.vector_load %parallel_loop3A_128[%parallel_loop3A_129] {strides = array<i32>} : memref<1024xf32, #tpu.memory_space<vmem>>, vector<16xf32>,
        %parallel_loop3A_131 = vector.shape_cast %parallel_loop3A_130 : vector<16xf32> to vector<16xf32>
        %parallel_loop3A_132 = arith.index_cast %parallel_loop3A_103 : i32 to index
        %parallel_loop3A_133 = arith.constant 32 : index
        %parallel_loop3A_134 = tpu.vector_load %arg9[%parallel_loop3A_132, %parallel_loop3A_133] {strides = array<i32>} : memref<20x1001xf32, #tpu.memory_space<vmem>>, vector<1x16xf32>,
        %parallel_loop3A_135 = vector.shape_cast %parallel_loop3A_134 : vector<1x16xf32> to vector<16xf32>
        %parallel_loop3A_136 = vector.shape_cast %parallel_loop3A_131 : vector<16xf32> to vector<1x16xf32>
        tpu.vector_store %arg9[%parallel_loop3A_132, %parallel_loop3A_133], %parallel_loop3A_136 {strides = array<i32>} : memref<20x1001xf32, #tpu.memory_space<vmem>>, vector<1x16xf32>,
        %parallel_loop3A_137 = arith.constant 0 : i32
        %parallel_loop3A_138 = tpu.memref_slice %arg7[%parallel_loop3A_103, %parallel_loop3A_137] : memref<24x1024xf32, #tpu.memory_space<vmem>> -> memref<1x1024xf32, #tpu.memory_space<vmem>>
        %parallel_loop3A_139 = tpu.memref_squeeze %parallel_loop3A_138 : memref<1x1024xf32, #tpu.memory_space<vmem>> -> memref<1024xf32, #tpu.memory_space<vmem>>
        %parallel_loop3A_140 = arith.constant 48 : index
        %parallel_loop3A_141 = tpu.vector_load %parallel_loop3A_139[%parallel_loop3A_140] {strides = array<i32>} : memref<1024xf32, #tpu.memory_space<vmem>>, vector<16xf32>,
        %parallel_loop3A_142 = vector.shape_cast %parallel_loop3A_141 : vector<16xf32> to vector<16xf32>
        %parallel_loop3A_143 = arith.index_cast %parallel_loop3A_103 : i32 to index
        %parallel_loop3A_144 = arith.constant 48 : index
        %parallel_loop3A_145 = tpu.vector_load %arg9[%parallel_loop3A_143, %parallel_loop3A_144] {strides = array<i32>} : memref<20x1001xf32, #tpu.memory_space<vmem>>, vector<1x16xf32>,
        %parallel_loop3A_146 = vector.shape_cast %parallel_loop3A_145 : vector<1x16xf32> to vector<16xf32>
        %parallel_loop3A_147 = vector.shape_cast %parallel_loop3A_142 : vector<16xf32> to vector<1x16xf32>
        tpu.vector_store %arg9[%parallel_loop3A_143, %parallel_loop3A_144], %parallel_loop3A_147 {strides = array<i32>} : memref<20x1001xf32, #tpu.memory_space<vmem>>, vector<1x16xf32>,
        %parallel_loop3A_148 = arith.constant 0 : i32
        %parallel_loop3A_149 = tpu.memref_slice %arg7[%parallel_loop3A_103, %parallel_loop3A_148] : memref<24x1024xf32, #tpu.memory_space<vmem>> -> memref<1x1024xf32, #tpu.memory_space<vmem>>
        %parallel_loop3A_150 = tpu.memref_squeeze %parallel_loop3A_149 : memref<1x1024xf32, #tpu.memory_space<vmem>> -> memref<1024xf32, #tpu.memory_space<vmem>>
        %parallel_loop3A_151 = arith.constant 64 : index
        %parallel_loop3A_152 = tpu.vector_load %parallel_loop3A_150[%parallel_loop3A_151] {strides = array<i32>} : memref<1024xf32, #tpu.memory_space<vmem>>, vector<16xf32>,
        %parallel_loop3A_153 = vector.shape_cast %parallel_loop3A_152 : vector<16xf32> to vector<16xf32>
        %parallel_loop3A_154 = arith.index_cast %parallel_loop3A_103 : i32 to index
        %parallel_loop3A_155 = arith.constant 64 : index
        %parallel_loop3A_156 = tpu.vector_load %arg9[%parallel_loop3A_154, %parallel_loop3A_155] {strides = array<i32>} : memref<20x1001xf32, #tpu.memory_space<vmem>>, vector<1x16xf32>,
        %parallel_loop3A_157 = vector.shape_cast %parallel_loop3A_156 : vector<1x16xf32> to vector<16xf32>
        %parallel_loop3A_158 = vector.shape_cast %parallel_loop3A_153 : vector<16xf32> to vector<1x16xf32>
        tpu.vector_store %arg9[%parallel_loop3A_154, %parallel_loop3A_155], %parallel_loop3A_158 {strides = array<i32>} : memref<20x1001xf32, #tpu.memory_space<vmem>>, vector<1x16xf32>,
        %parallel_loop3A_159 = arith.constant 0 : i32
        %parallel_loop3A_160 = tpu.memref_slice %arg7[%parallel_loop3A_103, %parallel_loop3A_159] : memref<24x1024xf32, #tpu.memory_space<vmem>> -> memref<1x1024xf32, #tpu.memory_space<vmem>>
        %parallel_loop3A_161 = tpu.memref_squeeze %parallel_loop3A_160 : memref<1x1024xf32, #tpu.memory_space<vmem>> -> memref<1024xf32, #tpu.memory_space<vmem>>
        %parallel_loop3A_162 = arith.constant 80 : index
        %parallel_loop3A_163 = tpu.vector_load %parallel_loop3A_161[%parallel_loop3A_162] {strides = array<i32>} : memref<1024xf32, #tpu.memory_space<vmem>>, vector<16xf32>,
        %parallel_loop3A_164 = vector.shape_cast %parallel_loop3A_163 : vector<16xf32> to vector<16xf32>
        %parallel_loop3A_165 = arith.index_cast %parallel_loop3A_103 : i32 to index
        %parallel_loop3A_166 = arith.constant 80 : index
        %parallel_loop3A_167 = tpu.vector_load %arg9[%parallel_loop3A_165, %parallel_loop3A_166] {strides = array<i32>} : memref<20x1001xf32, #tpu.memory_space<vmem>>, vector<1x16xf32>,
        %parallel_loop3A_168 = vector.shape_cast %parallel_loop3A_167 : vector<1x16xf32> to vector<16xf32>
        %parallel_loop3A_169 = vector.shape_cast %parallel_loop3A_164 : vector<16xf32> to vector<1x16xf32>
        tpu.vector_store %arg9[%parallel_loop3A_165, %parallel_loop3A_166], %parallel_loop3A_169 {strides = array<i32>} : memref<20x1001xf32, #tpu.memory_space<vmem>>, vector<1x16xf32>,
        %parallel_loop3A_170 = arith.constant 0 : i32
        %parallel_loop3A_171 = tpu.memref_slice %arg7[%parallel_loop3A_103, %parallel_loop3A_170] : memref<24x1024xf32, #tpu.memory_space<vmem>> -> memref<1x1024xf32, #tpu.memory_space<vmem>>
        %parallel_loop3A_172 = tpu.memref_squeeze %parallel_loop3A_171 : memref<1x1024xf32, #tpu.memory_space<vmem>> -> memref<1024xf32, #tpu.memory_space<vmem>>
        %parallel_loop3A_173 = arith.constant 96 : index
        %parallel_loop3A_174 = tpu.vector_load %parallel_loop3A_172[%parallel_loop3A_173] {strides = array<i32>} : memref<1024xf32, #tpu.memory_space<vmem>>, vector<16xf32>,
        %parallel_loop3A_175 = vector.shape_cast %parallel_loop3A_174 : vector<16xf32> to vector<16xf32>
        %parallel_loop3A_176 = arith.index_cast %parallel_loop3A_103 : i32 to index
        %parallel_loop3A_177 = arith.constant 96 : index
        %parallel_loop3A_178 = tpu.vector_load %arg9[%parallel_loop3A_176, %parallel_loop3A_177] {strides = array<i32>} : memref<20x1001xf32, #tpu.memory_space<vmem>>, vector<1x16xf32>,
        %parallel_loop3A_179 = vector.shape_cast %parallel_loop3A_178 : vector<1x16xf32> to vector<16xf32>
        %parallel_loop3A_180 = vector.shape_cast %parallel_loop3A_175 : vector<16xf32> to vector<1x16xf32>
        tpu.vector_store %arg9[%parallel_loop3A_176, %parallel_loop3A_177], %parallel_loop3A_180 {strides = array<i32>} : memref<20x1001xf32, #tpu.memory_space<vmem>>, vector<1x16xf32>,
        %parallel_loop3A_181 = arith.constant 0 : i32
        %parallel_loop3A_182 = tpu.memref_slice %arg7[%parallel_loop3A_103, %parallel_loop3A_181] : memref<24x1024xf32, #tpu.memory_space<vmem>> -> memref<1x1024xf32, #tpu.memory_space<vmem>>
        %parallel_loop3A_183 = tpu.memref_squeeze %parallel_loop3A_182 : memref<1x1024xf32, #tpu.memory_space<vmem>> -> memref<1024xf32, #tpu.memory_space<vmem>>
        %parallel_loop3A_184 = arith.constant 112 : index
        %parallel_loop3A_185 = tpu.vector_load %parallel_loop3A_183[%parallel_loop3A_184] {strides = array<i32>} : memref<1024xf32, #tpu.memory_space<vmem>>, vector<16xf32>,
        %parallel_loop3A_186 = vector.shape_cast %parallel_loop3A_185 : vector<16xf32> to vector<16xf32>
        %parallel_loop3A_187 = arith.index_cast %parallel_loop3A_103 : i32 to index
        %parallel_loop3A_188 = arith.constant 112 : index
        %parallel_loop3A_189 = tpu.vector_load %arg9[%parallel_loop3A_187, %parallel_loop3A_188] {strides = array<i32>} : memref<20x1001xf32, #tpu.memory_space<vmem>>, vector<1x16xf32>,
        %parallel_loop3A_190 = vector.shape_cast %parallel_loop3A_189 : vector<1x16xf32> to vector<16xf32>
        %parallel_loop3A_191 = vector.shape_cast %parallel_loop3A_186 : vector<16xf32> to vector<1x16xf32>
        tpu.vector_store %arg9[%parallel_loop3A_187, %parallel_loop3A_188], %parallel_loop3A_191 {strides = array<i32>} : memref<20x1001xf32, #tpu.memory_space<vmem>>, vector<1x16xf32>,
        %parallel_loop3A_192 = arith.constant 0 : i32
        %parallel_loop3A_193 = tpu.memref_slice %arg7[%parallel_loop3A_103, %parallel_loop3A_192] : memref<24x1024xf32, #tpu.memory_space<vmem>> -> memref<1x1024xf32, #tpu.memory_space<vmem>>
        %parallel_loop3A_194 = tpu.memref_squeeze %parallel_loop3A_193 : memref<1x1024xf32, #tpu.memory_space<vmem>> -> memref<1024xf32, #tpu.memory_space<vmem>>
        %parallel_loop3A_195 = arith.constant 128 : index
        %parallel_loop3A_196 = tpu.vector_load %parallel_loop3A_194[%parallel_loop3A_195] {strides = array<i32>} : memref<1024xf32, #tpu.memory_space<vmem>>, vector<16xf32>,
        %parallel_loop3A_197 = vector.shape_cast %parallel_loop3A_196 : vector<16xf32> to vector<16xf32>
        %parallel_loop3A_198 = arith.index_cast %parallel_loop3A_103 : i32 to index
        %parallel_loop3A_199 = arith.constant 128 : index
        %parallel_loop3A_200 = tpu.vector_load %arg9[%parallel_loop3A_198, %parallel_loop3A_199] {strides = array<i32>} : memref<20x1001xf32, #tpu.memory_space<vmem>>, vector<1x16xf32>,
        %parallel_loop3A_201 = vector.shape_cast %parallel_loop3A_200 : vector<1x16xf32> to vector<16xf32>
        %parallel_loop3A_202 = vector.shape_cast %parallel_loop3A_197 : vector<16xf32> to vector<1x16xf32>
        tpu.vector_store %arg9[%parallel_loop3A_198, %parallel_loop3A_199], %parallel_loop3A_202 {strides = array<i32>} : memref<20x1001xf32, #tpu.memory_space<vmem>>, vector<1x16xf32>,
        %parallel_loop3A_203 = arith.constant 0 : i32
        %parallel_loop3A_204 = tpu.memref_slice %arg7[%parallel_loop3A_103, %parallel_loop3A_203] : memref<24x1024xf32, #tpu.memory_space<vmem>> -> memref<1x1024xf32, #tpu.memory_space<vmem>>
        %parallel_loop3A_205 = tpu.memref_squeeze %parallel_loop3A_204 : memref<1x1024xf32, #tpu.memory_space<vmem>> -> memref<1024xf32, #tpu.memory_space<vmem>>
        %parallel_loop3A_206 = arith.constant 144 : index
        %parallel_loop3A_207 = tpu.vector_load %parallel_loop3A_205[%parallel_loop3A_206] {strides = array<i32>} : memref<1024xf32, #tpu.memory_space<vmem>>, vector<16xf32>,
        %parallel_loop3A_208 = vector.shape_cast %parallel_loop3A_207 : vector<16xf32> to vector<16xf32>
        %parallel_loop3A_209 = arith.index_cast %parallel_loop3A_103 : i32 to index
        %parallel_loop3A_210 = arith.constant 144 : index
        %parallel_loop3A_211 = tpu.vector_load %arg9[%parallel_loop3A_209, %parallel_loop3A_210] {strides = array<i32>} : memref<20x1001xf32, #tpu.memory_space<vmem>>, vector<1x16xf32>,
        %parallel_loop3A_212 = vector.shape_cast %parallel_loop3A_211 : vector<1x16xf32> to vector<16xf32>
        %parallel_loop3A_213 = vector.shape_cast %parallel_loop3A_208 : vector<16xf32> to vector<1x16xf32>
        tpu.vector_store %arg9[%parallel_loop3A_209, %parallel_loop3A_210], %parallel_loop3A_213 {strides = array<i32>} : memref<20x1001xf32, #tpu.memory_space<vmem>>, vector<1x16xf32>,
        %parallel_loop3A_214 = arith.constant 0 : i32
        %parallel_loop3A_215 = tpu.memref_slice %arg7[%parallel_loop3A_103, %parallel_loop3A_214] : memref<24x1024xf32, #tpu.memory_space<vmem>> -> memref<1x1024xf32, #tpu.memory_space<vmem>>
        %parallel_loop3A_216 = tpu.memref_squeeze %parallel_loop3A_215 : memref<1x1024xf32, #tpu.memory_space<vmem>> -> memref<1024xf32, #tpu.memory_space<vmem>>
        %parallel_loop3A_217 = arith.constant 160 : index
        %parallel_loop3A_218 = tpu.vector_load %parallel_loop3A_216[%parallel_loop3A_217] {strides = array<i32>} : memref<1024xf32, #tpu.memory_space<vmem>>, vector<16xf32>,
        %parallel_loop3A_219 = vector.shape_cast %parallel_loop3A_218 : vector<16xf32> to vector<16xf32>
        %parallel_loop3A_220 = arith.index_cast %parallel_loop3A_103 : i32 to index
        %parallel_loop3A_221 = arith.constant 160 : index
        %parallel_loop3A_222 = tpu.vector_load %arg9[%parallel_loop3A_220, %parallel_loop3A_221] {strides = array<i32>} : memref<20x1001xf32, #tpu.memory_space<vmem>>, vector<1x16xf32>,
        %parallel_loop3A_223 = vector.shape_cast %parallel_loop3A_222 : vector<1x16xf32> to vector<16xf32>
        %parallel_loop3A_224 = vector.shape_cast %parallel_loop3A_219 : vector<16xf32> to vector<1x16xf32>
        tpu.vector_store %arg9[%parallel_loop3A_220, %parallel_loop3A_221], %parallel_loop3A_224 {strides = array<i32>} : memref<20x1001xf32, #tpu.memory_space<vmem>>, vector<1x16xf32>,
        %parallel_loop3A_225 = arith.constant 0 : i32
        %parallel_loop3A_226 = tpu.memref_slice %arg7[%parallel_loop3A_103, %parallel_loop3A_225] : memref<24x1024xf32, #tpu.memory_space<vmem>> -> memref<1x1024xf32, #tpu.memory_space<vmem>>
        %parallel_loop3A_227 = tpu.memref_squeeze %parallel_loop3A_226 : memref<1x1024xf32, #tpu.memory_space<vmem>> -> memref<1024xf32, #tpu.memory_space<vmem>>
        %parallel_loop3A_228 = arith.constant 176 : index
        %parallel_loop3A_229 = tpu.vector_load %parallel_loop3A_227[%parallel_loop3A_228] {strides = array<i32>} : memref<1024xf32, #tpu.memory_space<vmem>>, vector<16xf32>,
        %parallel_loop3A_230 = vector.shape_cast %parallel_loop3A_229 : vector<16xf32> to vector<16xf32>
        %parallel_loop3A_231 = arith.index_cast %parallel_loop3A_103 : i32 to index
        %parallel_loop3A_232 = arith.constant 176 : index
        %parallel_loop3A_233 = tpu.vector_load %arg9[%parallel_loop3A_231, %parallel_loop3A_232] {strides = array<i32>} : memref<20x1001xf32, #tpu.memory_space<vmem>>, vector<1x16xf32>,
        %parallel_loop3A_234 = vector.shape_cast %parallel_loop3A_233 : vector<1x16xf32> to vector<16xf32>
        %parallel_loop3A_235 = vector.shape_cast %parallel_loop3A_230 : vector<16xf32> to vector<1x16xf32>
        tpu.vector_store %arg9[%parallel_loop3A_231, %parallel_loop3A_232], %parallel_loop3A_235 {strides = array<i32>} : memref<20x1001xf32, #tpu.memory_space<vmem>>, vector<1x16xf32>,
        %parallel_loop3A_236 = arith.constant 0 : i32
        %parallel_loop3A_237 = tpu.memref_slice %arg7[%parallel_loop3A_103, %parallel_loop3A_236] : memref<24x1024xf32, #tpu.memory_space<vmem>> -> memref<1x1024xf32, #tpu.memory_space<vmem>>
        %parallel_loop3A_238 = tpu.memref_squeeze %parallel_loop3A_237 : memref<1x1024xf32, #tpu.memory_space<vmem>> -> memref<1024xf32, #tpu.memory_space<vmem>>
        %parallel_loop3A_239 = arith.constant 192 : index
        %parallel_loop3A_240 = tpu.vector_load %parallel_loop3A_238[%parallel_loop3A_239] {strides = array<i32>} : memref<1024xf32, #tpu.memory_space<vmem>>, vector<16xf32>,
        %parallel_loop3A_241 = vector.shape_cast %parallel_loop3A_240 : vector<16xf32> to vector<16xf32>
        %parallel_loop3A_242 = arith.index_cast %parallel_loop3A_103 : i32 to index
        %parallel_loop3A_243 = arith.constant 192 : index
        %parallel_loop3A_244 = tpu.vector_load %arg9[%parallel_loop3A_242, %parallel_loop3A_243] {strides = array<i32>} : memref<20x1001xf32, #tpu.memory_space<vmem>>, vector<1x16xf32>,
        %parallel_loop3A_245 = vector.shape_cast %parallel_loop3A_244 : vector<1x16xf32> to vector<16xf32>
        %parallel_loop3A_246 = vector.shape_cast %parallel_loop3A_241 : vector<16xf32> to vector<1x16xf32>
        tpu.vector_store %arg9[%parallel_loop3A_242, %parallel_loop3A_243], %parallel_loop3A_246 {strides = array<i32>} : memref<20x1001xf32, #tpu.memory_space<vmem>>, vector<1x16xf32>,
        %parallel_loop3A_247 = arith.constant 0 : i32
        %parallel_loop3A_248 = tpu.memref_slice %arg7[%parallel_loop3A_103, %parallel_loop3A_247] : memref<24x1024xf32, #tpu.memory_space<vmem>> -> memref<1x1024xf32, #tpu.memory_space<vmem>>
        %parallel_loop3A_249 = tpu.memref_squeeze %parallel_loop3A_248 : memref<1x1024xf32, #tpu.memory_space<vmem>> -> memref<1024xf32, #tpu.memory_space<vmem>>
        %parallel_loop3A_250 = arith.constant 208 : index
        %parallel_loop3A_251 = tpu.vector_load %parallel_loop3A_249[%parallel_loop3A_250] {strides = array<i32>} : memref<1024xf32, #tpu.memory_space<vmem>>, vector<16xf32>,
        %parallel_loop3A_252 = vector.shape_cast %parallel_loop3A_251 : vector<16xf32> to vector<16xf32>
        %parallel_loop3A_253 = arith.index_cast %parallel_loop3A_103 : i32 to index
        %parallel_loop3A_254 = arith.constant 208 : index
        %parallel_loop3A_255 = tpu.vector_load %arg9[%parallel_loop3A_253, %parallel_loop3A_254] {strides = array<i32>} : memref<20x1001xf32, #tpu.memory_space<vmem>>, vector<1x16xf32>,
        %parallel_loop3A_256 = vector.shape_cast %parallel_loop3A_255 : vector<1x16xf32> to vector<16xf32>
        %parallel_loop3A_257 = vector.shape_cast %parallel_loop3A_252 : vector<16xf32> to vector<1x16xf32>
        tpu.vector_store %arg9[%parallel_loop3A_253, %parallel_loop3A_254], %parallel_loop3A_257 {strides = array<i32>} : memref<20x1001xf32, #tpu.memory_space<vmem>>, vector<1x16xf32>,
        %parallel_loop3A_258 = arith.constant 0 : i32
        %parallel_loop3A_259 = tpu.memref_slice %arg7[%parallel_loop3A_103, %parallel_loop3A_258] : memref<24x1024xf32, #tpu.memory_space<vmem>> -> memref<1x1024xf32, #tpu.memory_space<vmem>>
        %parallel_loop3A_260 = tpu.memref_squeeze %parallel_loop3A_259 : memref<1x1024xf32, #tpu.memory_space<vmem>> -> memref<1024xf32, #tpu.memory_space<vmem>>
        %parallel_loop3A_261 = arith.constant 224 : index
        %parallel_loop3A_262 = tpu.vector_load %parallel_loop3A_260[%parallel_loop3A_261] {strides = array<i32>} : memref<1024xf32, #tpu.memory_space<vmem>>, vector<16xf32>,
        %parallel_loop3A_263 = vector.shape_cast %parallel_loop3A_262 : vector<16xf32> to vector<16xf32>
        %parallel_loop3A_264 = arith.index_cast %parallel_loop3A_103 : i32 to index
        %parallel_loop3A_265 = arith.constant 224 : index
        %parallel_loop3A_266 = tpu.vector_load %arg9[%parallel_loop3A_264, %parallel_loop3A_265] {strides = array<i32>} : memref<20x1001xf32, #tpu.memory_space<vmem>>, vector<1x16xf32>,
        %parallel_loop3A_267 = vector.shape_cast %parallel_loop3A_266 : vector<1x16xf32> to vector<16xf32>
        %parallel_loop3A_268 = vector.shape_cast %parallel_loop3A_263 : vector<16xf32> to vector<1x16xf32>
        tpu.vector_store %arg9[%parallel_loop3A_264, %parallel_loop3A_265], %parallel_loop3A_268 {strides = array<i32>} : memref<20x1001xf32, #tpu.memory_space<vmem>>, vector<1x16xf32>,
        %parallel_loop3A_269 = arith.constant 0 : i32
        %parallel_loop3A_270 = tpu.memref_slice %arg7[%parallel_loop3A_103, %parallel_loop3A_269] : memref<24x1024xf32, #tpu.memory_space<vmem>> -> memref<1x1024xf32, #tpu.memory_space<vmem>>
        %parallel_loop3A_271 = tpu.memref_squeeze %parallel_loop3A_270 : memref<1x1024xf32, #tpu.memory_space<vmem>> -> memref<1024xf32, #tpu.memory_space<vmem>>
        %parallel_loop3A_272 = arith.constant 240 : index
        %parallel_loop3A_273 = tpu.vector_load %parallel_loop3A_271[%parallel_loop3A_272] {strides = array<i32>} : memref<1024xf32, #tpu.memory_space<vmem>>, vector<16xf32>,
        %parallel_loop3A_274 = vector.shape_cast %parallel_loop3A_273 : vector<16xf32> to vector<16xf32>
        %parallel_loop3A_275 = arith.index_cast %parallel_loop3A_103 : i32 to index
        %parallel_loop3A_276 = arith.constant 240 : index
        %parallel_loop3A_277 = tpu.vector_load %arg9[%parallel_loop3A_275, %parallel_loop3A_276] {strides = array<i32>} : memref<20x1001xf32, #tpu.memory_space<vmem>>, vector<1x16xf32>,
        %parallel_loop3A_278 = vector.shape_cast %parallel_loop3A_277 : vector<1x16xf32> to vector<16xf32>
        %parallel_loop3A_279 = vector.shape_cast %parallel_loop3A_274 : vector<16xf32> to vector<1x16xf32>
        tpu.vector_store %arg9[%parallel_loop3A_275, %parallel_loop3A_276], %parallel_loop3A_279 {strides = array<i32>} : memref<20x1001xf32, #tpu.memory_space<vmem>>, vector<1x16xf32>,
        %parallel_loop3A_280 = arith.constant 0 : i32
        %parallel_loop3A_281 = tpu.memref_slice %arg7[%parallel_loop3A_103, %parallel_loop3A_280] : memref<24x1024xf32, #tpu.memory_space<vmem>> -> memref<1x1024xf32, #tpu.memory_space<vmem>>
        %parallel_loop3A_282 = tpu.memref_squeeze %parallel_loop3A_281 : memref<1x1024xf32, #tpu.memory_space<vmem>> -> memref<1024xf32, #tpu.memory_space<vmem>>
        %parallel_loop3A_283 = arith.constant 256 : index
        %parallel_loop3A_284 = tpu.vector_load %parallel_loop3A_282[%parallel_loop3A_283] {strides = array<i32>} : memref<1024xf32, #tpu.memory_space<vmem>>, vector<16xf32>,
        %parallel_loop3A_285 = vector.shape_cast %parallel_loop3A_284 : vector<16xf32> to vector<16xf32>
        %parallel_loop3A_286 = arith.index_cast %parallel_loop3A_103 : i32 to index
        %parallel_loop3A_287 = arith.constant 256 : index
        %parallel_loop3A_288 = tpu.vector_load %arg9[%parallel_loop3A_286, %parallel_loop3A_287] {strides = array<i32>} : memref<20x1001xf32, #tpu.memory_space<vmem>>, vector<1x16xf32>,
        %parallel_loop3A_289 = vector.shape_cast %parallel_loop3A_288 : vector<1x16xf32> to vector<16xf32>
        %parallel_loop3A_290 = vector.shape_cast %parallel_loop3A_285 : vector<16xf32> to vector<1x16xf32>
        tpu.vector_store %arg9[%parallel_loop3A_286, %parallel_loop3A_287], %parallel_loop3A_290 {strides = array<i32>} : memref<20x1001xf32, #tpu.memory_space<vmem>>, vector<1x16xf32>,
        %parallel_loop3A_291 = arith.constant 0 : i32
        %parallel_loop3A_292 = tpu.memref_slice %arg7[%parallel_loop3A_103, %parallel_loop3A_291] : memref<24x1024xf32, #tpu.memory_space<vmem>> -> memref<1x1024xf32, #tpu.memory_space<vmem>>
        %parallel_loop3A_293 = tpu.memref_squeeze %parallel_loop3A_292 : memref<1x1024xf32, #tpu.memory_space<vmem>> -> memref<1024xf32, #tpu.memory_space<vmem>>
        %parallel_loop3A_294 = arith.constant 272 : index
        %parallel_loop3A_295 = tpu.vector_load %parallel_loop3A_293[%parallel_loop3A_294] {strides = array<i32>} : memref<1024xf32, #tpu.memory_space<vmem>>, vector<16xf32>,
        %parallel_loop3A_296 = vector.shape_cast %parallel_loop3A_295 : vector<16xf32> to vector<16xf32>
        %parallel_loop3A_297 = arith.index_cast %parallel_loop3A_103 : i32 to index
        %parallel_loop3A_298 = arith.constant 272 : index
        %parallel_loop3A_299 = tpu.vector_load %arg9[%parallel_loop3A_297, %parallel_loop3A_298] {strides = array<i32>} : memref<20x1001xf32, #tpu.memory_space<vmem>>, vector<1x16xf32>,
        %parallel_loop3A_300 = vector.shape_cast %parallel_loop3A_299 : vector<1x16xf32> to vector<16xf32>
        %parallel_loop3A_301 = vector.shape_cast %parallel_loop3A_296 : vector<16xf32> to vector<1x16xf32>
        tpu.vector_store %arg9[%parallel_loop3A_297, %parallel_loop3A_298], %parallel_loop3A_301 {strides = array<i32>} : memref<20x1001xf32, #tpu.memory_space<vmem>>, vector<1x16xf32>,
        %parallel_loop3A_302 = arith.constant 0 : i32
        %parallel_loop3A_303 = tpu.memref_slice %arg7[%parallel_loop3A_103, %parallel_loop3A_302] : memref<24x1024xf32, #tpu.memory_space<vmem>> -> memref<1x1024xf32, #tpu.memory_space<vmem>>
        %parallel_loop3A_304 = tpu.memref_squeeze %parallel_loop3A_303 : memref<1x1024xf32, #tpu.memory_space<vmem>> -> memref<1024xf32, #tpu.memory_space<vmem>>
        %parallel_loop3A_305 = arith.constant 288 : index
        %parallel_loop3A_306 = tpu.vector_load %parallel_loop3A_304[%parallel_loop3A_305] {strides = array<i32>} : memref<1024xf32, #tpu.memory_space<vmem>>, vector<16xf32>,
        %parallel_loop3A_307 = vector.shape_cast %parallel_loop3A_306 : vector<16xf32> to vector<16xf32>
        %parallel_loop3A_308 = arith.index_cast %parallel_loop3A_103 : i32 to index
        %parallel_loop3A_309 = arith.constant 288 : index
        %parallel_loop3A_310 = tpu.vector_load %arg9[%parallel_loop3A_308, %parallel_loop3A_309] {strides = array<i32>} : memref<20x1001xf32, #tpu.memory_space<vmem>>, vector<1x16xf32>,
        %parallel_loop3A_311 = vector.shape_cast %parallel_loop3A_310 : vector<1x16xf32> to vector<16xf32>
        %parallel_loop3A_312 = vector.shape_cast %parallel_loop3A_307 : vector<16xf32> to vector<1x16xf32>
        tpu.vector_store %arg9[%parallel_loop3A_308, %parallel_loop3A_309], %parallel_loop3A_312 {strides = array<i32>} : memref<20x1001xf32, #tpu.memory_space<vmem>>, vector<1x16xf32>,
        %parallel_loop3A_313 = arith.constant 0 : i32
        %parallel_loop3A_314 = tpu.memref_slice %arg7[%parallel_loop3A_103, %parallel_loop3A_313] : memref<24x1024xf32, #tpu.memory_space<vmem>> -> memref<1x1024xf32, #tpu.memory_space<vmem>>
        %parallel_loop3A_315 = tpu.memref_squeeze %parallel_loop3A_314 : memref<1x1024xf32, #tpu.memory_space<vmem>> -> memref<1024xf32, #tpu.memory_space<vmem>>
        %parallel_loop3A_316 = arith.constant 304 : index
        %parallel_loop3A_317 = tpu.vector_load %parallel_loop3A_315[%parallel_loop3A_316] {strides = array<i32>} : memref<1024xf32, #tpu.memory_space<vmem>>, vector<16xf32>,
        %parallel_loop3A_318 = vector.shape_cast %parallel_loop3A_317 : vector<16xf32> to vector<16xf32>
        %parallel_loop3A_319 = arith.index_cast %parallel_loop3A_103 : i32 to index
        %parallel_loop3A_320 = arith.constant 304 : index
        %parallel_loop3A_321 = tpu.vector_load %arg9[%parallel_loop3A_319, %parallel_loop3A_320] {strides = array<i32>} : memref<20x1001xf32, #tpu.memory_space<vmem>>, vector<1x16xf32>,
        %parallel_loop3A_322 = vector.shape_cast %parallel_loop3A_321 : vector<1x16xf32> to vector<16xf32>
        %parallel_loop3A_323 = vector.shape_cast %parallel_loop3A_318 : vector<16xf32> to vector<1x16xf32>
        tpu.vector_store %arg9[%parallel_loop3A_319, %parallel_loop3A_320], %parallel_loop3A_323 {strides = array<i32>} : memref<20x1001xf32, #tpu.memory_space<vmem>>, vector<1x16xf32>,
        %parallel_loop3A_324 = arith.constant 0 : i32
        %parallel_loop3A_325 = tpu.memref_slice %arg7[%parallel_loop3A_103, %parallel_loop3A_324] : memref<24x1024xf32, #tpu.memory_space<vmem>> -> memref<1x1024xf32, #tpu.memory_space<vmem>>
        %parallel_loop3A_326 = tpu.memref_squeeze %parallel_loop3A_325 : memref<1x1024xf32, #tpu.memory_space<vmem>> -> memref<1024xf32, #tpu.memory_space<vmem>>
        %parallel_loop3A_327 = arith.constant 320 : index
        %parallel_loop3A_328 = tpu.vector_load %parallel_loop3A_326[%parallel_loop3A_327] {strides = array<i32>} : memref<1024xf32, #tpu.memory_space<vmem>>, vector<16xf32>,
        %parallel_loop3A_329 = vector.shape_cast %parallel_loop3A_328 : vector<16xf32> to vector<16xf32>
        %parallel_loop3A_330 = arith.index_cast %parallel_loop3A_103 : i32 to index
        %parallel_loop3A_331 = arith.constant 320 : index
        %parallel_loop3A_332 = tpu.vector_load %arg9[%parallel_loop3A_330, %parallel_loop3A_331] {strides = array<i32>} : memref<20x1001xf32, #tpu.memory_space<vmem>>, vector<1x16xf32>,
        %parallel_loop3A_333 = vector.shape_cast %parallel_loop3A_332 : vector<1x16xf32> to vector<16xf32>
        %parallel_loop3A_334 = vector.shape_cast %parallel_loop3A_329 : vector<16xf32> to vector<1x16xf32>
        tpu.vector_store %arg9[%parallel_loop3A_330, %parallel_loop3A_331], %parallel_loop3A_334 {strides = array<i32>} : memref<20x1001xf32, #tpu.memory_space<vmem>>, vector<1x16xf32>,
        %parallel_loop3A_335 = arith.constant 0 : i32
        %parallel_loop3A_336 = tpu.memref_slice %arg7[%parallel_loop3A_103, %parallel_loop3A_335] : memref<24x1024xf32, #tpu.memory_space<vmem>> -> memref<1x1024xf32, #tpu.memory_space<vmem>>
        %parallel_loop3A_337 = tpu.memref_squeeze %parallel_loop3A_336 : memref<1x1024xf32, #tpu.memory_space<vmem>> -> memref<1024xf32, #tpu.memory_space<vmem>>
        %parallel_loop3A_338 = arith.constant 336 : index
        %parallel_loop3A_339 = tpu.vector_load %parallel_loop3A_337[%parallel_loop3A_338] {strides = array<i32>} : memref<1024xf32, #tpu.memory_space<vmem>>, vector<16xf32>,
        %parallel_loop3A_340 = vector.shape_cast %parallel_loop3A_339 : vector<16xf32> to vector<16xf32>
        %parallel_loop3A_341 = arith.index_cast %parallel_loop3A_103 : i32 to index
        %parallel_loop3A_342 = arith.constant 336 : index
        %parallel_loop3A_343 = tpu.vector_load %arg9[%parallel_loop3A_341, %parallel_loop3A_342] {strides = array<i32>} : memref<20x1001xf32, #tpu.memory_space<vmem>>, vector<1x16xf32>,
        %parallel_loop3A_344 = vector.shape_cast %parallel_loop3A_343 : vector<1x16xf32> to vector<16xf32>
        %parallel_loop3A_345 = vector.shape_cast %parallel_loop3A_340 : vector<16xf32> to vector<1x16xf32>
        tpu.vector_store %arg9[%parallel_loop3A_341, %parallel_loop3A_342], %parallel_loop3A_345 {strides = array<i32>} : memref<20x1001xf32, #tpu.memory_space<vmem>>, vector<1x16xf32>,
        %parallel_loop3A_346 = arith.constant 0 : i32
        %parallel_loop3A_347 = tpu.memref_slice %arg7[%parallel_loop3A_103, %parallel_loop3A_346] : memref<24x1024xf32, #tpu.memory_space<vmem>> -> memref<1x1024xf32, #tpu.memory_space<vmem>>
        %parallel_loop3A_348 = tpu.memref_squeeze %parallel_loop3A_347 : memref<1x1024xf32, #tpu.memory_space<vmem>> -> memref<1024xf32, #tpu.memory_space<vmem>>
        %parallel_loop3A_349 = arith.constant 352 : index
        %parallel_loop3A_350 = tpu.vector_load %parallel_loop3A_348[%parallel_loop3A_349] {strides = array<i32>} : memref<1024xf32, #tpu.memory_space<vmem>>, vector<16xf32>,
        %parallel_loop3A_351 = vector.shape_cast %parallel_loop3A_350 : vector<16xf32> to vector<16xf32>
        %parallel_loop3A_352 = arith.index_cast %parallel_loop3A_103 : i32 to index
        %parallel_loop3A_353 = arith.constant 352 : index
        %parallel_loop3A_354 = tpu.vector_load %arg9[%parallel_loop3A_352, %parallel_loop3A_353] {strides = array<i32>} : memref<20x1001xf32, #tpu.memory_space<vmem>>, vector<1x16xf32>,
        %parallel_loop3A_355 = vector.shape_cast %parallel_loop3A_354 : vector<1x16xf32> to vector<16xf32>
        %parallel_loop3A_356 = vector.shape_cast %parallel_loop3A_351 : vector<16xf32> to vector<1x16xf32>
        tpu.vector_store %arg9[%parallel_loop3A_352, %parallel_loop3A_353], %parallel_loop3A_356 {strides = array<i32>} : memref<20x1001xf32, #tpu.memory_space<vmem>>, vector<1x16xf32>,
        %parallel_loop3A_357 = arith.constant 0 : i32
        %parallel_loop3A_358 = tpu.memref_slice %arg7[%parallel_loop3A_103, %parallel_loop3A_357] : memref<24x1024xf32, #tpu.memory_space<vmem>> -> memref<1x1024xf32, #tpu.memory_space<vmem>>
        %parallel_loop3A_359 = tpu.memref_squeeze %parallel_loop3A_358 : memref<1x1024xf32, #tpu.memory_space<vmem>> -> memref<1024xf32, #tpu.memory_space<vmem>>
        %parallel_loop3A_360 = arith.constant 368 : index
        %parallel_loop3A_361 = tpu.vector_load %parallel_loop3A_359[%parallel_loop3A_360] {strides = array<i32>} : memref<1024xf32, #tpu.memory_space<vmem>>, vector<16xf32>,
        %parallel_loop3A_362 = vector.shape_cast %parallel_loop3A_361 : vector<16xf32> to vector<16xf32>
        %parallel_loop3A_363 = arith.index_cast %parallel_loop3A_103 : i32 to index
        %parallel_loop3A_364 = arith.constant 368 : index
        %parallel_loop3A_365 = tpu.vector_load %arg9[%parallel_loop3A_363, %parallel_loop3A_364] {strides = array<i32>} : memref<20x1001xf32, #tpu.memory_space<vmem>>, vector<1x16xf32>,
        %parallel_loop3A_366 = vector.shape_cast %parallel_loop3A_365 : vector<1x16xf32> to vector<16xf32>
        %parallel_loop3A_367 = vector.shape_cast %parallel_loop3A_362 : vector<16xf32> to vector<1x16xf32>
        tpu.vector_store %arg9[%parallel_loop3A_363, %parallel_loop3A_364], %parallel_loop3A_367 {strides = array<i32>} : memref<20x1001xf32, #tpu.memory_space<vmem>>, vector<1x16xf32>,
        %parallel_loop3A_368 = arith.constant 0 : i32
        %parallel_loop3A_369 = tpu.memref_slice %arg7[%parallel_loop3A_103, %parallel_loop3A_368] : memref<24x1024xf32, #tpu.memory_space<vmem>> -> memref<1x1024xf32, #tpu.memory_space<vmem>>
        %parallel_loop3A_370 = tpu.memref_squeeze %parallel_loop3A_369 : memref<1x1024xf32, #tpu.memory_space<vmem>> -> memref<1024xf32, #tpu.memory_space<vmem>>
        %parallel_loop3A_371 = arith.constant 384 : index
        %parallel_loop3A_372 = tpu.vector_load %parallel_loop3A_370[%parallel_loop3A_371] {strides = array<i32>} : memref<1024xf32, #tpu.memory_space<vmem>>, vector<16xf32>,
        %parallel_loop3A_373 = vector.shape_cast %parallel_loop3A_372 : vector<16xf32> to vector<16xf32>
        %parallel_loop3A_374 = arith.index_cast %parallel_loop3A_103 : i32 to index
        %parallel_loop3A_375 = arith.constant 384 : index
        %parallel_loop3A_376 = tpu.vector_load %arg9[%parallel_loop3A_374, %parallel_loop3A_375] {strides = array<i32>} : memref<20x1001xf32, #tpu.memory_space<vmem>>, vector<1x16xf32>,
        %parallel_loop3A_377 = vector.shape_cast %parallel_loop3A_376 : vector<1x16xf32> to vector<16xf32>
        %parallel_loop3A_378 = vector.shape_cast %parallel_loop3A_373 : vector<16xf32> to vector<1x16xf32>
        tpu.vector_store %arg9[%parallel_loop3A_374, %parallel_loop3A_375], %parallel_loop3A_378 {strides = array<i32>} : memref<20x1001xf32, #tpu.memory_space<vmem>>, vector<1x16xf32>,
        %parallel_loop3A_379 = arith.constant 0 : i32
        %parallel_loop3A_380 = tpu.memref_slice %arg7[%parallel_loop3A_103, %parallel_loop3A_379] : memref<24x1024xf32, #tpu.memory_space<vmem>> -> memref<1x1024xf32, #tpu.memory_space<vmem>>
        %parallel_loop3A_381 = tpu.memref_squeeze %parallel_loop3A_380 : memref<1x1024xf32, #tpu.memory_space<vmem>> -> memref<1024xf32, #tpu.memory_space<vmem>>
        %parallel_loop3A_382 = arith.constant 400 : index
        %parallel_loop3A_383 = tpu.vector_load %parallel_loop3A_381[%parallel_loop3A_382] {strides = array<i32>} : memref<1024xf32, #tpu.memory_space<vmem>>, vector<16xf32>,
        %parallel_loop3A_384 = vector.shape_cast %parallel_loop3A_383 : vector<16xf32> to vector<16xf32>
        %parallel_loop3A_385 = arith.index_cast %parallel_loop3A_103 : i32 to index
        %parallel_loop3A_386 = arith.constant 400 : index
        %parallel_loop3A_387 = tpu.vector_load %arg9[%parallel_loop3A_385, %parallel_loop3A_386] {strides = array<i32>} : memref<20x1001xf32, #tpu.memory_space<vmem>>, vector<1x16xf32>,
        %parallel_loop3A_388 = vector.shape_cast %parallel_loop3A_387 : vector<1x16xf32> to vector<16xf32>
        %parallel_loop3A_389 = vector.shape_cast %parallel_loop3A_384 : vector<16xf32> to vector<1x16xf32>
        tpu.vector_store %arg9[%parallel_loop3A_385, %parallel_loop3A_386], %parallel_loop3A_389 {strides = array<i32>} : memref<20x1001xf32, #tpu.memory_space<vmem>>, vector<1x16xf32>,
        %parallel_loop3A_390 = arith.constant 0 : i32
        %parallel_loop3A_391 = tpu.memref_slice %arg7[%parallel_loop3A_103, %parallel_loop3A_390] : memref<24x1024xf32, #tpu.memory_space<vmem>> -> memref<1x1024xf32, #tpu.memory_space<vmem>>
        %parallel_loop3A_392 = tpu.memref_squeeze %parallel_loop3A_391 : memref<1x1024xf32, #tpu.memory_space<vmem>> -> memref<1024xf32, #tpu.memory_space<vmem>>
        %parallel_loop3A_393 = arith.constant 416 : index
        %parallel_loop3A_394 = tpu.vector_load %parallel_loop3A_392[%parallel_loop3A_393] {strides = array<i32>} : memref<1024xf32, #tpu.memory_space<vmem>>, vector<16xf32>,
        %parallel_loop3A_395 = vector.shape_cast %parallel_loop3A_394 : vector<16xf32> to vector<16xf32>
        %parallel_loop3A_396 = arith.index_cast %parallel_loop3A_103 : i32 to index
        %parallel_loop3A_397 = arith.constant 416 : index
        %parallel_loop3A_398 = tpu.vector_load %arg9[%parallel_loop3A_396, %parallel_loop3A_397] {strides = array<i32>} : memref<20x1001xf32, #tpu.memory_space<vmem>>, vector<1x16xf32>,
        %parallel_loop3A_399 = vector.shape_cast %parallel_loop3A_398 : vector<1x16xf32> to vector<16xf32>
        %parallel_loop3A_400 = vector.shape_cast %parallel_loop3A_395 : vector<16xf32> to vector<1x16xf32>
        tpu.vector_store %arg9[%parallel_loop3A_396, %parallel_loop3A_397], %parallel_loop3A_400 {strides = array<i32>} : memref<20x1001xf32, #tpu.memory_space<vmem>>, vector<1x16xf32>,
        %parallel_loop3A_401 = arith.constant 0 : i32
        %parallel_loop3A_402 = tpu.memref_slice %arg7[%parallel_loop3A_103, %parallel_loop3A_401] : memref<24x1024xf32, #tpu.memory_space<vmem>> -> memref<1x1024xf32, #tpu.memory_space<vmem>>
        %parallel_loop3A_403 = tpu.memref_squeeze %parallel_loop3A_402 : memref<1x1024xf32, #tpu.memory_space<vmem>> -> memref<1024xf32, #tpu.memory_space<vmem>>
        %parallel_loop3A_404 = arith.constant 432 : index
        %parallel_loop3A_405 = tpu.vector_load %parallel_loop3A_403[%parallel_loop3A_404] {strides = array<i32>} : memref<1024xf32, #tpu.memory_space<vmem>>, vector<16xf32>,
        %parallel_loop3A_406 = vector.shape_cast %parallel_loop3A_405 : vector<16xf32> to vector<16xf32>
        %parallel_loop3A_407 = arith.index_cast %parallel_loop3A_103 : i32 to index
        %parallel_loop3A_408 = arith.constant 432 : index
        %parallel_loop3A_409 = tpu.vector_load %arg9[%parallel_loop3A_407, %parallel_loop3A_408] {strides = array<i32>} : memref<20x1001xf32, #tpu.memory_space<vmem>>, vector<1x16xf32>,
        %parallel_loop3A_410 = vector.shape_cast %parallel_loop3A_409 : vector<1x16xf32> to vector<16xf32>
        %parallel_loop3A_411 = vector.shape_cast %parallel_loop3A_406 : vector<16xf32> to vector<1x16xf32>
        tpu.vector_store %arg9[%parallel_loop3A_407, %parallel_loop3A_408], %parallel_loop3A_411 {strides = array<i32>} : memref<20x1001xf32, #tpu.memory_space<vmem>>, vector<1x16xf32>,
        %parallel_loop3A_412 = arith.constant 0 : i32
        %parallel_loop3A_413 = tpu.memref_slice %arg7[%parallel_loop3A_103, %parallel_loop3A_412] : memref<24x1024xf32, #tpu.memory_space<vmem>> -> memref<1x1024xf32, #tpu.memory_space<vmem>>
        %parallel_loop3A_414 = tpu.memref_squeeze %parallel_loop3A_413 : memref<1x1024xf32, #tpu.memory_space<vmem>> -> memref<1024xf32, #tpu.memory_space<vmem>>
        %parallel_loop3A_415 = arith.constant 448 : index
        %parallel_loop3A_416 = tpu.vector_load %parallel_loop3A_414[%parallel_loop3A_415] {strides = array<i32>} : memref<1024xf32, #tpu.memory_space<vmem>>, vector<16xf32>,
        %parallel_loop3A_417 = vector.shape_cast %parallel_loop3A_416 : vector<16xf32> to vector<16xf32>
        %parallel_loop3A_418 = arith.index_cast %parallel_loop3A_103 : i32 to index
        %parallel_loop3A_419 = arith.constant 448 : index
        %parallel_loop3A_420 = tpu.vector_load %arg9[%parallel_loop3A_418, %parallel_loop3A_419] {strides = array<i32>} : memref<20x1001xf32, #tpu.memory_space<vmem>>, vector<1x16xf32>,
        %parallel_loop3A_421 = vector.shape_cast %parallel_loop3A_420 : vector<1x16xf32> to vector<16xf32>
        %parallel_loop3A_422 = vector.shape_cast %parallel_loop3A_417 : vector<16xf32> to vector<1x16xf32>
        tpu.vector_store %arg9[%parallel_loop3A_418, %parallel_loop3A_419], %parallel_loop3A_422 {strides = array<i32>} : memref<20x1001xf32, #tpu.memory_space<vmem>>, vector<1x16xf32>,
        %parallel_loop3A_423 = arith.constant 0 : i32
        %parallel_loop3A_424 = tpu.memref_slice %arg7[%parallel_loop3A_103, %parallel_loop3A_423] : memref<24x1024xf32, #tpu.memory_space<vmem>> -> memref<1x1024xf32, #tpu.memory_space<vmem>>
        %parallel_loop3A_425 = tpu.memref_squeeze %parallel_loop3A_424 : memref<1x1024xf32, #tpu.memory_space<vmem>> -> memref<1024xf32, #tpu.memory_space<vmem>>
        %parallel_loop3A_426 = arith.constant 464 : index
        %parallel_loop3A_427 = tpu.vector_load %parallel_loop3A_425[%parallel_loop3A_426] {strides = array<i32>} : memref<1024xf32, #tpu.memory_space<vmem>>, vector<16xf32>,
        %parallel_loop3A_428 = vector.shape_cast %parallel_loop3A_427 : vector<16xf32> to vector<16xf32>
        %parallel_loop3A_429 = arith.index_cast %parallel_loop3A_103 : i32 to index
        %parallel_loop3A_430 = arith.constant 464 : index
        %parallel_loop3A_431 = tpu.vector_load %arg9[%parallel_loop3A_429, %parallel_loop3A_430] {strides = array<i32>} : memref<20x1001xf32, #tpu.memory_space<vmem>>, vector<1x16xf32>,
        %parallel_loop3A_432 = vector.shape_cast %parallel_loop3A_431 : vector<1x16xf32> to vector<16xf32>
        %parallel_loop3A_433 = vector.shape_cast %parallel_loop3A_428 : vector<16xf32> to vector<1x16xf32>
        tpu.vector_store %arg9[%parallel_loop3A_429, %parallel_loop3A_430], %parallel_loop3A_433 {strides = array<i32>} : memref<20x1001xf32, #tpu.memory_space<vmem>>, vector<1x16xf32>,
        %parallel_loop3A_434 = arith.constant 0 : i32
        %parallel_loop3A_435 = tpu.memref_slice %arg7[%parallel_loop3A_103, %parallel_loop3A_434] : memref<24x1024xf32, #tpu.memory_space<vmem>> -> memref<1x1024xf32, #tpu.memory_space<vmem>>
        %parallel_loop3A_436 = tpu.memref_squeeze %parallel_loop3A_435 : memref<1x1024xf32, #tpu.memory_space<vmem>> -> memref<1024xf32, #tpu.memory_space<vmem>>
        %parallel_loop3A_437 = arith.constant 480 : index
        %parallel_loop3A_438 = tpu.vector_load %parallel_loop3A_436[%parallel_loop3A_437] {strides = array<i32>} : memref<1024xf32, #tpu.memory_space<vmem>>, vector<16xf32>,
        %parallel_loop3A_439 = vector.shape_cast %parallel_loop3A_438 : vector<16xf32> to vector<16xf32>
        %parallel_loop3A_440 = arith.index_cast %parallel_loop3A_103 : i32 to index
        %parallel_loop3A_441 = arith.constant 480 : index
        %parallel_loop3A_442 = tpu.vector_load %arg9[%parallel_loop3A_440, %parallel_loop3A_441] {strides = array<i32>} : memref<20x1001xf32, #tpu.memory_space<vmem>>, vector<1x16xf32>,
        %parallel_loop3A_443 = vector.shape_cast %parallel_loop3A_442 : vector<1x16xf32> to vector<16xf32>
        %parallel_loop3A_444 = vector.shape_cast %parallel_loop3A_439 : vector<16xf32> to vector<1x16xf32>
        tpu.vector_store %arg9[%parallel_loop3A_440, %parallel_loop3A_441], %parallel_loop3A_444 {strides = array<i32>} : memref<20x1001xf32, #tpu.memory_space<vmem>>, vector<1x16xf32>,
        %parallel_loop3A_445 = arith.constant 0 : i32
        %parallel_loop3A_446 = tpu.memref_slice %arg7[%parallel_loop3A_103, %parallel_loop3A_445] : memref<24x1024xf32, #tpu.memory_space<vmem>> -> memref<1x1024xf32, #tpu.memory_space<vmem>>
        %parallel_loop3A_447 = tpu.memref_squeeze %parallel_loop3A_446 : memref<1x1024xf32, #tpu.memory_space<vmem>> -> memref<1024xf32, #tpu.memory_space<vmem>>
        %parallel_loop3A_448 = arith.constant 496 : index
        %parallel_loop3A_449 = tpu.vector_load %parallel_loop3A_447[%parallel_loop3A_448] {strides = array<i32>} : memref<1024xf32, #tpu.memory_space<vmem>>, vector<16xf32>,
        %parallel_loop3A_450 = vector.shape_cast %parallel_loop3A_449 : vector<16xf32> to vector<16xf32>
        %parallel_loop3A_451 = arith.index_cast %parallel_loop3A_103 : i32 to index
        %parallel_loop3A_452 = arith.constant 496 : index
        %parallel_loop3A_453 = tpu.vector_load %arg9[%parallel_loop3A_451, %parallel_loop3A_452] {strides = array<i32>} : memref<20x1001xf32, #tpu.memory_space<vmem>>, vector<1x16xf32>,
        %parallel_loop3A_454 = vector.shape_cast %parallel_loop3A_453 : vector<1x16xf32> to vector<16xf32>
        %parallel_loop3A_455 = vector.shape_cast %parallel_loop3A_450 : vector<16xf32> to vector<1x16xf32>
        tpu.vector_store %arg9[%parallel_loop3A_451, %parallel_loop3A_452], %parallel_loop3A_455 {strides = array<i32>} : memref<20x1001xf32, #tpu.memory_space<vmem>>, vector<1x16xf32>,
        %parallel_loop3A_456 = arith.constant 0 : i32
        %parallel_loop3A_457 = tpu.memref_slice %arg7[%parallel_loop3A_103, %parallel_loop3A_456] : memref<24x1024xf32, #tpu.memory_space<vmem>> -> memref<1x1024xf32, #tpu.memory_space<vmem>>
        %parallel_loop3A_458 = tpu.memref_squeeze %parallel_loop3A_457 : memref<1x1024xf32, #tpu.memory_space<vmem>> -> memref<1024xf32, #tpu.memory_space<vmem>>
        %parallel_loop3A_459 = arith.constant 512 : index
        %parallel_loop3A_460 = tpu.vector_load %parallel_loop3A_458[%parallel_loop3A_459] {strides = array<i32>} : memref<1024xf32, #tpu.memory_space<vmem>>, vector<16xf32>,
        %parallel_loop3A_461 = vector.shape_cast %parallel_loop3A_460 : vector<16xf32> to vector<16xf32>
        %parallel_loop3A_462 = arith.index_cast %parallel_loop3A_103 : i32 to index
        %parallel_loop3A_463 = arith.constant 512 : index
        %parallel_loop3A_464 = tpu.vector_load %arg9[%parallel_loop3A_462, %parallel_loop3A_463] {strides = array<i32>} : memref<20x1001xf32, #tpu.memory_space<vmem>>, vector<1x16xf32>,
        %parallel_loop3A_465 = vector.shape_cast %parallel_loop3A_464 : vector<1x16xf32> to vector<16xf32>
        %parallel_loop3A_466 = vector.shape_cast %parallel_loop3A_461 : vector<16xf32> to vector<1x16xf32>
        tpu.vector_store %arg9[%parallel_loop3A_462, %parallel_loop3A_463], %parallel_loop3A_466 {strides = array<i32>} : memref<20x1001xf32, #tpu.memory_space<vmem>>, vector<1x16xf32>,
        %parallel_loop3A_467 = arith.constant 0 : i32
        %parallel_loop3A_468 = tpu.memref_slice %arg7[%parallel_loop3A_103, %parallel_loop3A_467] : memref<24x1024xf32, #tpu.memory_space<vmem>> -> memref<1x1024xf32, #tpu.memory_space<vmem>>
        %parallel_loop3A_469 = tpu.memref_squeeze %parallel_loop3A_468 : memref<1x1024xf32, #tpu.memory_space<vmem>> -> memref<1024xf32, #tpu.memory_space<vmem>>
        %parallel_loop3A_470 = arith.constant 528 : index
        %parallel_loop3A_471 = tpu.vector_load %parallel_loop3A_469[%parallel_loop3A_470] {strides = array<i32>} : memref<1024xf32, #tpu.memory_space<vmem>>, vector<16xf32>,
        %parallel_loop3A_472 = vector.shape_cast %parallel_loop3A_471 : vector<16xf32> to vector<16xf32>
        %parallel_loop3A_473 = arith.index_cast %parallel_loop3A_103 : i32 to index
        %parallel_loop3A_474 = arith.constant 528 : index
        %parallel_loop3A_475 = tpu.vector_load %arg9[%parallel_loop3A_473, %parallel_loop3A_474] {strides = array<i32>} : memref<20x1001xf32, #tpu.memory_space<vmem>>, vector<1x16xf32>,
        %parallel_loop3A_476 = vector.shape_cast %parallel_loop3A_475 : vector<1x16xf32> to vector<16xf32>
        %parallel_loop3A_477 = vector.shape_cast %parallel_loop3A_472 : vector<16xf32> to vector<1x16xf32>
        tpu.vector_store %arg9[%parallel_loop3A_473, %parallel_loop3A_474], %parallel_loop3A_477 {strides = array<i32>} : memref<20x1001xf32, #tpu.memory_space<vmem>>, vector<1x16xf32>,
        %parallel_loop3A_478 = arith.constant 0 : i32
        %parallel_loop3A_479 = tpu.memref_slice %arg7[%parallel_loop3A_103, %parallel_loop3A_478] : memref<24x1024xf32, #tpu.memory_space<vmem>> -> memref<1x1024xf32, #tpu.memory_space<vmem>>
        %parallel_loop3A_480 = tpu.memref_squeeze %parallel_loop3A_479 : memref<1x1024xf32, #tpu.memory_space<vmem>> -> memref<1024xf32, #tpu.memory_space<vmem>>
        %parallel_loop3A_481 = arith.constant 544 : index
        %parallel_loop3A_482 = tpu.vector_load %parallel_loop3A_480[%parallel_loop3A_481] {strides = array<i32>} : memref<1024xf32, #tpu.memory_space<vmem>>, vector<16xf32>,
        %parallel_loop3A_483 = vector.shape_cast %parallel_loop3A_482 : vector<16xf32> to vector<16xf32>
        %parallel_loop3A_484 = arith.index_cast %parallel_loop3A_103 : i32 to index
        %parallel_loop3A_485 = arith.constant 544 : index
        %parallel_loop3A_486 = tpu.vector_load %arg9[%parallel_loop3A_484, %parallel_loop3A_485] {strides = array<i32>} : memref<20x1001xf32, #tpu.memory_space<vmem>>, vector<1x16xf32>,
        %parallel_loop3A_487 = vector.shape_cast %parallel_loop3A_486 : vector<1x16xf32> to vector<16xf32>
        %parallel_loop3A_488 = vector.shape_cast %parallel_loop3A_483 : vector<16xf32> to vector<1x16xf32>
        tpu.vector_store %arg9[%parallel_loop3A_484, %parallel_loop3A_485], %parallel_loop3A_488 {strides = array<i32>} : memref<20x1001xf32, #tpu.memory_space<vmem>>, vector<1x16xf32>,
        %parallel_loop3A_489 = arith.constant 0 : i32
        %parallel_loop3A_490 = tpu.memref_slice %arg7[%parallel_loop3A_103, %parallel_loop3A_489] : memref<24x1024xf32, #tpu.memory_space<vmem>> -> memref<1x1024xf32, #tpu.memory_space<vmem>>
        %parallel_loop3A_491 = tpu.memref_squeeze %parallel_loop3A_490 : memref<1x1024xf32, #tpu.memory_space<vmem>> -> memref<1024xf32, #tpu.memory_space<vmem>>
        %parallel_loop3A_492 = arith.constant 560 : index
        %parallel_loop3A_493 = tpu.vector_load %parallel_loop3A_491[%parallel_loop3A_492] {strides = array<i32>} : memref<1024xf32, #tpu.memory_space<vmem>>, vector<16xf32>,
        %parallel_loop3A_494 = vector.shape_cast %parallel_loop3A_493 : vector<16xf32> to vector<16xf32>
        %parallel_loop3A_495 = arith.index_cast %parallel_loop3A_103 : i32 to index
        %parallel_loop3A_496 = arith.constant 560 : index
        %parallel_loop3A_497 = tpu.vector_load %arg9[%parallel_loop3A_495, %parallel_loop3A_496] {strides = array<i32>} : memref<20x1001xf32, #tpu.memory_space<vmem>>, vector<1x16xf32>,
        %parallel_loop3A_498 = vector.shape_cast %parallel_loop3A_497 : vector<1x16xf32> to vector<16xf32>
        %parallel_loop3A_499 = vector.shape_cast %parallel_loop3A_494 : vector<16xf32> to vector<1x16xf32>
        tpu.vector_store %arg9[%parallel_loop3A_495, %parallel_loop3A_496], %parallel_loop3A_499 {strides = array<i32>} : memref<20x1001xf32, #tpu.memory_space<vmem>>, vector<1x16xf32>,
        %parallel_loop3A_500 = arith.constant 0 : i32
        %parallel_loop3A_501 = tpu.memref_slice %arg7[%parallel_loop3A_103, %parallel_loop3A_500] : memref<24x1024xf32, #tpu.memory_space<vmem>> -> memref<1x1024xf32, #tpu.memory_space<vmem>>
        %parallel_loop3A_502 = tpu.memref_squeeze %parallel_loop3A_501 : memref<1x1024xf32, #tpu.memory_space<vmem>> -> memref<1024xf32, #tpu.memory_space<vmem>>
        %parallel_loop3A_503 = arith.constant 576 : index
        %parallel_loop3A_504 = tpu.vector_load %parallel_loop3A_502[%parallel_loop3A_503] {strides = array<i32>} : memref<1024xf32, #tpu.memory_space<vmem>>, vector<16xf32>,
        %parallel_loop3A_505 = vector.shape_cast %parallel_loop3A_504 : vector<16xf32> to vector<16xf32>
        %parallel_loop3A_506 = arith.index_cast %parallel_loop3A_103 : i32 to index
        %parallel_loop3A_507 = arith.constant 576 : index
        %parallel_loop3A_508 = tpu.vector_load %arg9[%parallel_loop3A_506, %parallel_loop3A_507] {strides = array<i32>} : memref<20x1001xf32, #tpu.memory_space<vmem>>, vector<1x16xf32>,
        %parallel_loop3A_509 = vector.shape_cast %parallel_loop3A_508 : vector<1x16xf32> to vector<16xf32>
        %parallel_loop3A_510 = vector.shape_cast %parallel_loop3A_505 : vector<16xf32> to vector<1x16xf32>
        tpu.vector_store %arg9[%parallel_loop3A_506, %parallel_loop3A_507], %parallel_loop3A_510 {strides = array<i32>} : memref<20x1001xf32, #tpu.memory_space<vmem>>, vector<1x16xf32>,
        %parallel_loop3A_511 = arith.constant 0 : i32
        %parallel_loop3A_512 = tpu.memref_slice %arg7[%parallel_loop3A_103, %parallel_loop3A_511] : memref<24x1024xf32, #tpu.memory_space<vmem>> -> memref<1x1024xf32, #tpu.memory_space<vmem>>
        %parallel_loop3A_513 = tpu.memref_squeeze %parallel_loop3A_512 : memref<1x1024xf32, #tpu.memory_space<vmem>> -> memref<1024xf32, #tpu.memory_space<vmem>>
        %parallel_loop3A_514 = arith.constant 592 : index
        %parallel_loop3A_515 = tpu.vector_load %parallel_loop3A_513[%parallel_loop3A_514] {strides = array<i32>} : memref<1024xf32, #tpu.memory_space<vmem>>, vector<16xf32>,
        %parallel_loop3A_516 = vector.shape_cast %parallel_loop3A_515 : vector<16xf32> to vector<16xf32>
        %parallel_loop3A_517 = arith.index_cast %parallel_loop3A_103 : i32 to index
        %parallel_loop3A_518 = arith.constant 592 : index
        %parallel_loop3A_519 = tpu.vector_load %arg9[%parallel_loop3A_517, %parallel_loop3A_518] {strides = array<i32>} : memref<20x1001xf32, #tpu.memory_space<vmem>>, vector<1x16xf32>,
        %parallel_loop3A_520 = vector.shape_cast %parallel_loop3A_519 : vector<1x16xf32> to vector<16xf32>
        %parallel_loop3A_521 = vector.shape_cast %parallel_loop3A_516 : vector<16xf32> to vector<1x16xf32>
        tpu.vector_store %arg9[%parallel_loop3A_517, %parallel_loop3A_518], %parallel_loop3A_521 {strides = array<i32>} : memref<20x1001xf32, #tpu.memory_space<vmem>>, vector<1x16xf32>,
        %parallel_loop3A_522 = arith.constant 0 : i32
        %parallel_loop3A_523 = tpu.memref_slice %arg7[%parallel_loop3A_103, %parallel_loop3A_522] : memref<24x1024xf32, #tpu.memory_space<vmem>> -> memref<1x1024xf32, #tpu.memory_space<vmem>>
        %parallel_loop3A_524 = tpu.memref_squeeze %parallel_loop3A_523 : memref<1x1024xf32, #tpu.memory_space<vmem>> -> memref<1024xf32, #tpu.memory_space<vmem>>
        %parallel_loop3A_525 = arith.constant 608 : index
        %parallel_loop3A_526 = tpu.vector_load %parallel_loop3A_524[%parallel_loop3A_525] {strides = array<i32>} : memref<1024xf32, #tpu.memory_space<vmem>>, vector<16xf32>,
        %parallel_loop3A_527 = vector.shape_cast %parallel_loop3A_526 : vector<16xf32> to vector<16xf32>
        %parallel_loop3A_528 = arith.index_cast %parallel_loop3A_103 : i32 to index
        %parallel_loop3A_529 = arith.constant 608 : index
        %parallel_loop3A_530 = tpu.vector_load %arg9[%parallel_loop3A_528, %parallel_loop3A_529] {strides = array<i32>} : memref<20x1001xf32, #tpu.memory_space<vmem>>, vector<1x16xf32>,
        %parallel_loop3A_531 = vector.shape_cast %parallel_loop3A_530 : vector<1x16xf32> to vector<16xf32>
        %parallel_loop3A_532 = vector.shape_cast %parallel_loop3A_527 : vector<16xf32> to vector<1x16xf32>
        tpu.vector_store %arg9[%parallel_loop3A_528, %parallel_loop3A_529], %parallel_loop3A_532 {strides = array<i32>} : memref<20x1001xf32, #tpu.memory_space<vmem>>, vector<1x16xf32>,
        %parallel_loop3A_533 = arith.constant 0 : i32
        %parallel_loop3A_534 = tpu.memref_slice %arg7[%parallel_loop3A_103, %parallel_loop3A_533] : memref<24x1024xf32, #tpu.memory_space<vmem>> -> memref<1x1024xf32, #tpu.memory_space<vmem>>
        %parallel_loop3A_535 = tpu.memref_squeeze %parallel_loop3A_534 : memref<1x1024xf32, #tpu.memory_space<vmem>> -> memref<1024xf32, #tpu.memory_space<vmem>>
        %parallel_loop3A_536 = arith.constant 624 : index
        %parallel_loop3A_537 = tpu.vector_load %parallel_loop3A_535[%parallel_loop3A_536] {strides = array<i32>} : memref<1024xf32, #tpu.memory_space<vmem>>, vector<16xf32>,
        %parallel_loop3A_538 = vector.shape_cast %parallel_loop3A_537 : vector<16xf32> to vector<16xf32>
        %parallel_loop3A_539 = arith.index_cast %parallel_loop3A_103 : i32 to index
        %parallel_loop3A_540 = arith.constant 624 : index
        %parallel_loop3A_541 = tpu.vector_load %arg9[%parallel_loop3A_539, %parallel_loop3A_540] {strides = array<i32>} : memref<20x1001xf32, #tpu.memory_space<vmem>>, vector<1x16xf32>,
        %parallel_loop3A_542 = vector.shape_cast %parallel_loop3A_541 : vector<1x16xf32> to vector<16xf32>
        %parallel_loop3A_543 = vector.shape_cast %parallel_loop3A_538 : vector<16xf32> to vector<1x16xf32>
        tpu.vector_store %arg9[%parallel_loop3A_539, %parallel_loop3A_540], %parallel_loop3A_543 {strides = array<i32>} : memref<20x1001xf32, #tpu.memory_space<vmem>>, vector<1x16xf32>,
        %parallel_loop3A_544 = arith.constant 0 : i32
        %parallel_loop3A_545 = tpu.memref_slice %arg7[%parallel_loop3A_103, %parallel_loop3A_544] : memref<24x1024xf32, #tpu.memory_space<vmem>> -> memref<1x1024xf32, #tpu.memory_space<vmem>>
        %parallel_loop3A_546 = tpu.memref_squeeze %parallel_loop3A_545 : memref<1x1024xf32, #tpu.memory_space<vmem>> -> memref<1024xf32, #tpu.memory_space<vmem>>
        %parallel_loop3A_547 = arith.constant 640 : index
        %parallel_loop3A_548 = tpu.vector_load %parallel_loop3A_546[%parallel_loop3A_547] {strides = array<i32>} : memref<1024xf32, #tpu.memory_space<vmem>>, vector<16xf32>,
        %parallel_loop3A_549 = vector.shape_cast %parallel_loop3A_548 : vector<16xf32> to vector<16xf32>
        %parallel_loop3A_550 = arith.index_cast %parallel_loop3A_103 : i32 to index
        %parallel_loop3A_551 = arith.constant 640 : index
        %parallel_loop3A_552 = tpu.vector_load %arg9[%parallel_loop3A_550, %parallel_loop3A_551] {strides = array<i32>} : memref<20x1001xf32, #tpu.memory_space<vmem>>, vector<1x16xf32>,
        %parallel_loop3A_553 = vector.shape_cast %parallel_loop3A_552 : vector<1x16xf32> to vector<16xf32>
        %parallel_loop3A_554 = vector.shape_cast %parallel_loop3A_549 : vector<16xf32> to vector<1x16xf32>
        tpu.vector_store %arg9[%parallel_loop3A_550, %parallel_loop3A_551], %parallel_loop3A_554 {strides = array<i32>} : memref<20x1001xf32, #tpu.memory_space<vmem>>, vector<1x16xf32>,
        %parallel_loop3A_555 = arith.constant 0 : i32
        %parallel_loop3A_556 = tpu.memref_slice %arg7[%parallel_loop3A_103, %parallel_loop3A_555] : memref<24x1024xf32, #tpu.memory_space<vmem>> -> memref<1x1024xf32, #tpu.memory_space<vmem>>
        %parallel_loop3A_557 = tpu.memref_squeeze %parallel_loop3A_556 : memref<1x1024xf32, #tpu.memory_space<vmem>> -> memref<1024xf32, #tpu.memory_space<vmem>>
        %parallel_loop3A_558 = arith.constant 656 : index
        %parallel_loop3A_559 = tpu.vector_load %parallel_loop3A_557[%parallel_loop3A_558] {strides = array<i32>} : memref<1024xf32, #tpu.memory_space<vmem>>, vector<16xf32>,
        %parallel_loop3A_560 = vector.shape_cast %parallel_loop3A_559 : vector<16xf32> to vector<16xf32>
        %parallel_loop3A_561 = arith.index_cast %parallel_loop3A_103 : i32 to index
        %parallel_loop3A_562 = arith.constant 656 : index
        %parallel_loop3A_563 = tpu.vector_load %arg9[%parallel_loop3A_561, %parallel_loop3A_562] {strides = array<i32>} : memref<20x1001xf32, #tpu.memory_space<vmem>>, vector<1x16xf32>,
        %parallel_loop3A_564 = vector.shape_cast %parallel_loop3A_563 : vector<1x16xf32> to vector<16xf32>
        %parallel_loop3A_565 = vector.shape_cast %parallel_loop3A_560 : vector<16xf32> to vector<1x16xf32>
        tpu.vector_store %arg9[%parallel_loop3A_561, %parallel_loop3A_562], %parallel_loop3A_565 {strides = array<i32>} : memref<20x1001xf32, #tpu.memory_space<vmem>>, vector<1x16xf32>,
        %parallel_loop3A_566 = arith.constant 0 : i32
        %parallel_loop3A_567 = tpu.memref_slice %arg7[%parallel_loop3A_103, %parallel_loop3A_566] : memref<24x1024xf32, #tpu.memory_space<vmem>> -> memref<1x1024xf32, #tpu.memory_space<vmem>>
        %parallel_loop3A_568 = tpu.memref_squeeze %parallel_loop3A_567 : memref<1x1024xf32, #tpu.memory_space<vmem>> -> memref<1024xf32, #tpu.memory_space<vmem>>
        %parallel_loop3A_569 = arith.constant 672 : index
        %parallel_loop3A_570 = tpu.vector_load %parallel_loop3A_568[%parallel_loop3A_569] {strides = array<i32>} : memref<1024xf32, #tpu.memory_space<vmem>>, vector<16xf32>,
        %parallel_loop3A_571 = vector.shape_cast %parallel_loop3A_570 : vector<16xf32> to vector<16xf32>
        %parallel_loop3A_572 = arith.index_cast %parallel_loop3A_103 : i32 to index
        %parallel_loop3A_573 = arith.constant 672 : index
        %parallel_loop3A_574 = tpu.vector_load %arg9[%parallel_loop3A_572, %parallel_loop3A_573] {strides = array<i32>} : memref<20x1001xf32, #tpu.memory_space<vmem>>, vector<1x16xf32>,
        %parallel_loop3A_575 = vector.shape_cast %parallel_loop3A_574 : vector<1x16xf32> to vector<16xf32>
        %parallel_loop3A_576 = vector.shape_cast %parallel_loop3A_571 : vector<16xf32> to vector<1x16xf32>
        tpu.vector_store %arg9[%parallel_loop3A_572, %parallel_loop3A_573], %parallel_loop3A_576 {strides = array<i32>} : memref<20x1001xf32, #tpu.memory_space<vmem>>, vector<1x16xf32>,
        %parallel_loop3A_577 = arith.constant 0 : i32
        %parallel_loop3A_578 = tpu.memref_slice %arg7[%parallel_loop3A_103, %parallel_loop3A_577] : memref<24x1024xf32, #tpu.memory_space<vmem>> -> memref<1x1024xf32, #tpu.memory_space<vmem>>
        %parallel_loop3A_579 = tpu.memref_squeeze %parallel_loop3A_578 : memref<1x1024xf32, #tpu.memory_space<vmem>> -> memref<1024xf32, #tpu.memory_space<vmem>>
        %parallel_loop3A_580 = arith.constant 688 : index
        %parallel_loop3A_581 = tpu.vector_load %parallel_loop3A_579[%parallel_loop3A_580] {strides = array<i32>} : memref<1024xf32, #tpu.memory_space<vmem>>, vector<16xf32>,
        %parallel_loop3A_582 = vector.shape_cast %parallel_loop3A_581 : vector<16xf32> to vector<16xf32>
        %parallel_loop3A_583 = arith.index_cast %parallel_loop3A_103 : i32 to index
        %parallel_loop3A_584 = arith.constant 688 : index
        %parallel_loop3A_585 = tpu.vector_load %arg9[%parallel_loop3A_583, %parallel_loop3A_584] {strides = array<i32>} : memref<20x1001xf32, #tpu.memory_space<vmem>>, vector<1x16xf32>,
        %parallel_loop3A_586 = vector.shape_cast %parallel_loop3A_585 : vector<1x16xf32> to vector<16xf32>
        %parallel_loop3A_587 = vector.shape_cast %parallel_loop3A_582 : vector<16xf32> to vector<1x16xf32>
        tpu.vector_store %arg9[%parallel_loop3A_583, %parallel_loop3A_584], %parallel_loop3A_587 {strides = array<i32>} : memref<20x1001xf32, #tpu.memory_space<vmem>>, vector<1x16xf32>,
        %parallel_loop3A_588 = arith.constant 0 : i32
        %parallel_loop3A_589 = tpu.memref_slice %arg7[%parallel_loop3A_103, %parallel_loop3A_588] : memref<24x1024xf32, #tpu.memory_space<vmem>> -> memref<1x1024xf32, #tpu.memory_space<vmem>>
        %parallel_loop3A_590 = tpu.memref_squeeze %parallel_loop3A_589 : memref<1x1024xf32, #tpu.memory_space<vmem>> -> memref<1024xf32, #tpu.memory_space<vmem>>
        %parallel_loop3A_591 = arith.constant 704 : index
        %parallel_loop3A_592 = tpu.vector_load %parallel_loop3A_590[%parallel_loop3A_591] {strides = array<i32>} : memref<1024xf32, #tpu.memory_space<vmem>>, vector<16xf32>,
        %parallel_loop3A_593 = vector.shape_cast %parallel_loop3A_592 : vector<16xf32> to vector<16xf32>
        %parallel_loop3A_594 = arith.index_cast %parallel_loop3A_103 : i32 to index
        %parallel_loop3A_595 = arith.constant 704 : index
        %parallel_loop3A_596 = tpu.vector_load %arg9[%parallel_loop3A_594, %parallel_loop3A_595] {strides = array<i32>} : memref<20x1001xf32, #tpu.memory_space<vmem>>, vector<1x16xf32>,
        %parallel_loop3A_597 = vector.shape_cast %parallel_loop3A_596 : vector<1x16xf32> to vector<16xf32>
        %parallel_loop3A_598 = vector.shape_cast %parallel_loop3A_593 : vector<16xf32> to vector<1x16xf32>
        tpu.vector_store %arg9[%parallel_loop3A_594, %parallel_loop3A_595], %parallel_loop3A_598 {strides = array<i32>} : memref<20x1001xf32, #tpu.memory_space<vmem>>, vector<1x16xf32>,
        %parallel_loop3A_599 = arith.constant 0 : i32
        %parallel_loop3A_600 = tpu.memref_slice %arg7[%parallel_loop3A_103, %parallel_loop3A_599] : memref<24x1024xf32, #tpu.memory_space<vmem>> -> memref<1x1024xf32, #tpu.memory_space<vmem>>
        %parallel_loop3A_601 = tpu.memref_squeeze %parallel_loop3A_600 : memref<1x1024xf32, #tpu.memory_space<vmem>> -> memref<1024xf32, #tpu.memory_space<vmem>>
        %parallel_loop3A_602 = arith.constant 720 : index
        %parallel_loop3A_603 = tpu.vector_load %parallel_loop3A_601[%parallel_loop3A_602] {strides = array<i32>} : memref<1024xf32, #tpu.memory_space<vmem>>, vector<16xf32>,
        %parallel_loop3A_604 = vector.shape_cast %parallel_loop3A_603 : vector<16xf32> to vector<16xf32>
        %parallel_loop3A_605 = arith.index_cast %parallel_loop3A_103 : i32 to index
        %parallel_loop3A_606 = arith.constant 720 : index
        %parallel_loop3A_607 = tpu.vector_load %arg9[%parallel_loop3A_605, %parallel_loop3A_606] {strides = array<i32>} : memref<20x1001xf32, #tpu.memory_space<vmem>>, vector<1x16xf32>,
        %parallel_loop3A_608 = vector.shape_cast %parallel_loop3A_607 : vector<1x16xf32> to vector<16xf32>
        %parallel_loop3A_609 = vector.shape_cast %parallel_loop3A_604 : vector<16xf32> to vector<1x16xf32>
        tpu.vector_store %arg9[%parallel_loop3A_605, %parallel_loop3A_606], %parallel_loop3A_609 {strides = array<i32>} : memref<20x1001xf32, #tpu.memory_space<vmem>>, vector<1x16xf32>,
        %parallel_loop3A_610 = arith.constant 0 : i32
        %parallel_loop3A_611 = tpu.memref_slice %arg7[%parallel_loop3A_103, %parallel_loop3A_610] : memref<24x1024xf32, #tpu.memory_space<vmem>> -> memref<1x1024xf32, #tpu.memory_space<vmem>>
        %parallel_loop3A_612 = tpu.memref_squeeze %parallel_loop3A_611 : memref<1x1024xf32, #tpu.memory_space<vmem>> -> memref<1024xf32, #tpu.memory_space<vmem>>
        %parallel_loop3A_613 = arith.constant 736 : index
        %parallel_loop3A_614 = tpu.vector_load %parallel_loop3A_612[%parallel_loop3A_613] {strides = array<i32>} : memref<1024xf32, #tpu.memory_space<vmem>>, vector<16xf32>,
        %parallel_loop3A_615 = vector.shape_cast %parallel_loop3A_614 : vector<16xf32> to vector<16xf32>
        %parallel_loop3A_616 = arith.index_cast %parallel_loop3A_103 : i32 to index
        %parallel_loop3A_617 = arith.constant 736 : index
        %parallel_loop3A_618 = tpu.vector_load %arg9[%parallel_loop3A_616, %parallel_loop3A_617] {strides = array<i32>} : memref<20x1001xf32, #tpu.memory_space<vmem>>, vector<1x16xf32>,
        %parallel_loop3A_619 = vector.shape_cast %parallel_loop3A_618 : vector<1x16xf32> to vector<16xf32>
        %parallel_loop3A_620 = vector.shape_cast %parallel_loop3A_615 : vector<16xf32> to vector<1x16xf32>
        tpu.vector_store %arg9[%parallel_loop3A_616, %parallel_loop3A_617], %parallel_loop3A_620 {strides = array<i32>} : memref<20x1001xf32, #tpu.memory_space<vmem>>, vector<1x16xf32>,
        %parallel_loop3A_621 = arith.constant 0 : i32
        %parallel_loop3A_622 = tpu.memref_slice %arg7[%parallel_loop3A_103, %parallel_loop3A_621] : memref<24x1024xf32, #tpu.memory_space<vmem>> -> memref<1x1024xf32, #tpu.memory_space<vmem>>
        %parallel_loop3A_623 = tpu.memref_squeeze %parallel_loop3A_622 : memref<1x1024xf32, #tpu.memory_space<vmem>> -> memref<1024xf32, #tpu.memory_space<vmem>>
        %parallel_loop3A_624 = arith.constant 752 : index
        %parallel_loop3A_625 = tpu.vector_load %parallel_loop3A_623[%parallel_loop3A_624] {strides = array<i32>} : memref<1024xf32, #tpu.memory_space<vmem>>, vector<16xf32>,
        %parallel_loop3A_626 = vector.shape_cast %parallel_loop3A_625 : vector<16xf32> to vector<16xf32>
        %parallel_loop3A_627 = arith.index_cast %parallel_loop3A_103 : i32 to index
        %parallel_loop3A_628 = arith.constant 752 : index
        %parallel_loop3A_629 = tpu.vector_load %arg9[%parallel_loop3A_627, %parallel_loop3A_628] {strides = array<i32>} : memref<20x1001xf32, #tpu.memory_space<vmem>>, vector<1x16xf32>,
        %parallel_loop3A_630 = vector.shape_cast %parallel_loop3A_629 : vector<1x16xf32> to vector<16xf32>
        %parallel_loop3A_631 = vector.shape_cast %parallel_loop3A_626 : vector<16xf32> to vector<1x16xf32>
        tpu.vector_store %arg9[%parallel_loop3A_627, %parallel_loop3A_628], %parallel_loop3A_631 {strides = array<i32>} : memref<20x1001xf32, #tpu.memory_space<vmem>>, vector<1x16xf32>,
        %parallel_loop3A_632 = arith.constant 0 : i32
        %parallel_loop3A_633 = tpu.memref_slice %arg7[%parallel_loop3A_103, %parallel_loop3A_632] : memref<24x1024xf32, #tpu.memory_space<vmem>> -> memref<1x1024xf32, #tpu.memory_space<vmem>>
        %parallel_loop3A_634 = tpu.memref_squeeze %parallel_loop3A_633 : memref<1x1024xf32, #tpu.memory_space<vmem>> -> memref<1024xf32, #tpu.memory_space<vmem>>
        %parallel_loop3A_635 = arith.constant 768 : index
        %parallel_loop3A_636 = tpu.vector_load %parallel_loop3A_634[%parallel_loop3A_635] {strides = array<i32>} : memref<1024xf32, #tpu.memory_space<vmem>>, vector<16xf32>,
        %parallel_loop3A_637 = vector.shape_cast %parallel_loop3A_636 : vector<16xf32> to vector<16xf32>
        %parallel_loop3A_638 = arith.index_cast %parallel_loop3A_103 : i32 to index
        %parallel_loop3A_639 = arith.constant 768 : index
        %parallel_loop3A_640 = tpu.vector_load %arg9[%parallel_loop3A_638, %parallel_loop3A_639] {strides = array<i32>} : memref<20x1001xf32, #tpu.memory_space<vmem>>, vector<1x16xf32>,
        %parallel_loop3A_641 = vector.shape_cast %parallel_loop3A_640 : vector<1x16xf32> to vector<16xf32>
        %parallel_loop3A_642 = vector.shape_cast %parallel_loop3A_637 : vector<16xf32> to vector<1x16xf32>
        tpu.vector_store %arg9[%parallel_loop3A_638, %parallel_loop3A_639], %parallel_loop3A_642 {strides = array<i32>} : memref<20x1001xf32, #tpu.memory_space<vmem>>, vector<1x16xf32>,
        %parallel_loop3A_643 = arith.constant 0 : i32
        %parallel_loop3A_644 = tpu.memref_slice %arg7[%parallel_loop3A_103, %parallel_loop3A_643] : memref<24x1024xf32, #tpu.memory_space<vmem>> -> memref<1x1024xf32, #tpu.memory_space<vmem>>
        %parallel_loop3A_645 = tpu.memref_squeeze %parallel_loop3A_644 : memref<1x1024xf32, #tpu.memory_space<vmem>> -> memref<1024xf32, #tpu.memory_space<vmem>>
        %parallel_loop3A_646 = arith.constant 784 : index
        %parallel_loop3A_647 = tpu.vector_load %parallel_loop3A_645[%parallel_loop3A_646] {strides = array<i32>} : memref<1024xf32, #tpu.memory_space<vmem>>, vector<16xf32>,
        %parallel_loop3A_648 = vector.shape_cast %parallel_loop3A_647 : vector<16xf32> to vector<16xf32>
        %parallel_loop3A_649 = arith.index_cast %parallel_loop3A_103 : i32 to index
        %parallel_loop3A_650 = arith.constant 784 : index
        %parallel_loop3A_651 = tpu.vector_load %arg9[%parallel_loop3A_649, %parallel_loop3A_650] {strides = array<i32>} : memref<20x1001xf32, #tpu.memory_space<vmem>>, vector<1x16xf32>,
        %parallel_loop3A_652 = vector.shape_cast %parallel_loop3A_651 : vector<1x16xf32> to vector<16xf32>
        %parallel_loop3A_653 = vector.shape_cast %parallel_loop3A_648 : vector<16xf32> to vector<1x16xf32>
        tpu.vector_store %arg9[%parallel_loop3A_649, %parallel_loop3A_650], %parallel_loop3A_653 {strides = array<i32>} : memref<20x1001xf32, #tpu.memory_space<vmem>>, vector<1x16xf32>,
        %parallel_loop3A_654 = arith.constant 0 : i32
        %parallel_loop3A_655 = tpu.memref_slice %arg7[%parallel_loop3A_103, %parallel_loop3A_654] : memref<24x1024xf32, #tpu.memory_space<vmem>> -> memref<1x1024xf32, #tpu.memory_space<vmem>>
        %parallel_loop3A_656 = tpu.memref_squeeze %parallel_loop3A_655 : memref<1x1024xf32, #tpu.memory_space<vmem>> -> memref<1024xf32, #tpu.memory_space<vmem>>
        %parallel_loop3A_657 = arith.constant 800 : index
        %parallel_loop3A_658 = tpu.vector_load %parallel_loop3A_656[%parallel_loop3A_657] {strides = array<i32>} : memref<1024xf32, #tpu.memory_space<vmem>>, vector<16xf32>,
        %parallel_loop3A_659 = vector.shape_cast %parallel_loop3A_658 : vector<16xf32> to vector<16xf32>
        %parallel_loop3A_660 = arith.index_cast %parallel_loop3A_103 : i32 to index
        %parallel_loop3A_661 = arith.constant 800 : index
        %parallel_loop3A_662 = tpu.vector_load %arg9[%parallel_loop3A_660, %parallel_loop3A_661] {strides = array<i32>} : memref<20x1001xf32, #tpu.memory_space<vmem>>, vector<1x16xf32>,
        %parallel_loop3A_663 = vector.shape_cast %parallel_loop3A_662 : vector<1x16xf32> to vector<16xf32>
        %parallel_loop3A_664 = vector.shape_cast %parallel_loop3A_659 : vector<16xf32> to vector<1x16xf32>
        tpu.vector_store %arg9[%parallel_loop3A_660, %parallel_loop3A_661], %parallel_loop3A_664 {strides = array<i32>} : memref<20x1001xf32, #tpu.memory_space<vmem>>, vector<1x16xf32>,
        %parallel_loop3A_665 = arith.constant 0 : i32
        %parallel_loop3A_666 = tpu.memref_slice %arg7[%parallel_loop3A_103, %parallel_loop3A_665] : memref<24x1024xf32, #tpu.memory_space<vmem>> -> memref<1x1024xf32, #tpu.memory_space<vmem>>
        %parallel_loop3A_667 = tpu.memref_squeeze %parallel_loop3A_666 : memref<1x1024xf32, #tpu.memory_space<vmem>> -> memref<1024xf32, #tpu.memory_space<vmem>>
        %parallel_loop3A_668 = arith.constant 816 : index
        %parallel_loop3A_669 = tpu.vector_load %parallel_loop3A_667[%parallel_loop3A_668] {strides = array<i32>} : memref<1024xf32, #tpu.memory_space<vmem>>, vector<16xf32>,
        %parallel_loop3A_670 = vector.shape_cast %parallel_loop3A_669 : vector<16xf32> to vector<16xf32>
        %parallel_loop3A_671 = arith.index_cast %parallel_loop3A_103 : i32 to index
        %parallel_loop3A_672 = arith.constant 816 : index
        %parallel_loop3A_673 = tpu.vector_load %arg9[%parallel_loop3A_671, %parallel_loop3A_672] {strides = array<i32>} : memref<20x1001xf32, #tpu.memory_space<vmem>>, vector<1x16xf32>,
        %parallel_loop3A_674 = vector.shape_cast %parallel_loop3A_673 : vector<1x16xf32> to vector<16xf32>
        %parallel_loop3A_675 = vector.shape_cast %parallel_loop3A_670 : vector<16xf32> to vector<1x16xf32>
        tpu.vector_store %arg9[%parallel_loop3A_671, %parallel_loop3A_672], %parallel_loop3A_675 {strides = array<i32>} : memref<20x1001xf32, #tpu.memory_space<vmem>>, vector<1x16xf32>,
        %parallel_loop3A_676 = arith.constant 0 : i32
        %parallel_loop3A_677 = tpu.memref_slice %arg7[%parallel_loop3A_103, %parallel_loop3A_676] : memref<24x1024xf32, #tpu.memory_space<vmem>> -> memref<1x1024xf32, #tpu.memory_space<vmem>>
        %parallel_loop3A_678 = tpu.memref_squeeze %parallel_loop3A_677 : memref<1x1024xf32, #tpu.memory_space<vmem>> -> memref<1024xf32, #tpu.memory_space<vmem>>
        %parallel_loop3A_679 = arith.constant 832 : index
        %parallel_loop3A_680 = tpu.vector_load %parallel_loop3A_678[%parallel_loop3A_679] {strides = array<i32>} : memref<1024xf32, #tpu.memory_space<vmem>>, vector<16xf32>,
        %parallel_loop3A_681 = vector.shape_cast %parallel_loop3A_680 : vector<16xf32> to vector<16xf32>
        %parallel_loop3A_682 = arith.index_cast %parallel_loop3A_103 : i32 to index
        %parallel_loop3A_683 = arith.constant 832 : index
        %parallel_loop3A_684 = tpu.vector_load %arg9[%parallel_loop3A_682, %parallel_loop3A_683] {strides = array<i32>} : memref<20x1001xf32, #tpu.memory_space<vmem>>, vector<1x16xf32>,
        %parallel_loop3A_685 = vector.shape_cast %parallel_loop3A_684 : vector<1x16xf32> to vector<16xf32>
        %parallel_loop3A_686 = vector.shape_cast %parallel_loop3A_681 : vector<16xf32> to vector<1x16xf32>
        tpu.vector_store %arg9[%parallel_loop3A_682, %parallel_loop3A_683], %parallel_loop3A_686 {strides = array<i32>} : memref<20x1001xf32, #tpu.memory_space<vmem>>, vector<1x16xf32>,
        %parallel_loop3A_687 = arith.constant 0 : i32
        %parallel_loop3A_688 = tpu.memref_slice %arg7[%parallel_loop3A_103, %parallel_loop3A_687] : memref<24x1024xf32, #tpu.memory_space<vmem>> -> memref<1x1024xf32, #tpu.memory_space<vmem>>
        %parallel_loop3A_689 = tpu.memref_squeeze %parallel_loop3A_688 : memref<1x1024xf32, #tpu.memory_space<vmem>> -> memref<1024xf32, #tpu.memory_space<vmem>>
        %parallel_loop3A_690 = arith.constant 848 : index
        %parallel_loop3A_691 = tpu.vector_load %parallel_loop3A_689[%parallel_loop3A_690] {strides = array<i32>} : memref<1024xf32, #tpu.memory_space<vmem>>, vector<16xf32>,
        %parallel_loop3A_692 = vector.shape_cast %parallel_loop3A_691 : vector<16xf32> to vector<16xf32>
        %parallel_loop3A_693 = arith.index_cast %parallel_loop3A_103 : i32 to index
        %parallel_loop3A_694 = arith.constant 848 : index
        %parallel_loop3A_695 = tpu.vector_load %arg9[%parallel_loop3A_693, %parallel_loop3A_694] {strides = array<i32>} : memref<20x1001xf32, #tpu.memory_space<vmem>>, vector<1x16xf32>,
        %parallel_loop3A_696 = vector.shape_cast %parallel_loop3A_695 : vector<1x16xf32> to vector<16xf32>
        %parallel_loop3A_697 = vector.shape_cast %parallel_loop3A_692 : vector<16xf32> to vector<1x16xf32>
        tpu.vector_store %arg9[%parallel_loop3A_693, %parallel_loop3A_694], %parallel_loop3A_697 {strides = array<i32>} : memref<20x1001xf32, #tpu.memory_space<vmem>>, vector<1x16xf32>,
        %parallel_loop3A_698 = arith.constant 0 : i32
        %parallel_loop3A_699 = tpu.memref_slice %arg7[%parallel_loop3A_103, %parallel_loop3A_698] : memref<24x1024xf32, #tpu.memory_space<vmem>> -> memref<1x1024xf32, #tpu.memory_space<vmem>>
        %parallel_loop3A_700 = tpu.memref_squeeze %parallel_loop3A_699 : memref<1x1024xf32, #tpu.memory_space<vmem>> -> memref<1024xf32, #tpu.memory_space<vmem>>
        %parallel_loop3A_701 = arith.constant 864 : index
        %parallel_loop3A_702 = tpu.vector_load %parallel_loop3A_700[%parallel_loop3A_701] {strides = array<i32>} : memref<1024xf32, #tpu.memory_space<vmem>>, vector<16xf32>,
        %parallel_loop3A_703 = vector.shape_cast %parallel_loop3A_702 : vector<16xf32> to vector<16xf32>
        %parallel_loop3A_704 = arith.index_cast %parallel_loop3A_103 : i32 to index
        %parallel_loop3A_705 = arith.constant 864 : index
        %parallel_loop3A_706 = tpu.vector_load %arg9[%parallel_loop3A_704, %parallel_loop3A_705] {strides = array<i32>} : memref<20x1001xf32, #tpu.memory_space<vmem>>, vector<1x16xf32>,
        %parallel_loop3A_707 = vector.shape_cast %parallel_loop3A_706 : vector<1x16xf32> to vector<16xf32>
        %parallel_loop3A_708 = vector.shape_cast %parallel_loop3A_703 : vector<16xf32> to vector<1x16xf32>
        tpu.vector_store %arg9[%parallel_loop3A_704, %parallel_loop3A_705], %parallel_loop3A_708 {strides = array<i32>} : memref<20x1001xf32, #tpu.memory_space<vmem>>, vector<1x16xf32>,
        %parallel_loop3A_709 = arith.constant 0 : i32
        %parallel_loop3A_710 = tpu.memref_slice %arg7[%parallel_loop3A_103, %parallel_loop3A_709] : memref<24x1024xf32, #tpu.memory_space<vmem>> -> memref<1x1024xf32, #tpu.memory_space<vmem>>
        %parallel_loop3A_711 = tpu.memref_squeeze %parallel_loop3A_710 : memref<1x1024xf32, #tpu.memory_space<vmem>> -> memref<1024xf32, #tpu.memory_space<vmem>>
        %parallel_loop3A_712 = arith.constant 880 : index
        %parallel_loop3A_713 = tpu.vector_load %parallel_loop3A_711[%parallel_loop3A_712] {strides = array<i32>} : memref<1024xf32, #tpu.memory_space<vmem>>, vector<16xf32>,
        %parallel_loop3A_714 = vector.shape_cast %parallel_loop3A_713 : vector<16xf32> to vector<16xf32>
        %parallel_loop3A_715 = arith.index_cast %parallel_loop3A_103 : i32 to index
        %parallel_loop3A_716 = arith.constant 880 : index
        %parallel_loop3A_717 = tpu.vector_load %arg9[%parallel_loop3A_715, %parallel_loop3A_716] {strides = array<i32>} : memref<20x1001xf32, #tpu.memory_space<vmem>>, vector<1x16xf32>,
        %parallel_loop3A_718 = vector.shape_cast %parallel_loop3A_717 : vector<1x16xf32> to vector<16xf32>
        %parallel_loop3A_719 = vector.shape_cast %parallel_loop3A_714 : vector<16xf32> to vector<1x16xf32>
        tpu.vector_store %arg9[%parallel_loop3A_715, %parallel_loop3A_716], %parallel_loop3A_719 {strides = array<i32>} : memref<20x1001xf32, #tpu.memory_space<vmem>>, vector<1x16xf32>,
        %parallel_loop3A_720 = arith.constant 0 : i32
        %parallel_loop3A_721 = tpu.memref_slice %arg7[%parallel_loop3A_103, %parallel_loop3A_720] : memref<24x1024xf32, #tpu.memory_space<vmem>> -> memref<1x1024xf32, #tpu.memory_space<vmem>>
        %parallel_loop3A_722 = tpu.memref_squeeze %parallel_loop3A_721 : memref<1x1024xf32, #tpu.memory_space<vmem>> -> memref<1024xf32, #tpu.memory_space<vmem>>
        %parallel_loop3A_723 = arith.constant 896 : index
        %parallel_loop3A_724 = tpu.vector_load %parallel_loop3A_722[%parallel_loop3A_723] {strides = array<i32>} : memref<1024xf32, #tpu.memory_space<vmem>>, vector<16xf32>,
        %parallel_loop3A_725 = vector.shape_cast %parallel_loop3A_724 : vector<16xf32> to vector<16xf32>
        %parallel_loop3A_726 = arith.index_cast %parallel_loop3A_103 : i32 to index
        %parallel_loop3A_727 = arith.constant 896 : index
        %parallel_loop3A_728 = tpu.vector_load %arg9[%parallel_loop3A_726, %parallel_loop3A_727] {strides = array<i32>} : memref<20x1001xf32, #tpu.memory_space<vmem>>, vector<1x16xf32>,
        %parallel_loop3A_729 = vector.shape_cast %parallel_loop3A_728 : vector<1x16xf32> to vector<16xf32>
        %parallel_loop3A_730 = vector.shape_cast %parallel_loop3A_725 : vector<16xf32> to vector<1x16xf32>
        tpu.vector_store %arg9[%parallel_loop3A_726, %parallel_loop3A_727], %parallel_loop3A_730 {strides = array<i32>} : memref<20x1001xf32, #tpu.memory_space<vmem>>, vector<1x16xf32>,
        %parallel_loop3A_731 = arith.constant 0 : i32
        %parallel_loop3A_732 = tpu.memref_slice %arg7[%parallel_loop3A_103, %parallel_loop3A_731] : memref<24x1024xf32, #tpu.memory_space<vmem>> -> memref<1x1024xf32, #tpu.memory_space<vmem>>
        %parallel_loop3A_733 = tpu.memref_squeeze %parallel_loop3A_732 : memref<1x1024xf32, #tpu.memory_space<vmem>> -> memref<1024xf32, #tpu.memory_space<vmem>>
        %parallel_loop3A_734 = arith.constant 912 : index
        %parallel_loop3A_735 = tpu.vector_load %parallel_loop3A_733[%parallel_loop3A_734] {strides = array<i32>} : memref<1024xf32, #tpu.memory_space<vmem>>, vector<16xf32>,
        %parallel_loop3A_736 = vector.shape_cast %parallel_loop3A_735 : vector<16xf32> to vector<16xf32>
        %parallel_loop3A_737 = arith.index_cast %parallel_loop3A_103 : i32 to index
        %parallel_loop3A_738 = arith.constant 912 : index
        %parallel_loop3A_739 = tpu.vector_load %arg9[%parallel_loop3A_737, %parallel_loop3A_738] {strides = array<i32>} : memref<20x1001xf32, #tpu.memory_space<vmem>>, vector<1x16xf32>,
        %parallel_loop3A_740 = vector.shape_cast %parallel_loop3A_739 : vector<1x16xf32> to vector<16xf32>
        %parallel_loop3A_741 = vector.shape_cast %parallel_loop3A_736 : vector<16xf32> to vector<1x16xf32>
        tpu.vector_store %arg9[%parallel_loop3A_737, %parallel_loop3A_738], %parallel_loop3A_741 {strides = array<i32>} : memref<20x1001xf32, #tpu.memory_space<vmem>>, vector<1x16xf32>,
        %parallel_loop3A_742 = arith.constant 0 : i32
        %parallel_loop3A_743 = tpu.memref_slice %arg7[%parallel_loop3A_103, %parallel_loop3A_742] : memref<24x1024xf32, #tpu.memory_space<vmem>> -> memref<1x1024xf32, #tpu.memory_space<vmem>>
        %parallel_loop3A_744 = tpu.memref_squeeze %parallel_loop3A_743 : memref<1x1024xf32, #tpu.memory_space<vmem>> -> memref<1024xf32, #tpu.memory_space<vmem>>
        %parallel_loop3A_745 = arith.constant 928 : index
        %parallel_loop3A_746 = tpu.vector_load %parallel_loop3A_744[%parallel_loop3A_745] {strides = array<i32>} : memref<1024xf32, #tpu.memory_space<vmem>>, vector<16xf32>,
        %parallel_loop3A_747 = vector.shape_cast %parallel_loop3A_746 : vector<16xf32> to vector<16xf32>
        %parallel_loop3A_748 = arith.index_cast %parallel_loop3A_103 : i32 to index
        %parallel_loop3A_749 = arith.constant 928 : index
        %parallel_loop3A_750 = tpu.vector_load %arg9[%parallel_loop3A_748, %parallel_loop3A_749] {strides = array<i32>} : memref<20x1001xf32, #tpu.memory_space<vmem>>, vector<1x16xf32>,
        %parallel_loop3A_751 = vector.shape_cast %parallel_loop3A_750 : vector<1x16xf32> to vector<16xf32>
        %parallel_loop3A_752 = vector.shape_cast %parallel_loop3A_747 : vector<16xf32> to vector<1x16xf32>
        tpu.vector_store %arg9[%parallel_loop3A_748, %parallel_loop3A_749], %parallel_loop3A_752 {strides = array<i32>} : memref<20x1001xf32, #tpu.memory_space<vmem>>, vector<1x16xf32>,
        %parallel_loop3A_753 = arith.constant 0 : i32
        %parallel_loop3A_754 = tpu.memref_slice %arg7[%parallel_loop3A_103, %parallel_loop3A_753] : memref<24x1024xf32, #tpu.memory_space<vmem>> -> memref<1x1024xf32, #tpu.memory_space<vmem>>
        %parallel_loop3A_755 = tpu.memref_squeeze %parallel_loop3A_754 : memref<1x1024xf32, #tpu.memory_space<vmem>> -> memref<1024xf32, #tpu.memory_space<vmem>>
        %parallel_loop3A_756 = arith.constant 944 : index
        %parallel_loop3A_757 = tpu.vector_load %parallel_loop3A_755[%parallel_loop3A_756] {strides = array<i32>} : memref<1024xf32, #tpu.memory_space<vmem>>, vector<16xf32>,
        %parallel_loop3A_758 = vector.shape_cast %parallel_loop3A_757 : vector<16xf32> to vector<16xf32>
        %parallel_loop3A_759 = arith.index_cast %parallel_loop3A_103 : i32 to index
        %parallel_loop3A_760 = arith.constant 944 : index
        %parallel_loop3A_761 = tpu.vector_load %arg9[%parallel_loop3A_759, %parallel_loop3A_760] {strides = array<i32>} : memref<20x1001xf32, #tpu.memory_space<vmem>>, vector<1x16xf32>,
        %parallel_loop3A_762 = vector.shape_cast %parallel_loop3A_761 : vector<1x16xf32> to vector<16xf32>
        %parallel_loop3A_763 = vector.shape_cast %parallel_loop3A_758 : vector<16xf32> to vector<1x16xf32>
        tpu.vector_store %arg9[%parallel_loop3A_759, %parallel_loop3A_760], %parallel_loop3A_763 {strides = array<i32>} : memref<20x1001xf32, #tpu.memory_space<vmem>>, vector<1x16xf32>,
        %parallel_loop3A_764 = arith.constant 0 : i32
        %parallel_loop3A_765 = tpu.memref_slice %arg7[%parallel_loop3A_103, %parallel_loop3A_764] : memref<24x1024xf32, #tpu.memory_space<vmem>> -> memref<1x1024xf32, #tpu.memory_space<vmem>>
        %parallel_loop3A_766 = tpu.memref_squeeze %parallel_loop3A_765 : memref<1x1024xf32, #tpu.memory_space<vmem>> -> memref<1024xf32, #tpu.memory_space<vmem>>
        %parallel_loop3A_767 = arith.constant 960 : index
        %parallel_loop3A_768 = tpu.vector_load %parallel_loop3A_766[%parallel_loop3A_767] {strides = array<i32>} : memref<1024xf32, #tpu.memory_space<vmem>>, vector<16xf32>,
        %parallel_loop3A_769 = vector.shape_cast %parallel_loop3A_768 : vector<16xf32> to vector<16xf32>
        %parallel_loop3A_770 = arith.index_cast %parallel_loop3A_103 : i32 to index
        %parallel_loop3A_771 = arith.constant 960 : index
        %parallel_loop3A_772 = tpu.vector_load %arg9[%parallel_loop3A_770, %parallel_loop3A_771] {strides = array<i32>} : memref<20x1001xf32, #tpu.memory_space<vmem>>, vector<1x16xf32>,
        %parallel_loop3A_773 = vector.shape_cast %parallel_loop3A_772 : vector<1x16xf32> to vector<16xf32>
        %parallel_loop3A_774 = vector.shape_cast %parallel_loop3A_769 : vector<16xf32> to vector<1x16xf32>
        tpu.vector_store %arg9[%parallel_loop3A_770, %parallel_loop3A_771], %parallel_loop3A_774 {strides = array<i32>} : memref<20x1001xf32, #tpu.memory_space<vmem>>, vector<1x16xf32>,
        %parallel_loop3A_775 = arith.constant 0 : i32
        %parallel_loop3A_776 = tpu.memref_slice %arg7[%parallel_loop3A_103, %parallel_loop3A_775] : memref<24x1024xf32, #tpu.memory_space<vmem>> -> memref<1x1024xf32, #tpu.memory_space<vmem>>
        %parallel_loop3A_777 = tpu.memref_squeeze %parallel_loop3A_776 : memref<1x1024xf32, #tpu.memory_space<vmem>> -> memref<1024xf32, #tpu.memory_space<vmem>>
        %parallel_loop3A_778 = arith.constant 976 : index
        %parallel_loop3A_779 = tpu.vector_load %parallel_loop3A_777[%parallel_loop3A_778] {strides = array<i32>} : memref<1024xf32, #tpu.memory_space<vmem>>, vector<16xf32>,
        %parallel_loop3A_780 = vector.shape_cast %parallel_loop3A_779 : vector<16xf32> to vector<16xf32>
        %parallel_loop3A_781 = arith.index_cast %parallel_loop3A_103 : i32 to index
        %parallel_loop3A_782 = arith.constant 976 : index
        %parallel_loop3A_783 = tpu.vector_load %arg9[%parallel_loop3A_781, %parallel_loop3A_782] {strides = array<i32>} : memref<20x1001xf32, #tpu.memory_space<vmem>>, vector<1x16xf32>,
        %parallel_loop3A_784 = vector.shape_cast %parallel_loop3A_783 : vector<1x16xf32> to vector<16xf32>
        %parallel_loop3A_785 = vector.shape_cast %parallel_loop3A_780 : vector<16xf32> to vector<1x16xf32>
        tpu.vector_store %arg9[%parallel_loop3A_781, %parallel_loop3A_782], %parallel_loop3A_785 {strides = array<i32>} : memref<20x1001xf32, #tpu.memory_space<vmem>>, vector<1x16xf32>,
        %parallel_loop3A_786 = arith.constant 0 : i32
        %parallel_loop3A_787 = tpu.memref_slice %arg7[%parallel_loop3A_103, %parallel_loop3A_786] : memref<24x1024xf32, #tpu.memory_space<vmem>> -> memref<1x1024xf32, #tpu.memory_space<vmem>>
        %parallel_loop3A_788 = tpu.memref_squeeze %parallel_loop3A_787 : memref<1x1024xf32, #tpu.memory_space<vmem>> -> memref<1024xf32, #tpu.memory_space<vmem>>
        %parallel_loop3A_789 = arith.constant 985 : index
        %parallel_loop3A_790 = tpu.vector_load %parallel_loop3A_788[%parallel_loop3A_789] {strides = array<i32>} : memref<1024xf32, #tpu.memory_space<vmem>>, vector<16xf32>,
        %parallel_loop3A_791 = vector.shape_cast %parallel_loop3A_790 : vector<16xf32> to vector<16xf32>
        %parallel_loop3A_792 = arith.index_cast %parallel_loop3A_103 : i32 to index
        %parallel_loop3A_793 = arith.constant 985 : index
        %parallel_loop3A_794 = tpu.vector_load %arg9[%parallel_loop3A_792, %parallel_loop3A_793] {strides = array<i32>} : memref<20x1001xf32, #tpu.memory_space<vmem>>, vector<1x16xf32>,
        %parallel_loop3A_795 = vector.shape_cast %parallel_loop3A_794 : vector<1x16xf32> to vector<16xf32>
        %parallel_loop3A_796 = vector.shape_cast %parallel_loop3A_791 : vector<16xf32> to vector<1x16xf32>
        tpu.vector_store %arg9[%parallel_loop3A_792, %parallel_loop3A_793], %parallel_loop3A_796 {strides = array<i32>} : memref<20x1001xf32, #tpu.memory_space<vmem>>, vector<1x16xf32>,
      } {sc.loop_unroll_factor = 2 : i64, sc.parallel_access}
      %add3A_63 = arith.addi %mul3A_2, %mul3A_44 : i32
      %dma_start3A_64 = arith.constant 0 : i32
      %dma_start3A_65 = arith.constant 0 : i32
      %dma_start3A_66 = tpu.memref_slice %arg4[%add3A_63, %dma_start3A_64, %dma_start3A_65] : memref<4096x20x1001xf32, #tpu.memory_space<hbm>> -> memref<1x20x1001xf32, #tpu.memory_space<hbm>>
      %dma_start3A_67 = tpu.memref_squeeze %dma_start3A_66 : memref<1x20x1001xf32, #tpu.memory_space<hbm>> -> memref<20x1001xf32, #tpu.memory_space<hbm>>
      %dma_start3A_68 = arith.constant 0 : i32
      %dma_start3A_69 = arith.constant 0 : i32
      %dma_start3A_70 = tpu.memref_slice %arg4[%add3A_63, %dma_start3A_68, %dma_start3A_69] : memref<4096x20x1001xf32, #tpu.memory_space<hbm>> -> memref<1x20x1001xf32, #tpu.memory_space<hbm>>
      %dma_start3A_71 = tpu.memref_squeeze %dma_start3A_70 : memref<1x20x1001xf32, #tpu.memory_space<hbm>> -> memref<20x1001xf32, #tpu.memory_space<hbm>>
      tpu.enqueue_dma source(%arg9 : memref<20x1001xf32, #tpu.memory_space<vmem>>) target(%dma_start3A_71 : memref<20x1001xf32, #tpu.memory_space<hbm>>) target_semaphore(%arg13 : memref<!tpu.dma_semaphore, #tpu.memory_space<semaphore_mem>>)
      %add3A_72 = arith.constant 1 : i32
      %add3A_73 = arith.addi %scan3A_42, %add3A_72 : i32
      %lt3A = arith.constant 64 : i32
      %lt3A_74 = arith.cmpi slt, %add3A_73, %lt3A : i32
      %convert_element_type3A_75 = arith.extui %lt3A_74 : i1 to i32
      %cond3A_76 = arith.constant 0 : i32
      %cond3A_77 = arith.cmpi ne, %convert_element_type3A_75, %cond3A_76 : i32
      scf.if %cond3A_77 {
        %add3A_103 = arith.constant 2 : i32
        %add3A_104 = arith.addi %mul3A_44, %add3A_103 : i32
        %mul3A_105 = arith.constant 24 : i32
        %mul3A_106 = arith.muli %add3A_104, %mul3A_105 : i32
        %dma_start3A_107 = tpu.memref_slice %arg6[%mul3A_106] : memref<3072xi32, #tpu.memory_space<vmem>> -> memref<24xi32, #tpu.memory_space<vmem>>
        %dma_start3A_108 = arith.constant 0 : i32
        %dma_start3A_109 = arith.constant 0 : i32
        %dma_start3A_110 = tpu.memref_slice %arg3[%dma_start3A_108, %dma_start3A_109] : memref<1001x1024xf32, #tpu.memory_space<hbm>> -> memref<1001x1024xf32, #tpu.memory_space<hbm>>
        tpu.enqueue_indirect_dma source(%dma_start3A_110 : memref<1001x1024xf32, #tpu.memory_space<hbm>>) target(%arg7 : memref<24x1024xf32, #tpu.memory_space<vmem>>) offsets(%dma_start3A_107 : memref<24xi32, #tpu.memory_space<vmem>>) semaphore(%arg11 : memref<!tpu.dma_semaphore, #tpu.memory_space<semaphore_mem>>)
      } else {
      }
      %add3A_78 = arith.constant 1 : i32
      %add3A_79 = arith.addi %mul3A_44, %add3A_78 : i32
      %mul3A_80 = arith.constant 24 : i32
      %mul3A_81 = arith.muli %add3A_79, %mul3A_80 : i32
      %dma_wait3A_82 = tpu.memref_slice %arg6[%mul3A_81] : memref<3072xi32, #tpu.memory_space<vmem>> -> memref<24xi32, #tpu.memory_space<vmem>>
      %dma_wait3A_83 = arith.constant 0 : i32
      %dma_wait3A_84 = arith.constant 0 : i32
      %dma_wait3A_85 = tpu.memref_slice %arg3[%dma_wait3A_83, %dma_wait3A_84] : memref<1001x1024xf32, #tpu.memory_space<hbm>> -> memref<1001x1024xf32, #tpu.memory_space<hbm>>
      tpu.wait_indirect_dma semaphore(%arg12 : memref<!tpu.dma_semaphore, #tpu.memory_space<semaphore_mem>>) src(%dma_wait3A_85 : memref<1001x1024xf32, #tpu.memory_space<hbm>>) dst(%arg8 : memref<24x1024xf32, #tpu.memory_space<vmem>>)
      %ge3A_86 = arith.constant 2 : i32
      %ge3A_87 = arith.cmpi sge, %add3A_79, %ge3A_86 : i32
      %convert_element_type3A_88 = arith.extui %ge3A_87 : i1 to i32
      %cond3A_89 = arith.constant 0 : i32
      %cond3A_90 = arith.cmpi ne, %convert_element_type3A_88, %cond3A_89 : i32
      scf.if %cond3A_90 {
        %add3A_103 = arith.addi %mul3A_2, %add3A_79 : i32
        %sub3A_104 = arith.constant 2 : i32
        %sub3A_105 = arith.subi %add3A_103, %sub3A_104 : i32
        %dma_wait3A_106 = arith.constant 0 : i32
        %dma_wait3A_107 = arith.constant 0 : i32
        %dma_wait3A_108 = tpu.memref_slice %arg4[%sub3A_105, %dma_wait3A_106, %dma_wait3A_107] : memref<4096x20x1001xf32, #tpu.memory_space<hbm>> -> memref<1x20x1001xf32, #tpu.memory_space<hbm>>
        %dma_wait3A_109 = tpu.memref_squeeze %dma_wait3A_108 : memref<1x20x1001xf32, #tpu.memory_space<hbm>> -> memref<20x1001xf32, #tpu.memory_space<hbm>>
        %dma_wait3A_110 = arith.constant 0 : i32
        %dma_wait3A_111 = arith.constant 0 : i32
        %dma_wait3A_112 = tpu.memref_slice %arg4[%sub3A_105, %dma_wait3A_110, %dma_wait3A_111] : memref<4096x20x1001xf32, #tpu.memory_space<hbm>> -> memref<1x20x1001xf32, #tpu.memory_space<hbm>>
        %dma_wait3A_113 = tpu.memref_squeeze %dma_wait3A_112 : memref<1x20x1001xf32, #tpu.memory_space<hbm>> -> memref<20x1001xf32, #tpu.memory_space<hbm>>
        tpu.wait_dma2 semaphore(%arg14 : memref<!tpu.dma_semaphore, #tpu.memory_space<semaphore_mem>>) src(%arg10 : memref<20x1001xf32, #tpu.memory_space<vmem>>) dst(%dma_wait3A_113 : memref<20x1001xf32, #tpu.memory_space<hbm>>)
      } else {
      }
      %parallel_loop3A_91 = arith.constant 0 : i32
      %parallel_loop3A_92 = arith.constant 20 : i32
      %parallel_loop3A_93 = arith.constant 1 : i32
      scf.for %parallel_loop3A_103 = %parallel_loop3A_91 to %parallel_loop3A_92 step %parallel_loop3A_93  : i32 {
        %parallel_loop3A_104 = arith.constant 0 : i32
        %parallel_loop3A_105 = tpu.memref_slice %arg8[%parallel_loop3A_103, %parallel_loop3A_104] : memref<24x1024xf32, #tpu.memory_space<vmem>> -> memref<1x1024xf32, #tpu.memory_space<vmem>>
        %parallel_loop3A_106 = tpu.memref_squeeze %parallel_loop3A_105 : memref<1x1024xf32, #tpu.memory_space<vmem>> -> memref<1024xf32, #tpu.memory_space<vmem>>
        %parallel_loop3A_107 = arith.constant 0 : index
        %parallel_loop3A_108 = tpu.vector_load %parallel_loop3A_106[%parallel_loop3A_107] {strides = array<i32>} : memref<1024xf32, #tpu.memory_space<vmem>>, vector<16xf32>,
        %parallel_loop3A_109 = vector.shape_cast %parallel_loop3A_108 : vector<16xf32> to vector<16xf32>
        %parallel_loop3A_110 = arith.index_cast %parallel_loop3A_103 : i32 to index
        %parallel_loop3A_111 = arith.constant 0 : index
        %parallel_loop3A_112 = tpu.vector_load %arg10[%parallel_loop3A_110, %parallel_loop3A_111] {strides = array<i32>} : memref<20x1001xf32, #tpu.memory_space<vmem>>, vector<1x16xf32>,
        %parallel_loop3A_113 = vector.shape_cast %parallel_loop3A_112 : vector<1x16xf32> to vector<16xf32>
        %parallel_loop3A_114 = vector.shape_cast %parallel_loop3A_109 : vector<16xf32> to vector<1x16xf32>
        tpu.vector_store %arg10[%parallel_loop3A_110, %parallel_loop3A_111], %parallel_loop3A_114 {strides = array<i32>} : memref<20x1001xf32, #tpu.memory_space<vmem>>, vector<1x16xf32>,
        %parallel_loop3A_115 = arith.constant 0 : i32
        %parallel_loop3A_116 = tpu.memref_slice %arg8[%parallel_loop3A_103, %parallel_loop3A_115] : memref<24x1024xf32, #tpu.memory_space<vmem>> -> memref<1x1024xf32, #tpu.memory_space<vmem>>
        %parallel_loop3A_117 = tpu.memref_squeeze %parallel_loop3A_116 : memref<1x1024xf32, #tpu.memory_space<vmem>> -> memref<1024xf32, #tpu.memory_space<vmem>>
        %parallel_loop3A_118 = arith.constant 16 : index
        %parallel_loop3A_119 = tpu.vector_load %parallel_loop3A_117[%parallel_loop3A_118] {strides = array<i32>} : memref<1024xf32, #tpu.memory_space<vmem>>, vector<16xf32>,
        %parallel_loop3A_120 = vector.shape_cast %parallel_loop3A_119 : vector<16xf32> to vector<16xf32>
        %parallel_loop3A_121 = arith.index_cast %parallel_loop3A_103 : i32 to index
        %parallel_loop3A_122 = arith.constant 16 : index
        %parallel_loop3A_123 = tpu.vector_load %arg10[%parallel_loop3A_121, %parallel_loop3A_122] {strides = array<i32>} : memref<20x1001xf32, #tpu.memory_space<vmem>>, vector<1x16xf32>,
        %parallel_loop3A_124 = vector.shape_cast %parallel_loop3A_123 : vector<1x16xf32> to vector<16xf32>
        %parallel_loop3A_125 = vector.shape_cast %parallel_loop3A_120 : vector<16xf32> to vector<1x16xf32>
        tpu.vector_store %arg10[%parallel_loop3A_121, %parallel_loop3A_122], %parallel_loop3A_125 {strides = array<i32>} : memref<20x1001xf32, #tpu.memory_space<vmem>>, vector<1x16xf32>,
        %parallel_loop3A_126 = arith.constant 0 : i32
        %parallel_loop3A_127 = tpu.memref_slice %arg8[%parallel_loop3A_103, %parallel_loop3A_126] : memref<24x1024xf32, #tpu.memory_space<vmem>> -> memref<1x1024xf32, #tpu.memory_space<vmem>>
        %parallel_loop3A_128 = tpu.memref_squeeze %parallel_loop3A_127 : memref<1x1024xf32, #tpu.memory_space<vmem>> -> memref<1024xf32, #tpu.memory_space<vmem>>
        %parallel_loop3A_129 = arith.constant 32 : index
        %parallel_loop3A_130 = tpu.vector_load %parallel_loop3A_128[%parallel_loop3A_129] {strides = array<i32>} : memref<1024xf32, #tpu.memory_space<vmem>>, vector<16xf32>,
        %parallel_loop3A_131 = vector.shape_cast %parallel_loop3A_130 : vector<16xf32> to vector<16xf32>
        %parallel_loop3A_132 = arith.index_cast %parallel_loop3A_103 : i32 to index
        %parallel_loop3A_133 = arith.constant 32 : index
        %parallel_loop3A_134 = tpu.vector_load %arg10[%parallel_loop3A_132, %parallel_loop3A_133] {strides = array<i32>} : memref<20x1001xf32, #tpu.memory_space<vmem>>, vector<1x16xf32>,
        %parallel_loop3A_135 = vector.shape_cast %parallel_loop3A_134 : vector<1x16xf32> to vector<16xf32>
        %parallel_loop3A_136 = vector.shape_cast %parallel_loop3A_131 : vector<16xf32> to vector<1x16xf32>
        tpu.vector_store %arg10[%parallel_loop3A_132, %parallel_loop3A_133], %parallel_loop3A_136 {strides = array<i32>} : memref<20x1001xf32, #tpu.memory_space<vmem>>, vector<1x16xf32>,
        %parallel_loop3A_137 = arith.constant 0 : i32
        %parallel_loop3A_138 = tpu.memref_slice %arg8[%parallel_loop3A_103, %parallel_loop3A_137] : memref<24x1024xf32, #tpu.memory_space<vmem>> -> memref<1x1024xf32, #tpu.memory_space<vmem>>
        %parallel_loop3A_139 = tpu.memref_squeeze %parallel_loop3A_138 : memref<1x1024xf32, #tpu.memory_space<vmem>> -> memref<1024xf32, #tpu.memory_space<vmem>>
        %parallel_loop3A_140 = arith.constant 48 : index
        %parallel_loop3A_141 = tpu.vector_load %parallel_loop3A_139[%parallel_loop3A_140] {strides = array<i32>} : memref<1024xf32, #tpu.memory_space<vmem>>, vector<16xf32>,
        %parallel_loop3A_142 = vector.shape_cast %parallel_loop3A_141 : vector<16xf32> to vector<16xf32>
        %parallel_loop3A_143 = arith.index_cast %parallel_loop3A_103 : i32 to index
        %parallel_loop3A_144 = arith.constant 48 : index
        %parallel_loop3A_145 = tpu.vector_load %arg10[%parallel_loop3A_143, %parallel_loop3A_144] {strides = array<i32>} : memref<20x1001xf32, #tpu.memory_space<vmem>>, vector<1x16xf32>,
        %parallel_loop3A_146 = vector.shape_cast %parallel_loop3A_145 : vector<1x16xf32> to vector<16xf32>
        %parallel_loop3A_147 = vector.shape_cast %parallel_loop3A_142 : vector<16xf32> to vector<1x16xf32>
        tpu.vector_store %arg10[%parallel_loop3A_143, %parallel_loop3A_144], %parallel_loop3A_147 {strides = array<i32>} : memref<20x1001xf32, #tpu.memory_space<vmem>>, vector<1x16xf32>,
        %parallel_loop3A_148 = arith.constant 0 : i32
        %parallel_loop3A_149 = tpu.memref_slice %arg8[%parallel_loop3A_103, %parallel_loop3A_148] : memref<24x1024xf32, #tpu.memory_space<vmem>> -> memref<1x1024xf32, #tpu.memory_space<vmem>>
        %parallel_loop3A_150 = tpu.memref_squeeze %parallel_loop3A_149 : memref<1x1024xf32, #tpu.memory_space<vmem>> -> memref<1024xf32, #tpu.memory_space<vmem>>
        %parallel_loop3A_151 = arith.constant 64 : index
        %parallel_loop3A_152 = tpu.vector_load %parallel_loop3A_150[%parallel_loop3A_151] {strides = array<i32>} : memref<1024xf32, #tpu.memory_space<vmem>>, vector<16xf32>,
        %parallel_loop3A_153 = vector.shape_cast %parallel_loop3A_152 : vector<16xf32> to vector<16xf32>
        %parallel_loop3A_154 = arith.index_cast %parallel_loop3A_103 : i32 to index
        %parallel_loop3A_155 = arith.constant 64 : index
        %parallel_loop3A_156 = tpu.vector_load %arg10[%parallel_loop3A_154, %parallel_loop3A_155] {strides = array<i32>} : memref<20x1001xf32, #tpu.memory_space<vmem>>, vector<1x16xf32>,
        %parallel_loop3A_157 = vector.shape_cast %parallel_loop3A_156 : vector<1x16xf32> to vector<16xf32>
        %parallel_loop3A_158 = vector.shape_cast %parallel_loop3A_153 : vector<16xf32> to vector<1x16xf32>
        tpu.vector_store %arg10[%parallel_loop3A_154, %parallel_loop3A_155], %parallel_loop3A_158 {strides = array<i32>} : memref<20x1001xf32, #tpu.memory_space<vmem>>, vector<1x16xf32>,
        %parallel_loop3A_159 = arith.constant 0 : i32
        %parallel_loop3A_160 = tpu.memref_slice %arg8[%parallel_loop3A_103, %parallel_loop3A_159] : memref<24x1024xf32, #tpu.memory_space<vmem>> -> memref<1x1024xf32, #tpu.memory_space<vmem>>
        %parallel_loop3A_161 = tpu.memref_squeeze %parallel_loop3A_160 : memref<1x1024xf32, #tpu.memory_space<vmem>> -> memref<1024xf32, #tpu.memory_space<vmem>>
        %parallel_loop3A_162 = arith.constant 80 : index
        %parallel_loop3A_163 = tpu.vector_load %parallel_loop3A_161[%parallel_loop3A_162] {strides = array<i32>} : memref<1024xf32, #tpu.memory_space<vmem>>, vector<16xf32>,
        %parallel_loop3A_164 = vector.shape_cast %parallel_loop3A_163 : vector<16xf32> to vector<16xf32>
        %parallel_loop3A_165 = arith.index_cast %parallel_loop3A_103 : i32 to index
        %parallel_loop3A_166 = arith.constant 80 : index
        %parallel_loop3A_167 = tpu.vector_load %arg10[%parallel_loop3A_165, %parallel_loop3A_166] {strides = array<i32>} : memref<20x1001xf32, #tpu.memory_space<vmem>>, vector<1x16xf32>,
        %parallel_loop3A_168 = vector.shape_cast %parallel_loop3A_167 : vector<1x16xf32> to vector<16xf32>
        %parallel_loop3A_169 = vector.shape_cast %parallel_loop3A_164 : vector<16xf32> to vector<1x16xf32>
        tpu.vector_store %arg10[%parallel_loop3A_165, %parallel_loop3A_166], %parallel_loop3A_169 {strides = array<i32>} : memref<20x1001xf32, #tpu.memory_space<vmem>>, vector<1x16xf32>,
        %parallel_loop3A_170 = arith.constant 0 : i32
        %parallel_loop3A_171 = tpu.memref_slice %arg8[%parallel_loop3A_103, %parallel_loop3A_170] : memref<24x1024xf32, #tpu.memory_space<vmem>> -> memref<1x1024xf32, #tpu.memory_space<vmem>>
        %parallel_loop3A_172 = tpu.memref_squeeze %parallel_loop3A_171 : memref<1x1024xf32, #tpu.memory_space<vmem>> -> memref<1024xf32, #tpu.memory_space<vmem>>
        %parallel_loop3A_173 = arith.constant 96 : index
        %parallel_loop3A_174 = tpu.vector_load %parallel_loop3A_172[%parallel_loop3A_173] {strides = array<i32>} : memref<1024xf32, #tpu.memory_space<vmem>>, vector<16xf32>,
        %parallel_loop3A_175 = vector.shape_cast %parallel_loop3A_174 : vector<16xf32> to vector<16xf32>
        %parallel_loop3A_176 = arith.index_cast %parallel_loop3A_103 : i32 to index
        %parallel_loop3A_177 = arith.constant 96 : index
        %parallel_loop3A_178 = tpu.vector_load %arg10[%parallel_loop3A_176, %parallel_loop3A_177] {strides = array<i32>} : memref<20x1001xf32, #tpu.memory_space<vmem>>, vector<1x16xf32>,
        %parallel_loop3A_179 = vector.shape_cast %parallel_loop3A_178 : vector<1x16xf32> to vector<16xf32>
        %parallel_loop3A_180 = vector.shape_cast %parallel_loop3A_175 : vector<16xf32> to vector<1x16xf32>
        tpu.vector_store %arg10[%parallel_loop3A_176, %parallel_loop3A_177], %parallel_loop3A_180 {strides = array<i32>} : memref<20x1001xf32, #tpu.memory_space<vmem>>, vector<1x16xf32>,
        %parallel_loop3A_181 = arith.constant 0 : i32
        %parallel_loop3A_182 = tpu.memref_slice %arg8[%parallel_loop3A_103, %parallel_loop3A_181] : memref<24x1024xf32, #tpu.memory_space<vmem>> -> memref<1x1024xf32, #tpu.memory_space<vmem>>
        %parallel_loop3A_183 = tpu.memref_squeeze %parallel_loop3A_182 : memref<1x1024xf32, #tpu.memory_space<vmem>> -> memref<1024xf32, #tpu.memory_space<vmem>>
        %parallel_loop3A_184 = arith.constant 112 : index
        %parallel_loop3A_185 = tpu.vector_load %parallel_loop3A_183[%parallel_loop3A_184] {strides = array<i32>} : memref<1024xf32, #tpu.memory_space<vmem>>, vector<16xf32>,
        %parallel_loop3A_186 = vector.shape_cast %parallel_loop3A_185 : vector<16xf32> to vector<16xf32>
        %parallel_loop3A_187 = arith.index_cast %parallel_loop3A_103 : i32 to index
        %parallel_loop3A_188 = arith.constant 112 : index
        %parallel_loop3A_189 = tpu.vector_load %arg10[%parallel_loop3A_187, %parallel_loop3A_188] {strides = array<i32>} : memref<20x1001xf32, #tpu.memory_space<vmem>>, vector<1x16xf32>,
        %parallel_loop3A_190 = vector.shape_cast %parallel_loop3A_189 : vector<1x16xf32> to vector<16xf32>
        %parallel_loop3A_191 = vector.shape_cast %parallel_loop3A_186 : vector<16xf32> to vector<1x16xf32>
        tpu.vector_store %arg10[%parallel_loop3A_187, %parallel_loop3A_188], %parallel_loop3A_191 {strides = array<i32>} : memref<20x1001xf32, #tpu.memory_space<vmem>>, vector<1x16xf32>,
        %parallel_loop3A_192 = arith.constant 0 : i32
        %parallel_loop3A_193 = tpu.memref_slice %arg8[%parallel_loop3A_103, %parallel_loop3A_192] : memref<24x1024xf32, #tpu.memory_space<vmem>> -> memref<1x1024xf32, #tpu.memory_space<vmem>>
        %parallel_loop3A_194 = tpu.memref_squeeze %parallel_loop3A_193 : memref<1x1024xf32, #tpu.memory_space<vmem>> -> memref<1024xf32, #tpu.memory_space<vmem>>
        %parallel_loop3A_195 = arith.constant 128 : index
        %parallel_loop3A_196 = tpu.vector_load %parallel_loop3A_194[%parallel_loop3A_195] {strides = array<i32>} : memref<1024xf32, #tpu.memory_space<vmem>>, vector<16xf32>,
        %parallel_loop3A_197 = vector.shape_cast %parallel_loop3A_196 : vector<16xf32> to vector<16xf32>
        %parallel_loop3A_198 = arith.index_cast %parallel_loop3A_103 : i32 to index
        %parallel_loop3A_199 = arith.constant 128 : index
        %parallel_loop3A_200 = tpu.vector_load %arg10[%parallel_loop3A_198, %parallel_loop3A_199] {strides = array<i32>} : memref<20x1001xf32, #tpu.memory_space<vmem>>, vector<1x16xf32>,
        %parallel_loop3A_201 = vector.shape_cast %parallel_loop3A_200 : vector<1x16xf32> to vector<16xf32>
        %parallel_loop3A_202 = vector.shape_cast %parallel_loop3A_197 : vector<16xf32> to vector<1x16xf32>
        tpu.vector_store %arg10[%parallel_loop3A_198, %parallel_loop3A_199], %parallel_loop3A_202 {strides = array<i32>} : memref<20x1001xf32, #tpu.memory_space<vmem>>, vector<1x16xf32>,
        %parallel_loop3A_203 = arith.constant 0 : i32
        %parallel_loop3A_204 = tpu.memref_slice %arg8[%parallel_loop3A_103, %parallel_loop3A_203] : memref<24x1024xf32, #tpu.memory_space<vmem>> -> memref<1x1024xf32, #tpu.memory_space<vmem>>
        %parallel_loop3A_205 = tpu.memref_squeeze %parallel_loop3A_204 : memref<1x1024xf32, #tpu.memory_space<vmem>> -> memref<1024xf32, #tpu.memory_space<vmem>>
        %parallel_loop3A_206 = arith.constant 144 : index
        %parallel_loop3A_207 = tpu.vector_load %parallel_loop3A_205[%parallel_loop3A_206] {strides = array<i32>} : memref<1024xf32, #tpu.memory_space<vmem>>, vector<16xf32>,
        %parallel_loop3A_208 = vector.shape_cast %parallel_loop3A_207 : vector<16xf32> to vector<16xf32>
        %parallel_loop3A_209 = arith.index_cast %parallel_loop3A_103 : i32 to index
        %parallel_loop3A_210 = arith.constant 144 : index
        %parallel_loop3A_211 = tpu.vector_load %arg10[%parallel_loop3A_209, %parallel_loop3A_210] {strides = array<i32>} : memref<20x1001xf32, #tpu.memory_space<vmem>>, vector<1x16xf32>,
        %parallel_loop3A_212 = vector.shape_cast %parallel_loop3A_211 : vector<1x16xf32> to vector<16xf32>
        %parallel_loop3A_213 = vector.shape_cast %parallel_loop3A_208 : vector<16xf32> to vector<1x16xf32>
        tpu.vector_store %arg10[%parallel_loop3A_209, %parallel_loop3A_210], %parallel_loop3A_213 {strides = array<i32>} : memref<20x1001xf32, #tpu.memory_space<vmem>>, vector<1x16xf32>,
        %parallel_loop3A_214 = arith.constant 0 : i32
        %parallel_loop3A_215 = tpu.memref_slice %arg8[%parallel_loop3A_103, %parallel_loop3A_214] : memref<24x1024xf32, #tpu.memory_space<vmem>> -> memref<1x1024xf32, #tpu.memory_space<vmem>>
        %parallel_loop3A_216 = tpu.memref_squeeze %parallel_loop3A_215 : memref<1x1024xf32, #tpu.memory_space<vmem>> -> memref<1024xf32, #tpu.memory_space<vmem>>
        %parallel_loop3A_217 = arith.constant 160 : index
        %parallel_loop3A_218 = tpu.vector_load %parallel_loop3A_216[%parallel_loop3A_217] {strides = array<i32>} : memref<1024xf32, #tpu.memory_space<vmem>>, vector<16xf32>,
        %parallel_loop3A_219 = vector.shape_cast %parallel_loop3A_218 : vector<16xf32> to vector<16xf32>
        %parallel_loop3A_220 = arith.index_cast %parallel_loop3A_103 : i32 to index
        %parallel_loop3A_221 = arith.constant 160 : index
        %parallel_loop3A_222 = tpu.vector_load %arg10[%parallel_loop3A_220, %parallel_loop3A_221] {strides = array<i32>} : memref<20x1001xf32, #tpu.memory_space<vmem>>, vector<1x16xf32>,
        %parallel_loop3A_223 = vector.shape_cast %parallel_loop3A_222 : vector<1x16xf32> to vector<16xf32>
        %parallel_loop3A_224 = vector.shape_cast %parallel_loop3A_219 : vector<16xf32> to vector<1x16xf32>
        tpu.vector_store %arg10[%parallel_loop3A_220, %parallel_loop3A_221], %parallel_loop3A_224 {strides = array<i32>} : memref<20x1001xf32, #tpu.memory_space<vmem>>, vector<1x16xf32>,
        %parallel_loop3A_225 = arith.constant 0 : i32
        %parallel_loop3A_226 = tpu.memref_slice %arg8[%parallel_loop3A_103, %parallel_loop3A_225] : memref<24x1024xf32, #tpu.memory_space<vmem>> -> memref<1x1024xf32, #tpu.memory_space<vmem>>
        %parallel_loop3A_227 = tpu.memref_squeeze %parallel_loop3A_226 : memref<1x1024xf32, #tpu.memory_space<vmem>> -> memref<1024xf32, #tpu.memory_space<vmem>>
        %parallel_loop3A_228 = arith.constant 176 : index
        %parallel_loop3A_229 = tpu.vector_load %parallel_loop3A_227[%parallel_loop3A_228] {strides = array<i32>} : memref<1024xf32, #tpu.memory_space<vmem>>, vector<16xf32>,
        %parallel_loop3A_230 = vector.shape_cast %parallel_loop3A_229 : vector<16xf32> to vector<16xf32>
        %parallel_loop3A_231 = arith.index_cast %parallel_loop3A_103 : i32 to index
        %parallel_loop3A_232 = arith.constant 176 : index
        %parallel_loop3A_233 = tpu.vector_load %arg10[%parallel_loop3A_231, %parallel_loop3A_232] {strides = array<i32>} : memref<20x1001xf32, #tpu.memory_space<vmem>>, vector<1x16xf32>,
        %parallel_loop3A_234 = vector.shape_cast %parallel_loop3A_233 : vector<1x16xf32> to vector<16xf32>
        %parallel_loop3A_235 = vector.shape_cast %parallel_loop3A_230 : vector<16xf32> to vector<1x16xf32>
        tpu.vector_store %arg10[%parallel_loop3A_231, %parallel_loop3A_232], %parallel_loop3A_235 {strides = array<i32>} : memref<20x1001xf32, #tpu.memory_space<vmem>>, vector<1x16xf32>,
        %parallel_loop3A_236 = arith.constant 0 : i32
        %parallel_loop3A_237 = tpu.memref_slice %arg8[%parallel_loop3A_103, %parallel_loop3A_236] : memref<24x1024xf32, #tpu.memory_space<vmem>> -> memref<1x1024xf32, #tpu.memory_space<vmem>>
        %parallel_loop3A_238 = tpu.memref_squeeze %parallel_loop3A_237 : memref<1x1024xf32, #tpu.memory_space<vmem>> -> memref<1024xf32, #tpu.memory_space<vmem>>
        %parallel_loop3A_239 = arith.constant 192 : index
        %parallel_loop3A_240 = tpu.vector_load %parallel_loop3A_238[%parallel_loop3A_239] {strides = array<i32>} : memref<1024xf32, #tpu.memory_space<vmem>>, vector<16xf32>,
        %parallel_loop3A_241 = vector.shape_cast %parallel_loop3A_240 : vector<16xf32> to vector<16xf32>
        %parallel_loop3A_242 = arith.index_cast %parallel_loop3A_103 : i32 to index
        %parallel_loop3A_243 = arith.constant 192 : index
        %parallel_loop3A_244 = tpu.vector_load %arg10[%parallel_loop3A_242, %parallel_loop3A_243] {strides = array<i32>} : memref<20x1001xf32, #tpu.memory_space<vmem>>, vector<1x16xf32>,
        %parallel_loop3A_245 = vector.shape_cast %parallel_loop3A_244 : vector<1x16xf32> to vector<16xf32>
        %parallel_loop3A_246 = vector.shape_cast %parallel_loop3A_241 : vector<16xf32> to vector<1x16xf32>
        tpu.vector_store %arg10[%parallel_loop3A_242, %parallel_loop3A_243], %parallel_loop3A_246 {strides = array<i32>} : memref<20x1001xf32, #tpu.memory_space<vmem>>, vector<1x16xf32>,
        %parallel_loop3A_247 = arith.constant 0 : i32
        %parallel_loop3A_248 = tpu.memref_slice %arg8[%parallel_loop3A_103, %parallel_loop3A_247] : memref<24x1024xf32, #tpu.memory_space<vmem>> -> memref<1x1024xf32, #tpu.memory_space<vmem>>
        %parallel_loop3A_249 = tpu.memref_squeeze %parallel_loop3A_248 : memref<1x1024xf32, #tpu.memory_space<vmem>> -> memref<1024xf32, #tpu.memory_space<vmem>>
        %parallel_loop3A_250 = arith.constant 208 : index
        %parallel_loop3A_251 = tpu.vector_load %parallel_loop3A_249[%parallel_loop3A_250] {strides = array<i32>} : memref<1024xf32, #tpu.memory_space<vmem>>, vector<16xf32>,
        %parallel_loop3A_252 = vector.shape_cast %parallel_loop3A_251 : vector<16xf32> to vector<16xf32>
        %parallel_loop3A_253 = arith.index_cast %parallel_loop3A_103 : i32 to index
        %parallel_loop3A_254 = arith.constant 208 : index
        %parallel_loop3A_255 = tpu.vector_load %arg10[%parallel_loop3A_253, %parallel_loop3A_254] {strides = array<i32>} : memref<20x1001xf32, #tpu.memory_space<vmem>>, vector<1x16xf32>,
        %parallel_loop3A_256 = vector.shape_cast %parallel_loop3A_255 : vector<1x16xf32> to vector<16xf32>
        %parallel_loop3A_257 = vector.shape_cast %parallel_loop3A_252 : vector<16xf32> to vector<1x16xf32>
        tpu.vector_store %arg10[%parallel_loop3A_253, %parallel_loop3A_254], %parallel_loop3A_257 {strides = array<i32>} : memref<20x1001xf32, #tpu.memory_space<vmem>>, vector<1x16xf32>,
        %parallel_loop3A_258 = arith.constant 0 : i32
        %parallel_loop3A_259 = tpu.memref_slice %arg8[%parallel_loop3A_103, %parallel_loop3A_258] : memref<24x1024xf32, #tpu.memory_space<vmem>> -> memref<1x1024xf32, #tpu.memory_space<vmem>>
        %parallel_loop3A_260 = tpu.memref_squeeze %parallel_loop3A_259 : memref<1x1024xf32, #tpu.memory_space<vmem>> -> memref<1024xf32, #tpu.memory_space<vmem>>
        %parallel_loop3A_261 = arith.constant 224 : index
        %parallel_loop3A_262 = tpu.vector_load %parallel_loop3A_260[%parallel_loop3A_261] {strides = array<i32>} : memref<1024xf32, #tpu.memory_space<vmem>>, vector<16xf32>,
        %parallel_loop3A_263 = vector.shape_cast %parallel_loop3A_262 : vector<16xf32> to vector<16xf32>
        %parallel_loop3A_264 = arith.index_cast %parallel_loop3A_103 : i32 to index
        %parallel_loop3A_265 = arith.constant 224 : index
        %parallel_loop3A_266 = tpu.vector_load %arg10[%parallel_loop3A_264, %parallel_loop3A_265] {strides = array<i32>} : memref<20x1001xf32, #tpu.memory_space<vmem>>, vector<1x16xf32>,
        %parallel_loop3A_267 = vector.shape_cast %parallel_loop3A_266 : vector<1x16xf32> to vector<16xf32>
        %parallel_loop3A_268 = vector.shape_cast %parallel_loop3A_263 : vector<16xf32> to vector<1x16xf32>
        tpu.vector_store %arg10[%parallel_loop3A_264, %parallel_loop3A_265], %parallel_loop3A_268 {strides = array<i32>} : memref<20x1001xf32, #tpu.memory_space<vmem>>, vector<1x16xf32>,
        %parallel_loop3A_269 = arith.constant 0 : i32
        %parallel_loop3A_270 = tpu.memref_slice %arg8[%parallel_loop3A_103, %parallel_loop3A_269] : memref<24x1024xf32, #tpu.memory_space<vmem>> -> memref<1x1024xf32, #tpu.memory_space<vmem>>
        %parallel_loop3A_271 = tpu.memref_squeeze %parallel_loop3A_270 : memref<1x1024xf32, #tpu.memory_space<vmem>> -> memref<1024xf32, #tpu.memory_space<vmem>>
        %parallel_loop3A_272 = arith.constant 240 : index
        %parallel_loop3A_273 = tpu.vector_load %parallel_loop3A_271[%parallel_loop3A_272] {strides = array<i32>} : memref<1024xf32, #tpu.memory_space<vmem>>, vector<16xf32>,
        %parallel_loop3A_274 = vector.shape_cast %parallel_loop3A_273 : vector<16xf32> to vector<16xf32>
        %parallel_loop3A_275 = arith.index_cast %parallel_loop3A_103 : i32 to index
        %parallel_loop3A_276 = arith.constant 240 : index
        %parallel_loop3A_277 = tpu.vector_load %arg10[%parallel_loop3A_275, %parallel_loop3A_276] {strides = array<i32>} : memref<20x1001xf32, #tpu.memory_space<vmem>>, vector<1x16xf32>,
        %parallel_loop3A_278 = vector.shape_cast %parallel_loop3A_277 : vector<1x16xf32> to vector<16xf32>
        %parallel_loop3A_279 = vector.shape_cast %parallel_loop3A_274 : vector<16xf32> to vector<1x16xf32>
        tpu.vector_store %arg10[%parallel_loop3A_275, %parallel_loop3A_276], %parallel_loop3A_279 {strides = array<i32>} : memref<20x1001xf32, #tpu.memory_space<vmem>>, vector<1x16xf32>,
        %parallel_loop3A_280 = arith.constant 0 : i32
        %parallel_loop3A_281 = tpu.memref_slice %arg8[%parallel_loop3A_103, %parallel_loop3A_280] : memref<24x1024xf32, #tpu.memory_space<vmem>> -> memref<1x1024xf32, #tpu.memory_space<vmem>>
        %parallel_loop3A_282 = tpu.memref_squeeze %parallel_loop3A_281 : memref<1x1024xf32, #tpu.memory_space<vmem>> -> memref<1024xf32, #tpu.memory_space<vmem>>
        %parallel_loop3A_283 = arith.constant 256 : index
        %parallel_loop3A_284 = tpu.vector_load %parallel_loop3A_282[%parallel_loop3A_283] {strides = array<i32>} : memref<1024xf32, #tpu.memory_space<vmem>>, vector<16xf32>,
        %parallel_loop3A_285 = vector.shape_cast %parallel_loop3A_284 : vector<16xf32> to vector<16xf32>
        %parallel_loop3A_286 = arith.index_cast %parallel_loop3A_103 : i32 to index
        %parallel_loop3A_287 = arith.constant 256 : index
        %parallel_loop3A_288 = tpu.vector_load %arg10[%parallel_loop3A_286, %parallel_loop3A_287] {strides = array<i32>} : memref<20x1001xf32, #tpu.memory_space<vmem>>, vector<1x16xf32>,
        %parallel_loop3A_289 = vector.shape_cast %parallel_loop3A_288 : vector<1x16xf32> to vector<16xf32>
        %parallel_loop3A_290 = vector.shape_cast %parallel_loop3A_285 : vector<16xf32> to vector<1x16xf32>
        tpu.vector_store %arg10[%parallel_loop3A_286, %parallel_loop3A_287], %parallel_loop3A_290 {strides = array<i32>} : memref<20x1001xf32, #tpu.memory_space<vmem>>, vector<1x16xf32>,
        %parallel_loop3A_291 = arith.constant 0 : i32
        %parallel_loop3A_292 = tpu.memref_slice %arg8[%parallel_loop3A_103, %parallel_loop3A_291] : memref<24x1024xf32, #tpu.memory_space<vmem>> -> memref<1x1024xf32, #tpu.memory_space<vmem>>
        %parallel_loop3A_293 = tpu.memref_squeeze %parallel_loop3A_292 : memref<1x1024xf32, #tpu.memory_space<vmem>> -> memref<1024xf32, #tpu.memory_space<vmem>>
        %parallel_loop3A_294 = arith.constant 272 : index
        %parallel_loop3A_295 = tpu.vector_load %parallel_loop3A_293[%parallel_loop3A_294] {strides = array<i32>} : memref<1024xf32, #tpu.memory_space<vmem>>, vector<16xf32>,
        %parallel_loop3A_296 = vector.shape_cast %parallel_loop3A_295 : vector<16xf32> to vector<16xf32>
        %parallel_loop3A_297 = arith.index_cast %parallel_loop3A_103 : i32 to index
        %parallel_loop3A_298 = arith.constant 272 : index
        %parallel_loop3A_299 = tpu.vector_load %arg10[%parallel_loop3A_297, %parallel_loop3A_298] {strides = array<i32>} : memref<20x1001xf32, #tpu.memory_space<vmem>>, vector<1x16xf32>,
        %parallel_loop3A_300 = vector.shape_cast %parallel_loop3A_299 : vector<1x16xf32> to vector<16xf32>
        %parallel_loop3A_301 = vector.shape_cast %parallel_loop3A_296 : vector<16xf32> to vector<1x16xf32>
        tpu.vector_store %arg10[%parallel_loop3A_297, %parallel_loop3A_298], %parallel_loop3A_301 {strides = array<i32>} : memref<20x1001xf32, #tpu.memory_space<vmem>>, vector<1x16xf32>,
        %parallel_loop3A_302 = arith.constant 0 : i32
        %parallel_loop3A_303 = tpu.memref_slice %arg8[%parallel_loop3A_103, %parallel_loop3A_302] : memref<24x1024xf32, #tpu.memory_space<vmem>> -> memref<1x1024xf32, #tpu.memory_space<vmem>>
        %parallel_loop3A_304 = tpu.memref_squeeze %parallel_loop3A_303 : memref<1x1024xf32, #tpu.memory_space<vmem>> -> memref<1024xf32, #tpu.memory_space<vmem>>
        %parallel_loop3A_305 = arith.constant 288 : index
        %parallel_loop3A_306 = tpu.vector_load %parallel_loop3A_304[%parallel_loop3A_305] {strides = array<i32>} : memref<1024xf32, #tpu.memory_space<vmem>>, vector<16xf32>,
        %parallel_loop3A_307 = vector.shape_cast %parallel_loop3A_306 : vector<16xf32> to vector<16xf32>
        %parallel_loop3A_308 = arith.index_cast %parallel_loop3A_103 : i32 to index
        %parallel_loop3A_309 = arith.constant 288 : index
        %parallel_loop3A_310 = tpu.vector_load %arg10[%parallel_loop3A_308, %parallel_loop3A_309] {strides = array<i32>} : memref<20x1001xf32, #tpu.memory_space<vmem>>, vector<1x16xf32>,
        %parallel_loop3A_311 = vector.shape_cast %parallel_loop3A_310 : vector<1x16xf32> to vector<16xf32>
        %parallel_loop3A_312 = vector.shape_cast %parallel_loop3A_307 : vector<16xf32> to vector<1x16xf32>
        tpu.vector_store %arg10[%parallel_loop3A_308, %parallel_loop3A_309], %parallel_loop3A_312 {strides = array<i32>} : memref<20x1001xf32, #tpu.memory_space<vmem>>, vector<1x16xf32>,
        %parallel_loop3A_313 = arith.constant 0 : i32
        %parallel_loop3A_314 = tpu.memref_slice %arg8[%parallel_loop3A_103, %parallel_loop3A_313] : memref<24x1024xf32, #tpu.memory_space<vmem>> -> memref<1x1024xf32, #tpu.memory_space<vmem>>
        %parallel_loop3A_315 = tpu.memref_squeeze %parallel_loop3A_314 : memref<1x1024xf32, #tpu.memory_space<vmem>> -> memref<1024xf32, #tpu.memory_space<vmem>>
        %parallel_loop3A_316 = arith.constant 304 : index
        %parallel_loop3A_317 = tpu.vector_load %parallel_loop3A_315[%parallel_loop3A_316] {strides = array<i32>} : memref<1024xf32, #tpu.memory_space<vmem>>, vector<16xf32>,
        %parallel_loop3A_318 = vector.shape_cast %parallel_loop3A_317 : vector<16xf32> to vector<16xf32>
        %parallel_loop3A_319 = arith.index_cast %parallel_loop3A_103 : i32 to index
        %parallel_loop3A_320 = arith.constant 304 : index
        %parallel_loop3A_321 = tpu.vector_load %arg10[%parallel_loop3A_319, %parallel_loop3A_320] {strides = array<i32>} : memref<20x1001xf32, #tpu.memory_space<vmem>>, vector<1x16xf32>,
        %parallel_loop3A_322 = vector.shape_cast %parallel_loop3A_321 : vector<1x16xf32> to vector<16xf32>
        %parallel_loop3A_323 = vector.shape_cast %parallel_loop3A_318 : vector<16xf32> to vector<1x16xf32>
        tpu.vector_store %arg10[%parallel_loop3A_319, %parallel_loop3A_320], %parallel_loop3A_323 {strides = array<i32>} : memref<20x1001xf32, #tpu.memory_space<vmem>>, vector<1x16xf32>,
        %parallel_loop3A_324 = arith.constant 0 : i32
        %parallel_loop3A_325 = tpu.memref_slice %arg8[%parallel_loop3A_103, %parallel_loop3A_324] : memref<24x1024xf32, #tpu.memory_space<vmem>> -> memref<1x1024xf32, #tpu.memory_space<vmem>>
        %parallel_loop3A_326 = tpu.memref_squeeze %parallel_loop3A_325 : memref<1x1024xf32, #tpu.memory_space<vmem>> -> memref<1024xf32, #tpu.memory_space<vmem>>
        %parallel_loop3A_327 = arith.constant 320 : index
        %parallel_loop3A_328 = tpu.vector_load %parallel_loop3A_326[%parallel_loop3A_327] {strides = array<i32>} : memref<1024xf32, #tpu.memory_space<vmem>>, vector<16xf32>,
        %parallel_loop3A_329 = vector.shape_cast %parallel_loop3A_328 : vector<16xf32> to vector<16xf32>
        %parallel_loop3A_330 = arith.index_cast %parallel_loop3A_103 : i32 to index
        %parallel_loop3A_331 = arith.constant 320 : index
        %parallel_loop3A_332 = tpu.vector_load %arg10[%parallel_loop3A_330, %parallel_loop3A_331] {strides = array<i32>} : memref<20x1001xf32, #tpu.memory_space<vmem>>, vector<1x16xf32>,
        %parallel_loop3A_333 = vector.shape_cast %parallel_loop3A_332 : vector<1x16xf32> to vector<16xf32>
        %parallel_loop3A_334 = vector.shape_cast %parallel_loop3A_329 : vector<16xf32> to vector<1x16xf32>
        tpu.vector_store %arg10[%parallel_loop3A_330, %parallel_loop3A_331], %parallel_loop3A_334 {strides = array<i32>} : memref<20x1001xf32, #tpu.memory_space<vmem>>, vector<1x16xf32>,
        %parallel_loop3A_335 = arith.constant 0 : i32
        %parallel_loop3A_336 = tpu.memref_slice %arg8[%parallel_loop3A_103, %parallel_loop3A_335] : memref<24x1024xf32, #tpu.memory_space<vmem>> -> memref<1x1024xf32, #tpu.memory_space<vmem>>
        %parallel_loop3A_337 = tpu.memref_squeeze %parallel_loop3A_336 : memref<1x1024xf32, #tpu.memory_space<vmem>> -> memref<1024xf32, #tpu.memory_space<vmem>>
        %parallel_loop3A_338 = arith.constant 336 : index
        %parallel_loop3A_339 = tpu.vector_load %parallel_loop3A_337[%parallel_loop3A_338] {strides = array<i32>} : memref<1024xf32, #tpu.memory_space<vmem>>, vector<16xf32>,
        %parallel_loop3A_340 = vector.shape_cast %parallel_loop3A_339 : vector<16xf32> to vector<16xf32>
        %parallel_loop3A_341 = arith.index_cast %parallel_loop3A_103 : i32 to index
        %parallel_loop3A_342 = arith.constant 336 : index
        %parallel_loop3A_343 = tpu.vector_load %arg10[%parallel_loop3A_341, %parallel_loop3A_342] {strides = array<i32>} : memref<20x1001xf32, #tpu.memory_space<vmem>>, vector<1x16xf32>,
        %parallel_loop3A_344 = vector.shape_cast %parallel_loop3A_343 : vector<1x16xf32> to vector<16xf32>
        %parallel_loop3A_345 = vector.shape_cast %parallel_loop3A_340 : vector<16xf32> to vector<1x16xf32>
        tpu.vector_store %arg10[%parallel_loop3A_341, %parallel_loop3A_342], %parallel_loop3A_345 {strides = array<i32>} : memref<20x1001xf32, #tpu.memory_space<vmem>>, vector<1x16xf32>,
        %parallel_loop3A_346 = arith.constant 0 : i32
        %parallel_loop3A_347 = tpu.memref_slice %arg8[%parallel_loop3A_103, %parallel_loop3A_346] : memref<24x1024xf32, #tpu.memory_space<vmem>> -> memref<1x1024xf32, #tpu.memory_space<vmem>>
        %parallel_loop3A_348 = tpu.memref_squeeze %parallel_loop3A_347 : memref<1x1024xf32, #tpu.memory_space<vmem>> -> memref<1024xf32, #tpu.memory_space<vmem>>
        %parallel_loop3A_349 = arith.constant 352 : index
        %parallel_loop3A_350 = tpu.vector_load %parallel_loop3A_348[%parallel_loop3A_349] {strides = array<i32>} : memref<1024xf32, #tpu.memory_space<vmem>>, vector<16xf32>,
        %parallel_loop3A_351 = vector.shape_cast %parallel_loop3A_350 : vector<16xf32> to vector<16xf32>
        %parallel_loop3A_352 = arith.index_cast %parallel_loop3A_103 : i32 to index
        %parallel_loop3A_353 = arith.constant 352 : index
        %parallel_loop3A_354 = tpu.vector_load %arg10[%parallel_loop3A_352, %parallel_loop3A_353] {strides = array<i32>} : memref<20x1001xf32, #tpu.memory_space<vmem>>, vector<1x16xf32>,
        %parallel_loop3A_355 = vector.shape_cast %parallel_loop3A_354 : vector<1x16xf32> to vector<16xf32>
        %parallel_loop3A_356 = vector.shape_cast %parallel_loop3A_351 : vector<16xf32> to vector<1x16xf32>
        tpu.vector_store %arg10[%parallel_loop3A_352, %parallel_loop3A_353], %parallel_loop3A_356 {strides = array<i32>} : memref<20x1001xf32, #tpu.memory_space<vmem>>, vector<1x16xf32>,
        %parallel_loop3A_357 = arith.constant 0 : i32
        %parallel_loop3A_358 = tpu.memref_slice %arg8[%parallel_loop3A_103, %parallel_loop3A_357] : memref<24x1024xf32, #tpu.memory_space<vmem>> -> memref<1x1024xf32, #tpu.memory_space<vmem>>
        %parallel_loop3A_359 = tpu.memref_squeeze %parallel_loop3A_358 : memref<1x1024xf32, #tpu.memory_space<vmem>> -> memref<1024xf32, #tpu.memory_space<vmem>>
        %parallel_loop3A_360 = arith.constant 368 : index
        %parallel_loop3A_361 = tpu.vector_load %parallel_loop3A_359[%parallel_loop3A_360] {strides = array<i32>} : memref<1024xf32, #tpu.memory_space<vmem>>, vector<16xf32>,
        %parallel_loop3A_362 = vector.shape_cast %parallel_loop3A_361 : vector<16xf32> to vector<16xf32>
        %parallel_loop3A_363 = arith.index_cast %parallel_loop3A_103 : i32 to index
        %parallel_loop3A_364 = arith.constant 368 : index
        %parallel_loop3A_365 = tpu.vector_load %arg10[%parallel_loop3A_363, %parallel_loop3A_364] {strides = array<i32>} : memref<20x1001xf32, #tpu.memory_space<vmem>>, vector<1x16xf32>,
        %parallel_loop3A_366 = vector.shape_cast %parallel_loop3A_365 : vector<1x16xf32> to vector<16xf32>
        %parallel_loop3A_367 = vector.shape_cast %parallel_loop3A_362 : vector<16xf32> to vector<1x16xf32>
        tpu.vector_store %arg10[%parallel_loop3A_363, %parallel_loop3A_364], %parallel_loop3A_367 {strides = array<i32>} : memref<20x1001xf32, #tpu.memory_space<vmem>>, vector<1x16xf32>,
        %parallel_loop3A_368 = arith.constant 0 : i32
        %parallel_loop3A_369 = tpu.memref_slice %arg8[%parallel_loop3A_103, %parallel_loop3A_368] : memref<24x1024xf32, #tpu.memory_space<vmem>> -> memref<1x1024xf32, #tpu.memory_space<vmem>>
        %parallel_loop3A_370 = tpu.memref_squeeze %parallel_loop3A_369 : memref<1x1024xf32, #tpu.memory_space<vmem>> -> memref<1024xf32, #tpu.memory_space<vmem>>
        %parallel_loop3A_371 = arith.constant 384 : index
        %parallel_loop3A_372 = tpu.vector_load %parallel_loop3A_370[%parallel_loop3A_371] {strides = array<i32>} : memref<1024xf32, #tpu.memory_space<vmem>>, vector<16xf32>,
        %parallel_loop3A_373 = vector.shape_cast %parallel_loop3A_372 : vector<16xf32> to vector<16xf32>
        %parallel_loop3A_374 = arith.index_cast %parallel_loop3A_103 : i32 to index
        %parallel_loop3A_375 = arith.constant 384 : index
        %parallel_loop3A_376 = tpu.vector_load %arg10[%parallel_loop3A_374, %parallel_loop3A_375] {strides = array<i32>} : memref<20x1001xf32, #tpu.memory_space<vmem>>, vector<1x16xf32>,
        %parallel_loop3A_377 = vector.shape_cast %parallel_loop3A_376 : vector<1x16xf32> to vector<16xf32>
        %parallel_loop3A_378 = vector.shape_cast %parallel_loop3A_373 : vector<16xf32> to vector<1x16xf32>
        tpu.vector_store %arg10[%parallel_loop3A_374, %parallel_loop3A_375], %parallel_loop3A_378 {strides = array<i32>} : memref<20x1001xf32, #tpu.memory_space<vmem>>, vector<1x16xf32>,
        %parallel_loop3A_379 = arith.constant 0 : i32
        %parallel_loop3A_380 = tpu.memref_slice %arg8[%parallel_loop3A_103, %parallel_loop3A_379] : memref<24x1024xf32, #tpu.memory_space<vmem>> -> memref<1x1024xf32, #tpu.memory_space<vmem>>
        %parallel_loop3A_381 = tpu.memref_squeeze %parallel_loop3A_380 : memref<1x1024xf32, #tpu.memory_space<vmem>> -> memref<1024xf32, #tpu.memory_space<vmem>>
        %parallel_loop3A_382 = arith.constant 400 : index
        %parallel_loop3A_383 = tpu.vector_load %parallel_loop3A_381[%parallel_loop3A_382] {strides = array<i32>} : memref<1024xf32, #tpu.memory_space<vmem>>, vector<16xf32>,
        %parallel_loop3A_384 = vector.shape_cast %parallel_loop3A_383 : vector<16xf32> to vector<16xf32>
        %parallel_loop3A_385 = arith.index_cast %parallel_loop3A_103 : i32 to index
        %parallel_loop3A_386 = arith.constant 400 : index
        %parallel_loop3A_387 = tpu.vector_load %arg10[%parallel_loop3A_385, %parallel_loop3A_386] {strides = array<i32>} : memref<20x1001xf32, #tpu.memory_space<vmem>>, vector<1x16xf32>,
        %parallel_loop3A_388 = vector.shape_cast %parallel_loop3A_387 : vector<1x16xf32> to vector<16xf32>
        %parallel_loop3A_389 = vector.shape_cast %parallel_loop3A_384 : vector<16xf32> to vector<1x16xf32>
        tpu.vector_store %arg10[%parallel_loop3A_385, %parallel_loop3A_386], %parallel_loop3A_389 {strides = array<i32>} : memref<20x1001xf32, #tpu.memory_space<vmem>>, vector<1x16xf32>,
        %parallel_loop3A_390 = arith.constant 0 : i32
        %parallel_loop3A_391 = tpu.memref_slice %arg8[%parallel_loop3A_103, %parallel_loop3A_390] : memref<24x1024xf32, #tpu.memory_space<vmem>> -> memref<1x1024xf32, #tpu.memory_space<vmem>>
        %parallel_loop3A_392 = tpu.memref_squeeze %parallel_loop3A_391 : memref<1x1024xf32, #tpu.memory_space<vmem>> -> memref<1024xf32, #tpu.memory_space<vmem>>
        %parallel_loop3A_393 = arith.constant 416 : index
        %parallel_loop3A_394 = tpu.vector_load %parallel_loop3A_392[%parallel_loop3A_393] {strides = array<i32>} : memref<1024xf32, #tpu.memory_space<vmem>>, vector<16xf32>,
        %parallel_loop3A_395 = vector.shape_cast %parallel_loop3A_394 : vector<16xf32> to vector<16xf32>
        %parallel_loop3A_396 = arith.index_cast %parallel_loop3A_103 : i32 to index
        %parallel_loop3A_397 = arith.constant 416 : index
        %parallel_loop3A_398 = tpu.vector_load %arg10[%parallel_loop3A_396, %parallel_loop3A_397] {strides = array<i32>} : memref<20x1001xf32, #tpu.memory_space<vmem>>, vector<1x16xf32>,
        %parallel_loop3A_399 = vector.shape_cast %parallel_loop3A_398 : vector<1x16xf32> to vector<16xf32>
        %parallel_loop3A_400 = vector.shape_cast %parallel_loop3A_395 : vector<16xf32> to vector<1x16xf32>
        tpu.vector_store %arg10[%parallel_loop3A_396, %parallel_loop3A_397], %parallel_loop3A_400 {strides = array<i32>} : memref<20x1001xf32, #tpu.memory_space<vmem>>, vector<1x16xf32>,
        %parallel_loop3A_401 = arith.constant 0 : i32
        %parallel_loop3A_402 = tpu.memref_slice %arg8[%parallel_loop3A_103, %parallel_loop3A_401] : memref<24x1024xf32, #tpu.memory_space<vmem>> -> memref<1x1024xf32, #tpu.memory_space<vmem>>
        %parallel_loop3A_403 = tpu.memref_squeeze %parallel_loop3A_402 : memref<1x1024xf32, #tpu.memory_space<vmem>> -> memref<1024xf32, #tpu.memory_space<vmem>>
        %parallel_loop3A_404 = arith.constant 432 : index
        %parallel_loop3A_405 = tpu.vector_load %parallel_loop3A_403[%parallel_loop3A_404] {strides = array<i32>} : memref<1024xf32, #tpu.memory_space<vmem>>, vector<16xf32>,
        %parallel_loop3A_406 = vector.shape_cast %parallel_loop3A_405 : vector<16xf32> to vector<16xf32>
        %parallel_loop3A_407 = arith.index_cast %parallel_loop3A_103 : i32 to index
        %parallel_loop3A_408 = arith.constant 432 : index
        %parallel_loop3A_409 = tpu.vector_load %arg10[%parallel_loop3A_407, %parallel_loop3A_408] {strides = array<i32>} : memref<20x1001xf32, #tpu.memory_space<vmem>>, vector<1x16xf32>,
        %parallel_loop3A_410 = vector.shape_cast %parallel_loop3A_409 : vector<1x16xf32> to vector<16xf32>
        %parallel_loop3A_411 = vector.shape_cast %parallel_loop3A_406 : vector<16xf32> to vector<1x16xf32>
        tpu.vector_store %arg10[%parallel_loop3A_407, %parallel_loop3A_408], %parallel_loop3A_411 {strides = array<i32>} : memref<20x1001xf32, #tpu.memory_space<vmem>>, vector<1x16xf32>,
        %parallel_loop3A_412 = arith.constant 0 : i32
        %parallel_loop3A_413 = tpu.memref_slice %arg8[%parallel_loop3A_103, %parallel_loop3A_412] : memref<24x1024xf32, #tpu.memory_space<vmem>> -> memref<1x1024xf32, #tpu.memory_space<vmem>>
        %parallel_loop3A_414 = tpu.memref_squeeze %parallel_loop3A_413 : memref<1x1024xf32, #tpu.memory_space<vmem>> -> memref<1024xf32, #tpu.memory_space<vmem>>
        %parallel_loop3A_415 = arith.constant 448 : index
        %parallel_loop3A_416 = tpu.vector_load %parallel_loop3A_414[%parallel_loop3A_415] {strides = array<i32>} : memref<1024xf32, #tpu.memory_space<vmem>>, vector<16xf32>,
        %parallel_loop3A_417 = vector.shape_cast %parallel_loop3A_416 : vector<16xf32> to vector<16xf32>
        %parallel_loop3A_418 = arith.index_cast %parallel_loop3A_103 : i32 to index
        %parallel_loop3A_419 = arith.constant 448 : index
        %parallel_loop3A_420 = tpu.vector_load %arg10[%parallel_loop3A_418, %parallel_loop3A_419] {strides = array<i32>} : memref<20x1001xf32, #tpu.memory_space<vmem>>, vector<1x16xf32>,
        %parallel_loop3A_421 = vector.shape_cast %parallel_loop3A_420 : vector<1x16xf32> to vector<16xf32>
        %parallel_loop3A_422 = vector.shape_cast %parallel_loop3A_417 : vector<16xf32> to vector<1x16xf32>
        tpu.vector_store %arg10[%parallel_loop3A_418, %parallel_loop3A_419], %parallel_loop3A_422 {strides = array<i32>} : memref<20x1001xf32, #tpu.memory_space<vmem>>, vector<1x16xf32>,
        %parallel_loop3A_423 = arith.constant 0 : i32
        %parallel_loop3A_424 = tpu.memref_slice %arg8[%parallel_loop3A_103, %parallel_loop3A_423] : memref<24x1024xf32, #tpu.memory_space<vmem>> -> memref<1x1024xf32, #tpu.memory_space<vmem>>
        %parallel_loop3A_425 = tpu.memref_squeeze %parallel_loop3A_424 : memref<1x1024xf32, #tpu.memory_space<vmem>> -> memref<1024xf32, #tpu.memory_space<vmem>>
        %parallel_loop3A_426 = arith.constant 464 : index
        %parallel_loop3A_427 = tpu.vector_load %parallel_loop3A_425[%parallel_loop3A_426] {strides = array<i32>} : memref<1024xf32, #tpu.memory_space<vmem>>, vector<16xf32>,
        %parallel_loop3A_428 = vector.shape_cast %parallel_loop3A_427 : vector<16xf32> to vector<16xf32>
        %parallel_loop3A_429 = arith.index_cast %parallel_loop3A_103 : i32 to index
        %parallel_loop3A_430 = arith.constant 464 : index
        %parallel_loop3A_431 = tpu.vector_load %arg10[%parallel_loop3A_429, %parallel_loop3A_430] {strides = array<i32>} : memref<20x1001xf32, #tpu.memory_space<vmem>>, vector<1x16xf32>,
        %parallel_loop3A_432 = vector.shape_cast %parallel_loop3A_431 : vector<1x16xf32> to vector<16xf32>
        %parallel_loop3A_433 = vector.shape_cast %parallel_loop3A_428 : vector<16xf32> to vector<1x16xf32>
        tpu.vector_store %arg10[%parallel_loop3A_429, %parallel_loop3A_430], %parallel_loop3A_433 {strides = array<i32>} : memref<20x1001xf32, #tpu.memory_space<vmem>>, vector<1x16xf32>,
        %parallel_loop3A_434 = arith.constant 0 : i32
        %parallel_loop3A_435 = tpu.memref_slice %arg8[%parallel_loop3A_103, %parallel_loop3A_434] : memref<24x1024xf32, #tpu.memory_space<vmem>> -> memref<1x1024xf32, #tpu.memory_space<vmem>>
        %parallel_loop3A_436 = tpu.memref_squeeze %parallel_loop3A_435 : memref<1x1024xf32, #tpu.memory_space<vmem>> -> memref<1024xf32, #tpu.memory_space<vmem>>
        %parallel_loop3A_437 = arith.constant 480 : index
        %parallel_loop3A_438 = tpu.vector_load %parallel_loop3A_436[%parallel_loop3A_437] {strides = array<i32>} : memref<1024xf32, #tpu.memory_space<vmem>>, vector<16xf32>,
        %parallel_loop3A_439 = vector.shape_cast %parallel_loop3A_438 : vector<16xf32> to vector<16xf32>
        %parallel_loop3A_440 = arith.index_cast %parallel_loop3A_103 : i32 to index
        %parallel_loop3A_441 = arith.constant 480 : index
        %parallel_loop3A_442 = tpu.vector_load %arg10[%parallel_loop3A_440, %parallel_loop3A_441] {strides = array<i32>} : memref<20x1001xf32, #tpu.memory_space<vmem>>, vector<1x16xf32>,
        %parallel_loop3A_443 = vector.shape_cast %parallel_loop3A_442 : vector<1x16xf32> to vector<16xf32>
        %parallel_loop3A_444 = vector.shape_cast %parallel_loop3A_439 : vector<16xf32> to vector<1x16xf32>
        tpu.vector_store %arg10[%parallel_loop3A_440, %parallel_loop3A_441], %parallel_loop3A_444 {strides = array<i32>} : memref<20x1001xf32, #tpu.memory_space<vmem>>, vector<1x16xf32>,
        %parallel_loop3A_445 = arith.constant 0 : i32
        %parallel_loop3A_446 = tpu.memref_slice %arg8[%parallel_loop3A_103, %parallel_loop3A_445] : memref<24x1024xf32, #tpu.memory_space<vmem>> -> memref<1x1024xf32, #tpu.memory_space<vmem>>
        %parallel_loop3A_447 = tpu.memref_squeeze %parallel_loop3A_446 : memref<1x1024xf32, #tpu.memory_space<vmem>> -> memref<1024xf32, #tpu.memory_space<vmem>>
        %parallel_loop3A_448 = arith.constant 496 : index
        %parallel_loop3A_449 = tpu.vector_load %parallel_loop3A_447[%parallel_loop3A_448] {strides = array<i32>} : memref<1024xf32, #tpu.memory_space<vmem>>, vector<16xf32>,
        %parallel_loop3A_450 = vector.shape_cast %parallel_loop3A_449 : vector<16xf32> to vector<16xf32>
        %parallel_loop3A_451 = arith.index_cast %parallel_loop3A_103 : i32 to index
        %parallel_loop3A_452 = arith.constant 496 : index
        %parallel_loop3A_453 = tpu.vector_load %arg10[%parallel_loop3A_451, %parallel_loop3A_452] {strides = array<i32>} : memref<20x1001xf32, #tpu.memory_space<vmem>>, vector<1x16xf32>,
        %parallel_loop3A_454 = vector.shape_cast %parallel_loop3A_453 : vector<1x16xf32> to vector<16xf32>
        %parallel_loop3A_455 = vector.shape_cast %parallel_loop3A_450 : vector<16xf32> to vector<1x16xf32>
        tpu.vector_store %arg10[%parallel_loop3A_451, %parallel_loop3A_452], %parallel_loop3A_455 {strides = array<i32>} : memref<20x1001xf32, #tpu.memory_space<vmem>>, vector<1x16xf32>,
        %parallel_loop3A_456 = arith.constant 0 : i32
        %parallel_loop3A_457 = tpu.memref_slice %arg8[%parallel_loop3A_103, %parallel_loop3A_456] : memref<24x1024xf32, #tpu.memory_space<vmem>> -> memref<1x1024xf32, #tpu.memory_space<vmem>>
        %parallel_loop3A_458 = tpu.memref_squeeze %parallel_loop3A_457 : memref<1x1024xf32, #tpu.memory_space<vmem>> -> memref<1024xf32, #tpu.memory_space<vmem>>
        %parallel_loop3A_459 = arith.constant 512 : index
        %parallel_loop3A_460 = tpu.vector_load %parallel_loop3A_458[%parallel_loop3A_459] {strides = array<i32>} : memref<1024xf32, #tpu.memory_space<vmem>>, vector<16xf32>,
        %parallel_loop3A_461 = vector.shape_cast %parallel_loop3A_460 : vector<16xf32> to vector<16xf32>
        %parallel_loop3A_462 = arith.index_cast %parallel_loop3A_103 : i32 to index
        %parallel_loop3A_463 = arith.constant 512 : index
        %parallel_loop3A_464 = tpu.vector_load %arg10[%parallel_loop3A_462, %parallel_loop3A_463] {strides = array<i32>} : memref<20x1001xf32, #tpu.memory_space<vmem>>, vector<1x16xf32>,
        %parallel_loop3A_465 = vector.shape_cast %parallel_loop3A_464 : vector<1x16xf32> to vector<16xf32>
        %parallel_loop3A_466 = vector.shape_cast %parallel_loop3A_461 : vector<16xf32> to vector<1x16xf32>
        tpu.vector_store %arg10[%parallel_loop3A_462, %parallel_loop3A_463], %parallel_loop3A_466 {strides = array<i32>} : memref<20x1001xf32, #tpu.memory_space<vmem>>, vector<1x16xf32>,
        %parallel_loop3A_467 = arith.constant 0 : i32
        %parallel_loop3A_468 = tpu.memref_slice %arg8[%parallel_loop3A_103, %parallel_loop3A_467] : memref<24x1024xf32, #tpu.memory_space<vmem>> -> memref<1x1024xf32, #tpu.memory_space<vmem>>
        %parallel_loop3A_469 = tpu.memref_squeeze %parallel_loop3A_468 : memref<1x1024xf32, #tpu.memory_space<vmem>> -> memref<1024xf32, #tpu.memory_space<vmem>>
        %parallel_loop3A_470 = arith.constant 528 : index
        %parallel_loop3A_471 = tpu.vector_load %parallel_loop3A_469[%parallel_loop3A_470] {strides = array<i32>} : memref<1024xf32, #tpu.memory_space<vmem>>, vector<16xf32>,
        %parallel_loop3A_472 = vector.shape_cast %parallel_loop3A_471 : vector<16xf32> to vector<16xf32>
        %parallel_loop3A_473 = arith.index_cast %parallel_loop3A_103 : i32 to index
        %parallel_loop3A_474 = arith.constant 528 : index
        %parallel_loop3A_475 = tpu.vector_load %arg10[%parallel_loop3A_473, %parallel_loop3A_474] {strides = array<i32>} : memref<20x1001xf32, #tpu.memory_space<vmem>>, vector<1x16xf32>,
        %parallel_loop3A_476 = vector.shape_cast %parallel_loop3A_475 : vector<1x16xf32> to vector<16xf32>
        %parallel_loop3A_477 = vector.shape_cast %parallel_loop3A_472 : vector<16xf32> to vector<1x16xf32>
        tpu.vector_store %arg10[%parallel_loop3A_473, %parallel_loop3A_474], %parallel_loop3A_477 {strides = array<i32>} : memref<20x1001xf32, #tpu.memory_space<vmem>>, vector<1x16xf32>,
        %parallel_loop3A_478 = arith.constant 0 : i32
        %parallel_loop3A_479 = tpu.memref_slice %arg8[%parallel_loop3A_103, %parallel_loop3A_478] : memref<24x1024xf32, #tpu.memory_space<vmem>> -> memref<1x1024xf32, #tpu.memory_space<vmem>>
        %parallel_loop3A_480 = tpu.memref_squeeze %parallel_loop3A_479 : memref<1x1024xf32, #tpu.memory_space<vmem>> -> memref<1024xf32, #tpu.memory_space<vmem>>
        %parallel_loop3A_481 = arith.constant 544 : index
        %parallel_loop3A_482 = tpu.vector_load %parallel_loop3A_480[%parallel_loop3A_481] {strides = array<i32>} : memref<1024xf32, #tpu.memory_space<vmem>>, vector<16xf32>,
        %parallel_loop3A_483 = vector.shape_cast %parallel_loop3A_482 : vector<16xf32> to vector<16xf32>
        %parallel_loop3A_484 = arith.index_cast %parallel_loop3A_103 : i32 to index
        %parallel_loop3A_485 = arith.constant 544 : index
        %parallel_loop3A_486 = tpu.vector_load %arg10[%parallel_loop3A_484, %parallel_loop3A_485] {strides = array<i32>} : memref<20x1001xf32, #tpu.memory_space<vmem>>, vector<1x16xf32>,
        %parallel_loop3A_487 = vector.shape_cast %parallel_loop3A_486 : vector<1x16xf32> to vector<16xf32>
        %parallel_loop3A_488 = vector.shape_cast %parallel_loop3A_483 : vector<16xf32> to vector<1x16xf32>
        tpu.vector_store %arg10[%parallel_loop3A_484, %parallel_loop3A_485], %parallel_loop3A_488 {strides = array<i32>} : memref<20x1001xf32, #tpu.memory_space<vmem>>, vector<1x16xf32>,
        %parallel_loop3A_489 = arith.constant 0 : i32
        %parallel_loop3A_490 = tpu.memref_slice %arg8[%parallel_loop3A_103, %parallel_loop3A_489] : memref<24x1024xf32, #tpu.memory_space<vmem>> -> memref<1x1024xf32, #tpu.memory_space<vmem>>
        %parallel_loop3A_491 = tpu.memref_squeeze %parallel_loop3A_490 : memref<1x1024xf32, #tpu.memory_space<vmem>> -> memref<1024xf32, #tpu.memory_space<vmem>>
        %parallel_loop3A_492 = arith.constant 560 : index
        %parallel_loop3A_493 = tpu.vector_load %parallel_loop3A_491[%parallel_loop3A_492] {strides = array<i32>} : memref<1024xf32, #tpu.memory_space<vmem>>, vector<16xf32>,
        %parallel_loop3A_494 = vector.shape_cast %parallel_loop3A_493 : vector<16xf32> to vector<16xf32>
        %parallel_loop3A_495 = arith.index_cast %parallel_loop3A_103 : i32 to index
        %parallel_loop3A_496 = arith.constant 560 : index
        %parallel_loop3A_497 = tpu.vector_load %arg10[%parallel_loop3A_495, %parallel_loop3A_496] {strides = array<i32>} : memref<20x1001xf32, #tpu.memory_space<vmem>>, vector<1x16xf32>,
        %parallel_loop3A_498 = vector.shape_cast %parallel_loop3A_497 : vector<1x16xf32> to vector<16xf32>
        %parallel_loop3A_499 = vector.shape_cast %parallel_loop3A_494 : vector<16xf32> to vector<1x16xf32>
        tpu.vector_store %arg10[%parallel_loop3A_495, %parallel_loop3A_496], %parallel_loop3A_499 {strides = array<i32>} : memref<20x1001xf32, #tpu.memory_space<vmem>>, vector<1x16xf32>,
        %parallel_loop3A_500 = arith.constant 0 : i32
        %parallel_loop3A_501 = tpu.memref_slice %arg8[%parallel_loop3A_103, %parallel_loop3A_500] : memref<24x1024xf32, #tpu.memory_space<vmem>> -> memref<1x1024xf32, #tpu.memory_space<vmem>>
        %parallel_loop3A_502 = tpu.memref_squeeze %parallel_loop3A_501 : memref<1x1024xf32, #tpu.memory_space<vmem>> -> memref<1024xf32, #tpu.memory_space<vmem>>
        %parallel_loop3A_503 = arith.constant 576 : index
        %parallel_loop3A_504 = tpu.vector_load %parallel_loop3A_502[%parallel_loop3A_503] {strides = array<i32>} : memref<1024xf32, #tpu.memory_space<vmem>>, vector<16xf32>,
        %parallel_loop3A_505 = vector.shape_cast %parallel_loop3A_504 : vector<16xf32> to vector<16xf32>
        %parallel_loop3A_506 = arith.index_cast %parallel_loop3A_103 : i32 to index
        %parallel_loop3A_507 = arith.constant 576 : index
        %parallel_loop3A_508 = tpu.vector_load %arg10[%parallel_loop3A_506, %parallel_loop3A_507] {strides = array<i32>} : memref<20x1001xf32, #tpu.memory_space<vmem>>, vector<1x16xf32>,
        %parallel_loop3A_509 = vector.shape_cast %parallel_loop3A_508 : vector<1x16xf32> to vector<16xf32>
        %parallel_loop3A_510 = vector.shape_cast %parallel_loop3A_505 : vector<16xf32> to vector<1x16xf32>
        tpu.vector_store %arg10[%parallel_loop3A_506, %parallel_loop3A_507], %parallel_loop3A_510 {strides = array<i32>} : memref<20x1001xf32, #tpu.memory_space<vmem>>, vector<1x16xf32>,
        %parallel_loop3A_511 = arith.constant 0 : i32
        %parallel_loop3A_512 = tpu.memref_slice %arg8[%parallel_loop3A_103, %parallel_loop3A_511] : memref<24x1024xf32, #tpu.memory_space<vmem>> -> memref<1x1024xf32, #tpu.memory_space<vmem>>
        %parallel_loop3A_513 = tpu.memref_squeeze %parallel_loop3A_512 : memref<1x1024xf32, #tpu.memory_space<vmem>> -> memref<1024xf32, #tpu.memory_space<vmem>>
        %parallel_loop3A_514 = arith.constant 592 : index
        %parallel_loop3A_515 = tpu.vector_load %parallel_loop3A_513[%parallel_loop3A_514] {strides = array<i32>} : memref<1024xf32, #tpu.memory_space<vmem>>, vector<16xf32>,
        %parallel_loop3A_516 = vector.shape_cast %parallel_loop3A_515 : vector<16xf32> to vector<16xf32>
        %parallel_loop3A_517 = arith.index_cast %parallel_loop3A_103 : i32 to index
        %parallel_loop3A_518 = arith.constant 592 : index
        %parallel_loop3A_519 = tpu.vector_load %arg10[%parallel_loop3A_517, %parallel_loop3A_518] {strides = array<i32>} : memref<20x1001xf32, #tpu.memory_space<vmem>>, vector<1x16xf32>,
        %parallel_loop3A_520 = vector.shape_cast %parallel_loop3A_519 : vector<1x16xf32> to vector<16xf32>
        %parallel_loop3A_521 = vector.shape_cast %parallel_loop3A_516 : vector<16xf32> to vector<1x16xf32>
        tpu.vector_store %arg10[%parallel_loop3A_517, %parallel_loop3A_518], %parallel_loop3A_521 {strides = array<i32>} : memref<20x1001xf32, #tpu.memory_space<vmem>>, vector<1x16xf32>,
        %parallel_loop3A_522 = arith.constant 0 : i32
        %parallel_loop3A_523 = tpu.memref_slice %arg8[%parallel_loop3A_103, %parallel_loop3A_522] : memref<24x1024xf32, #tpu.memory_space<vmem>> -> memref<1x1024xf32, #tpu.memory_space<vmem>>
        %parallel_loop3A_524 = tpu.memref_squeeze %parallel_loop3A_523 : memref<1x1024xf32, #tpu.memory_space<vmem>> -> memref<1024xf32, #tpu.memory_space<vmem>>
        %parallel_loop3A_525 = arith.constant 608 : index
        %parallel_loop3A_526 = tpu.vector_load %parallel_loop3A_524[%parallel_loop3A_525] {strides = array<i32>} : memref<1024xf32, #tpu.memory_space<vmem>>, vector<16xf32>,
        %parallel_loop3A_527 = vector.shape_cast %parallel_loop3A_526 : vector<16xf32> to vector<16xf32>
        %parallel_loop3A_528 = arith.index_cast %parallel_loop3A_103 : i32 to index
        %parallel_loop3A_529 = arith.constant 608 : index
        %parallel_loop3A_530 = tpu.vector_load %arg10[%parallel_loop3A_528, %parallel_loop3A_529] {strides = array<i32>} : memref<20x1001xf32, #tpu.memory_space<vmem>>, vector<1x16xf32>,
        %parallel_loop3A_531 = vector.shape_cast %parallel_loop3A_530 : vector<1x16xf32> to vector<16xf32>
        %parallel_loop3A_532 = vector.shape_cast %parallel_loop3A_527 : vector<16xf32> to vector<1x16xf32>
        tpu.vector_store %arg10[%parallel_loop3A_528, %parallel_loop3A_529], %parallel_loop3A_532 {strides = array<i32>} : memref<20x1001xf32, #tpu.memory_space<vmem>>, vector<1x16xf32>,
        %parallel_loop3A_533 = arith.constant 0 : i32
        %parallel_loop3A_534 = tpu.memref_slice %arg8[%parallel_loop3A_103, %parallel_loop3A_533] : memref<24x1024xf32, #tpu.memory_space<vmem>> -> memref<1x1024xf32, #tpu.memory_space<vmem>>
        %parallel_loop3A_535 = tpu.memref_squeeze %parallel_loop3A_534 : memref<1x1024xf32, #tpu.memory_space<vmem>> -> memref<1024xf32, #tpu.memory_space<vmem>>
        %parallel_loop3A_536 = arith.constant 624 : index
        %parallel_loop3A_537 = tpu.vector_load %parallel_loop3A_535[%parallel_loop3A_536] {strides = array<i32>} : memref<1024xf32, #tpu.memory_space<vmem>>, vector<16xf32>,
        %parallel_loop3A_538 = vector.shape_cast %parallel_loop3A_537 : vector<16xf32> to vector<16xf32>
        %parallel_loop3A_539 = arith.index_cast %parallel_loop3A_103 : i32 to index
        %parallel_loop3A_540 = arith.constant 624 : index
        %parallel_loop3A_541 = tpu.vector_load %arg10[%parallel_loop3A_539, %parallel_loop3A_540] {strides = array<i32>} : memref<20x1001xf32, #tpu.memory_space<vmem>>, vector<1x16xf32>,
        %parallel_loop3A_542 = vector.shape_cast %parallel_loop3A_541 : vector<1x16xf32> to vector<16xf32>
        %parallel_loop3A_543 = vector.shape_cast %parallel_loop3A_538 : vector<16xf32> to vector<1x16xf32>
        tpu.vector_store %arg10[%parallel_loop3A_539, %parallel_loop3A_540], %parallel_loop3A_543 {strides = array<i32>} : memref<20x1001xf32, #tpu.memory_space<vmem>>, vector<1x16xf32>,
        %parallel_loop3A_544 = arith.constant 0 : i32
        %parallel_loop3A_545 = tpu.memref_slice %arg8[%parallel_loop3A_103, %parallel_loop3A_544] : memref<24x1024xf32, #tpu.memory_space<vmem>> -> memref<1x1024xf32, #tpu.memory_space<vmem>>
        %parallel_loop3A_546 = tpu.memref_squeeze %parallel_loop3A_545 : memref<1x1024xf32, #tpu.memory_space<vmem>> -> memref<1024xf32, #tpu.memory_space<vmem>>
        %parallel_loop3A_547 = arith.constant 640 : index
        %parallel_loop3A_548 = tpu.vector_load %parallel_loop3A_546[%parallel_loop3A_547] {strides = array<i32>} : memref<1024xf32, #tpu.memory_space<vmem>>, vector<16xf32>,
        %parallel_loop3A_549 = vector.shape_cast %parallel_loop3A_548 : vector<16xf32> to vector<16xf32>
        %parallel_loop3A_550 = arith.index_cast %parallel_loop3A_103 : i32 to index
        %parallel_loop3A_551 = arith.constant 640 : index
        %parallel_loop3A_552 = tpu.vector_load %arg10[%parallel_loop3A_550, %parallel_loop3A_551] {strides = array<i32>} : memref<20x1001xf32, #tpu.memory_space<vmem>>, vector<1x16xf32>,
        %parallel_loop3A_553 = vector.shape_cast %parallel_loop3A_552 : vector<1x16xf32> to vector<16xf32>
        %parallel_loop3A_554 = vector.shape_cast %parallel_loop3A_549 : vector<16xf32> to vector<1x16xf32>
        tpu.vector_store %arg10[%parallel_loop3A_550, %parallel_loop3A_551], %parallel_loop3A_554 {strides = array<i32>} : memref<20x1001xf32, #tpu.memory_space<vmem>>, vector<1x16xf32>,
        %parallel_loop3A_555 = arith.constant 0 : i32
        %parallel_loop3A_556 = tpu.memref_slice %arg8[%parallel_loop3A_103, %parallel_loop3A_555] : memref<24x1024xf32, #tpu.memory_space<vmem>> -> memref<1x1024xf32, #tpu.memory_space<vmem>>
        %parallel_loop3A_557 = tpu.memref_squeeze %parallel_loop3A_556 : memref<1x1024xf32, #tpu.memory_space<vmem>> -> memref<1024xf32, #tpu.memory_space<vmem>>
        %parallel_loop3A_558 = arith.constant 656 : index
        %parallel_loop3A_559 = tpu.vector_load %parallel_loop3A_557[%parallel_loop3A_558] {strides = array<i32>} : memref<1024xf32, #tpu.memory_space<vmem>>, vector<16xf32>,
        %parallel_loop3A_560 = vector.shape_cast %parallel_loop3A_559 : vector<16xf32> to vector<16xf32>
        %parallel_loop3A_561 = arith.index_cast %parallel_loop3A_103 : i32 to index
        %parallel_loop3A_562 = arith.constant 656 : index
        %parallel_loop3A_563 = tpu.vector_load %arg10[%parallel_loop3A_561, %parallel_loop3A_562] {strides = array<i32>} : memref<20x1001xf32, #tpu.memory_space<vmem>>, vector<1x16xf32>,
        %parallel_loop3A_564 = vector.shape_cast %parallel_loop3A_563 : vector<1x16xf32> to vector<16xf32>
        %parallel_loop3A_565 = vector.shape_cast %parallel_loop3A_560 : vector<16xf32> to vector<1x16xf32>
        tpu.vector_store %arg10[%parallel_loop3A_561, %parallel_loop3A_562], %parallel_loop3A_565 {strides = array<i32>} : memref<20x1001xf32, #tpu.memory_space<vmem>>, vector<1x16xf32>,
        %parallel_loop3A_566 = arith.constant 0 : i32
        %parallel_loop3A_567 = tpu.memref_slice %arg8[%parallel_loop3A_103, %parallel_loop3A_566] : memref<24x1024xf32, #tpu.memory_space<vmem>> -> memref<1x1024xf32, #tpu.memory_space<vmem>>
        %parallel_loop3A_568 = tpu.memref_squeeze %parallel_loop3A_567 : memref<1x1024xf32, #tpu.memory_space<vmem>> -> memref<1024xf32, #tpu.memory_space<vmem>>
        %parallel_loop3A_569 = arith.constant 672 : index
        %parallel_loop3A_570 = tpu.vector_load %parallel_loop3A_568[%parallel_loop3A_569] {strides = array<i32>} : memref<1024xf32, #tpu.memory_space<vmem>>, vector<16xf32>,
        %parallel_loop3A_571 = vector.shape_cast %parallel_loop3A_570 : vector<16xf32> to vector<16xf32>
        %parallel_loop3A_572 = arith.index_cast %parallel_loop3A_103 : i32 to index
        %parallel_loop3A_573 = arith.constant 672 : index
        %parallel_loop3A_574 = tpu.vector_load %arg10[%parallel_loop3A_572, %parallel_loop3A_573] {strides = array<i32>} : memref<20x1001xf32, #tpu.memory_space<vmem>>, vector<1x16xf32>,
        %parallel_loop3A_575 = vector.shape_cast %parallel_loop3A_574 : vector<1x16xf32> to vector<16xf32>
        %parallel_loop3A_576 = vector.shape_cast %parallel_loop3A_571 : vector<16xf32> to vector<1x16xf32>
        tpu.vector_store %arg10[%parallel_loop3A_572, %parallel_loop3A_573], %parallel_loop3A_576 {strides = array<i32>} : memref<20x1001xf32, #tpu.memory_space<vmem>>, vector<1x16xf32>,
        %parallel_loop3A_577 = arith.constant 0 : i32
        %parallel_loop3A_578 = tpu.memref_slice %arg8[%parallel_loop3A_103, %parallel_loop3A_577] : memref<24x1024xf32, #tpu.memory_space<vmem>> -> memref<1x1024xf32, #tpu.memory_space<vmem>>
        %parallel_loop3A_579 = tpu.memref_squeeze %parallel_loop3A_578 : memref<1x1024xf32, #tpu.memory_space<vmem>> -> memref<1024xf32, #tpu.memory_space<vmem>>
        %parallel_loop3A_580 = arith.constant 688 : index
        %parallel_loop3A_581 = tpu.vector_load %parallel_loop3A_579[%parallel_loop3A_580] {strides = array<i32>} : memref<1024xf32, #tpu.memory_space<vmem>>, vector<16xf32>,
        %parallel_loop3A_582 = vector.shape_cast %parallel_loop3A_581 : vector<16xf32> to vector<16xf32>
        %parallel_loop3A_583 = arith.index_cast %parallel_loop3A_103 : i32 to index
        %parallel_loop3A_584 = arith.constant 688 : index
        %parallel_loop3A_585 = tpu.vector_load %arg10[%parallel_loop3A_583, %parallel_loop3A_584] {strides = array<i32>} : memref<20x1001xf32, #tpu.memory_space<vmem>>, vector<1x16xf32>,
        %parallel_loop3A_586 = vector.shape_cast %parallel_loop3A_585 : vector<1x16xf32> to vector<16xf32>
        %parallel_loop3A_587 = vector.shape_cast %parallel_loop3A_582 : vector<16xf32> to vector<1x16xf32>
        tpu.vector_store %arg10[%parallel_loop3A_583, %parallel_loop3A_584], %parallel_loop3A_587 {strides = array<i32>} : memref<20x1001xf32, #tpu.memory_space<vmem>>, vector<1x16xf32>,
        %parallel_loop3A_588 = arith.constant 0 : i32
        %parallel_loop3A_589 = tpu.memref_slice %arg8[%parallel_loop3A_103, %parallel_loop3A_588] : memref<24x1024xf32, #tpu.memory_space<vmem>> -> memref<1x1024xf32, #tpu.memory_space<vmem>>
        %parallel_loop3A_590 = tpu.memref_squeeze %parallel_loop3A_589 : memref<1x1024xf32, #tpu.memory_space<vmem>> -> memref<1024xf32, #tpu.memory_space<vmem>>
        %parallel_loop3A_591 = arith.constant 704 : index
        %parallel_loop3A_592 = tpu.vector_load %parallel_loop3A_590[%parallel_loop3A_591] {strides = array<i32>} : memref<1024xf32, #tpu.memory_space<vmem>>, vector<16xf32>,
        %parallel_loop3A_593 = vector.shape_cast %parallel_loop3A_592 : vector<16xf32> to vector<16xf32>
        %parallel_loop3A_594 = arith.index_cast %parallel_loop3A_103 : i32 to index
        %parallel_loop3A_595 = arith.constant 704 : index
        %parallel_loop3A_596 = tpu.vector_load %arg10[%parallel_loop3A_594, %parallel_loop3A_595] {strides = array<i32>} : memref<20x1001xf32, #tpu.memory_space<vmem>>, vector<1x16xf32>,
        %parallel_loop3A_597 = vector.shape_cast %parallel_loop3A_596 : vector<1x16xf32> to vector<16xf32>
        %parallel_loop3A_598 = vector.shape_cast %parallel_loop3A_593 : vector<16xf32> to vector<1x16xf32>
        tpu.vector_store %arg10[%parallel_loop3A_594, %parallel_loop3A_595], %parallel_loop3A_598 {strides = array<i32>} : memref<20x1001xf32, #tpu.memory_space<vmem>>, vector<1x16xf32>,
        %parallel_loop3A_599 = arith.constant 0 : i32
        %parallel_loop3A_600 = tpu.memref_slice %arg8[%parallel_loop3A_103, %parallel_loop3A_599] : memref<24x1024xf32, #tpu.memory_space<vmem>> -> memref<1x1024xf32, #tpu.memory_space<vmem>>
        %parallel_loop3A_601 = tpu.memref_squeeze %parallel_loop3A_600 : memref<1x1024xf32, #tpu.memory_space<vmem>> -> memref<1024xf32, #tpu.memory_space<vmem>>
        %parallel_loop3A_602 = arith.constant 720 : index
        %parallel_loop3A_603 = tpu.vector_load %parallel_loop3A_601[%parallel_loop3A_602] {strides = array<i32>} : memref<1024xf32, #tpu.memory_space<vmem>>, vector<16xf32>,
        %parallel_loop3A_604 = vector.shape_cast %parallel_loop3A_603 : vector<16xf32> to vector<16xf32>
        %parallel_loop3A_605 = arith.index_cast %parallel_loop3A_103 : i32 to index
        %parallel_loop3A_606 = arith.constant 720 : index
        %parallel_loop3A_607 = tpu.vector_load %arg10[%parallel_loop3A_605, %parallel_loop3A_606] {strides = array<i32>} : memref<20x1001xf32, #tpu.memory_space<vmem>>, vector<1x16xf32>,
        %parallel_loop3A_608 = vector.shape_cast %parallel_loop3A_607 : vector<1x16xf32> to vector<16xf32>
        %parallel_loop3A_609 = vector.shape_cast %parallel_loop3A_604 : vector<16xf32> to vector<1x16xf32>
        tpu.vector_store %arg10[%parallel_loop3A_605, %parallel_loop3A_606], %parallel_loop3A_609 {strides = array<i32>} : memref<20x1001xf32, #tpu.memory_space<vmem>>, vector<1x16xf32>,
        %parallel_loop3A_610 = arith.constant 0 : i32
        %parallel_loop3A_611 = tpu.memref_slice %arg8[%parallel_loop3A_103, %parallel_loop3A_610] : memref<24x1024xf32, #tpu.memory_space<vmem>> -> memref<1x1024xf32, #tpu.memory_space<vmem>>
        %parallel_loop3A_612 = tpu.memref_squeeze %parallel_loop3A_611 : memref<1x1024xf32, #tpu.memory_space<vmem>> -> memref<1024xf32, #tpu.memory_space<vmem>>
        %parallel_loop3A_613 = arith.constant 736 : index
        %parallel_loop3A_614 = tpu.vector_load %parallel_loop3A_612[%parallel_loop3A_613] {strides = array<i32>} : memref<1024xf32, #tpu.memory_space<vmem>>, vector<16xf32>,
        %parallel_loop3A_615 = vector.shape_cast %parallel_loop3A_614 : vector<16xf32> to vector<16xf32>
        %parallel_loop3A_616 = arith.index_cast %parallel_loop3A_103 : i32 to index
        %parallel_loop3A_617 = arith.constant 736 : index
        %parallel_loop3A_618 = tpu.vector_load %arg10[%parallel_loop3A_616, %parallel_loop3A_617] {strides = array<i32>} : memref<20x1001xf32, #tpu.memory_space<vmem>>, vector<1x16xf32>,
        %parallel_loop3A_619 = vector.shape_cast %parallel_loop3A_618 : vector<1x16xf32> to vector<16xf32>
        %parallel_loop3A_620 = vector.shape_cast %parallel_loop3A_615 : vector<16xf32> to vector<1x16xf32>
        tpu.vector_store %arg10[%parallel_loop3A_616, %parallel_loop3A_617], %parallel_loop3A_620 {strides = array<i32>} : memref<20x1001xf32, #tpu.memory_space<vmem>>, vector<1x16xf32>,
        %parallel_loop3A_621 = arith.constant 0 : i32
        %parallel_loop3A_622 = tpu.memref_slice %arg8[%parallel_loop3A_103, %parallel_loop3A_621] : memref<24x1024xf32, #tpu.memory_space<vmem>> -> memref<1x1024xf32, #tpu.memory_space<vmem>>
        %parallel_loop3A_623 = tpu.memref_squeeze %parallel_loop3A_622 : memref<1x1024xf32, #tpu.memory_space<vmem>> -> memref<1024xf32, #tpu.memory_space<vmem>>
        %parallel_loop3A_624 = arith.constant 752 : index
        %parallel_loop3A_625 = tpu.vector_load %parallel_loop3A_623[%parallel_loop3A_624] {strides = array<i32>} : memref<1024xf32, #tpu.memory_space<vmem>>, vector<16xf32>,
        %parallel_loop3A_626 = vector.shape_cast %parallel_loop3A_625 : vector<16xf32> to vector<16xf32>
        %parallel_loop3A_627 = arith.index_cast %parallel_loop3A_103 : i32 to index
        %parallel_loop3A_628 = arith.constant 752 : index
        %parallel_loop3A_629 = tpu.vector_load %arg10[%parallel_loop3A_627, %parallel_loop3A_628] {strides = array<i32>} : memref<20x1001xf32, #tpu.memory_space<vmem>>, vector<1x16xf32>,
        %parallel_loop3A_630 = vector.shape_cast %parallel_loop3A_629 : vector<1x16xf32> to vector<16xf32>
        %parallel_loop3A_631 = vector.shape_cast %parallel_loop3A_626 : vector<16xf32> to vector<1x16xf32>
        tpu.vector_store %arg10[%parallel_loop3A_627, %parallel_loop3A_628], %parallel_loop3A_631 {strides = array<i32>} : memref<20x1001xf32, #tpu.memory_space<vmem>>, vector<1x16xf32>,
        %parallel_loop3A_632 = arith.constant 0 : i32
        %parallel_loop3A_633 = tpu.memref_slice %arg8[%parallel_loop3A_103, %parallel_loop3A_632] : memref<24x1024xf32, #tpu.memory_space<vmem>> -> memref<1x1024xf32, #tpu.memory_space<vmem>>
        %parallel_loop3A_634 = tpu.memref_squeeze %parallel_loop3A_633 : memref<1x1024xf32, #tpu.memory_space<vmem>> -> memref<1024xf32, #tpu.memory_space<vmem>>
        %parallel_loop3A_635 = arith.constant 768 : index
        %parallel_loop3A_636 = tpu.vector_load %parallel_loop3A_634[%parallel_loop3A_635] {strides = array<i32>} : memref<1024xf32, #tpu.memory_space<vmem>>, vector<16xf32>,
        %parallel_loop3A_637 = vector.shape_cast %parallel_loop3A_636 : vector<16xf32> to vector<16xf32>
        %parallel_loop3A_638 = arith.index_cast %parallel_loop3A_103 : i32 to index
        %parallel_loop3A_639 = arith.constant 768 : index
        %parallel_loop3A_640 = tpu.vector_load %arg10[%parallel_loop3A_638, %parallel_loop3A_639] {strides = array<i32>} : memref<20x1001xf32, #tpu.memory_space<vmem>>, vector<1x16xf32>,
        %parallel_loop3A_641 = vector.shape_cast %parallel_loop3A_640 : vector<1x16xf32> to vector<16xf32>
        %parallel_loop3A_642 = vector.shape_cast %parallel_loop3A_637 : vector<16xf32> to vector<1x16xf32>
        tpu.vector_store %arg10[%parallel_loop3A_638, %parallel_loop3A_639], %parallel_loop3A_642 {strides = array<i32>} : memref<20x1001xf32, #tpu.memory_space<vmem>>, vector<1x16xf32>,
        %parallel_loop3A_643 = arith.constant 0 : i32
        %parallel_loop3A_644 = tpu.memref_slice %arg8[%parallel_loop3A_103, %parallel_loop3A_643] : memref<24x1024xf32, #tpu.memory_space<vmem>> -> memref<1x1024xf32, #tpu.memory_space<vmem>>
        %parallel_loop3A_645 = tpu.memref_squeeze %parallel_loop3A_644 : memref<1x1024xf32, #tpu.memory_space<vmem>> -> memref<1024xf32, #tpu.memory_space<vmem>>
        %parallel_loop3A_646 = arith.constant 784 : index
        %parallel_loop3A_647 = tpu.vector_load %parallel_loop3A_645[%parallel_loop3A_646] {strides = array<i32>} : memref<1024xf32, #tpu.memory_space<vmem>>, vector<16xf32>,
        %parallel_loop3A_648 = vector.shape_cast %parallel_loop3A_647 : vector<16xf32> to vector<16xf32>
        %parallel_loop3A_649 = arith.index_cast %parallel_loop3A_103 : i32 to index
        %parallel_loop3A_650 = arith.constant 784 : index
        %parallel_loop3A_651 = tpu.vector_load %arg10[%parallel_loop3A_649, %parallel_loop3A_650] {strides = array<i32>} : memref<20x1001xf32, #tpu.memory_space<vmem>>, vector<1x16xf32>,
        %parallel_loop3A_652 = vector.shape_cast %parallel_loop3A_651 : vector<1x16xf32> to vector<16xf32>
        %parallel_loop3A_653 = vector.shape_cast %parallel_loop3A_648 : vector<16xf32> to vector<1x16xf32>
        tpu.vector_store %arg10[%parallel_loop3A_649, %parallel_loop3A_650], %parallel_loop3A_653 {strides = array<i32>} : memref<20x1001xf32, #tpu.memory_space<vmem>>, vector<1x16xf32>,
        %parallel_loop3A_654 = arith.constant 0 : i32
        %parallel_loop3A_655 = tpu.memref_slice %arg8[%parallel_loop3A_103, %parallel_loop3A_654] : memref<24x1024xf32, #tpu.memory_space<vmem>> -> memref<1x1024xf32, #tpu.memory_space<vmem>>
        %parallel_loop3A_656 = tpu.memref_squeeze %parallel_loop3A_655 : memref<1x1024xf32, #tpu.memory_space<vmem>> -> memref<1024xf32, #tpu.memory_space<vmem>>
        %parallel_loop3A_657 = arith.constant 800 : index
        %parallel_loop3A_658 = tpu.vector_load %parallel_loop3A_656[%parallel_loop3A_657] {strides = array<i32>} : memref<1024xf32, #tpu.memory_space<vmem>>, vector<16xf32>,
        %parallel_loop3A_659 = vector.shape_cast %parallel_loop3A_658 : vector<16xf32> to vector<16xf32>
        %parallel_loop3A_660 = arith.index_cast %parallel_loop3A_103 : i32 to index
        %parallel_loop3A_661 = arith.constant 800 : index
        %parallel_loop3A_662 = tpu.vector_load %arg10[%parallel_loop3A_660, %parallel_loop3A_661] {strides = array<i32>} : memref<20x1001xf32, #tpu.memory_space<vmem>>, vector<1x16xf32>,
        %parallel_loop3A_663 = vector.shape_cast %parallel_loop3A_662 : vector<1x16xf32> to vector<16xf32>
        %parallel_loop3A_664 = vector.shape_cast %parallel_loop3A_659 : vector<16xf32> to vector<1x16xf32>
        tpu.vector_store %arg10[%parallel_loop3A_660, %parallel_loop3A_661], %parallel_loop3A_664 {strides = array<i32>} : memref<20x1001xf32, #tpu.memory_space<vmem>>, vector<1x16xf32>,
        %parallel_loop3A_665 = arith.constant 0 : i32
        %parallel_loop3A_666 = tpu.memref_slice %arg8[%parallel_loop3A_103, %parallel_loop3A_665] : memref<24x1024xf32, #tpu.memory_space<vmem>> -> memref<1x1024xf32, #tpu.memory_space<vmem>>
        %parallel_loop3A_667 = tpu.memref_squeeze %parallel_loop3A_666 : memref<1x1024xf32, #tpu.memory_space<vmem>> -> memref<1024xf32, #tpu.memory_space<vmem>>
        %parallel_loop3A_668 = arith.constant 816 : index
        %parallel_loop3A_669 = tpu.vector_load %parallel_loop3A_667[%parallel_loop3A_668] {strides = array<i32>} : memref<1024xf32, #tpu.memory_space<vmem>>, vector<16xf32>,
        %parallel_loop3A_670 = vector.shape_cast %parallel_loop3A_669 : vector<16xf32> to vector<16xf32>
        %parallel_loop3A_671 = arith.index_cast %parallel_loop3A_103 : i32 to index
        %parallel_loop3A_672 = arith.constant 816 : index
        %parallel_loop3A_673 = tpu.vector_load %arg10[%parallel_loop3A_671, %parallel_loop3A_672] {strides = array<i32>} : memref<20x1001xf32, #tpu.memory_space<vmem>>, vector<1x16xf32>,
        %parallel_loop3A_674 = vector.shape_cast %parallel_loop3A_673 : vector<1x16xf32> to vector<16xf32>
        %parallel_loop3A_675 = vector.shape_cast %parallel_loop3A_670 : vector<16xf32> to vector<1x16xf32>
        tpu.vector_store %arg10[%parallel_loop3A_671, %parallel_loop3A_672], %parallel_loop3A_675 {strides = array<i32>} : memref<20x1001xf32, #tpu.memory_space<vmem>>, vector<1x16xf32>,
        %parallel_loop3A_676 = arith.constant 0 : i32
        %parallel_loop3A_677 = tpu.memref_slice %arg8[%parallel_loop3A_103, %parallel_loop3A_676] : memref<24x1024xf32, #tpu.memory_space<vmem>> -> memref<1x1024xf32, #tpu.memory_space<vmem>>
        %parallel_loop3A_678 = tpu.memref_squeeze %parallel_loop3A_677 : memref<1x1024xf32, #tpu.memory_space<vmem>> -> memref<1024xf32, #tpu.memory_space<vmem>>
        %parallel_loop3A_679 = arith.constant 832 : index
        %parallel_loop3A_680 = tpu.vector_load %parallel_loop3A_678[%parallel_loop3A_679] {strides = array<i32>} : memref<1024xf32, #tpu.memory_space<vmem>>, vector<16xf32>,
        %parallel_loop3A_681 = vector.shape_cast %parallel_loop3A_680 : vector<16xf32> to vector<16xf32>
        %parallel_loop3A_682 = arith.index_cast %parallel_loop3A_103 : i32 to index
        %parallel_loop3A_683 = arith.constant 832 : index
        %parallel_loop3A_684 = tpu.vector_load %arg10[%parallel_loop3A_682, %parallel_loop3A_683] {strides = array<i32>} : memref<20x1001xf32, #tpu.memory_space<vmem>>, vector<1x16xf32>,
        %parallel_loop3A_685 = vector.shape_cast %parallel_loop3A_684 : vector<1x16xf32> to vector<16xf32>
        %parallel_loop3A_686 = vector.shape_cast %parallel_loop3A_681 : vector<16xf32> to vector<1x16xf32>
        tpu.vector_store %arg10[%parallel_loop3A_682, %parallel_loop3A_683], %parallel_loop3A_686 {strides = array<i32>} : memref<20x1001xf32, #tpu.memory_space<vmem>>, vector<1x16xf32>,
        %parallel_loop3A_687 = arith.constant 0 : i32
        %parallel_loop3A_688 = tpu.memref_slice %arg8[%parallel_loop3A_103, %parallel_loop3A_687] : memref<24x1024xf32, #tpu.memory_space<vmem>> -> memref<1x1024xf32, #tpu.memory_space<vmem>>
        %parallel_loop3A_689 = tpu.memref_squeeze %parallel_loop3A_688 : memref<1x1024xf32, #tpu.memory_space<vmem>> -> memref<1024xf32, #tpu.memory_space<vmem>>
        %parallel_loop3A_690 = arith.constant 848 : index
        %parallel_loop3A_691 = tpu.vector_load %parallel_loop3A_689[%parallel_loop3A_690] {strides = array<i32>} : memref<1024xf32, #tpu.memory_space<vmem>>, vector<16xf32>,
        %parallel_loop3A_692 = vector.shape_cast %parallel_loop3A_691 : vector<16xf32> to vector<16xf32>
        %parallel_loop3A_693 = arith.index_cast %parallel_loop3A_103 : i32 to index
        %parallel_loop3A_694 = arith.constant 848 : index
        %parallel_loop3A_695 = tpu.vector_load %arg10[%parallel_loop3A_693, %parallel_loop3A_694] {strides = array<i32>} : memref<20x1001xf32, #tpu.memory_space<vmem>>, vector<1x16xf32>,
        %parallel_loop3A_696 = vector.shape_cast %parallel_loop3A_695 : vector<1x16xf32> to vector<16xf32>
        %parallel_loop3A_697 = vector.shape_cast %parallel_loop3A_692 : vector<16xf32> to vector<1x16xf32>
        tpu.vector_store %arg10[%parallel_loop3A_693, %parallel_loop3A_694], %parallel_loop3A_697 {strides = array<i32>} : memref<20x1001xf32, #tpu.memory_space<vmem>>, vector<1x16xf32>,
        %parallel_loop3A_698 = arith.constant 0 : i32
        %parallel_loop3A_699 = tpu.memref_slice %arg8[%parallel_loop3A_103, %parallel_loop3A_698] : memref<24x1024xf32, #tpu.memory_space<vmem>> -> memref<1x1024xf32, #tpu.memory_space<vmem>>
        %parallel_loop3A_700 = tpu.memref_squeeze %parallel_loop3A_699 : memref<1x1024xf32, #tpu.memory_space<vmem>> -> memref<1024xf32, #tpu.memory_space<vmem>>
        %parallel_loop3A_701 = arith.constant 864 : index
        %parallel_loop3A_702 = tpu.vector_load %parallel_loop3A_700[%parallel_loop3A_701] {strides = array<i32>} : memref<1024xf32, #tpu.memory_space<vmem>>, vector<16xf32>,
        %parallel_loop3A_703 = vector.shape_cast %parallel_loop3A_702 : vector<16xf32> to vector<16xf32>
        %parallel_loop3A_704 = arith.index_cast %parallel_loop3A_103 : i32 to index
        %parallel_loop3A_705 = arith.constant 864 : index
        %parallel_loop3A_706 = tpu.vector_load %arg10[%parallel_loop3A_704, %parallel_loop3A_705] {strides = array<i32>} : memref<20x1001xf32, #tpu.memory_space<vmem>>, vector<1x16xf32>,
        %parallel_loop3A_707 = vector.shape_cast %parallel_loop3A_706 : vector<1x16xf32> to vector<16xf32>
        %parallel_loop3A_708 = vector.shape_cast %parallel_loop3A_703 : vector<16xf32> to vector<1x16xf32>
        tpu.vector_store %arg10[%parallel_loop3A_704, %parallel_loop3A_705], %parallel_loop3A_708 {strides = array<i32>} : memref<20x1001xf32, #tpu.memory_space<vmem>>, vector<1x16xf32>,
        %parallel_loop3A_709 = arith.constant 0 : i32
        %parallel_loop3A_710 = tpu.memref_slice %arg8[%parallel_loop3A_103, %parallel_loop3A_709] : memref<24x1024xf32, #tpu.memory_space<vmem>> -> memref<1x1024xf32, #tpu.memory_space<vmem>>
        %parallel_loop3A_711 = tpu.memref_squeeze %parallel_loop3A_710 : memref<1x1024xf32, #tpu.memory_space<vmem>> -> memref<1024xf32, #tpu.memory_space<vmem>>
        %parallel_loop3A_712 = arith.constant 880 : index
        %parallel_loop3A_713 = tpu.vector_load %parallel_loop3A_711[%parallel_loop3A_712] {strides = array<i32>} : memref<1024xf32, #tpu.memory_space<vmem>>, vector<16xf32>,
        %parallel_loop3A_714 = vector.shape_cast %parallel_loop3A_713 : vector<16xf32> to vector<16xf32>
        %parallel_loop3A_715 = arith.index_cast %parallel_loop3A_103 : i32 to index
        %parallel_loop3A_716 = arith.constant 880 : index
        %parallel_loop3A_717 = tpu.vector_load %arg10[%parallel_loop3A_715, %parallel_loop3A_716] {strides = array<i32>} : memref<20x1001xf32, #tpu.memory_space<vmem>>, vector<1x16xf32>,
        %parallel_loop3A_718 = vector.shape_cast %parallel_loop3A_717 : vector<1x16xf32> to vector<16xf32>
        %parallel_loop3A_719 = vector.shape_cast %parallel_loop3A_714 : vector<16xf32> to vector<1x16xf32>
        tpu.vector_store %arg10[%parallel_loop3A_715, %parallel_loop3A_716], %parallel_loop3A_719 {strides = array<i32>} : memref<20x1001xf32, #tpu.memory_space<vmem>>, vector<1x16xf32>,
        %parallel_loop3A_720 = arith.constant 0 : i32
        %parallel_loop3A_721 = tpu.memref_slice %arg8[%parallel_loop3A_103, %parallel_loop3A_720] : memref<24x1024xf32, #tpu.memory_space<vmem>> -> memref<1x1024xf32, #tpu.memory_space<vmem>>
        %parallel_loop3A_722 = tpu.memref_squeeze %parallel_loop3A_721 : memref<1x1024xf32, #tpu.memory_space<vmem>> -> memref<1024xf32, #tpu.memory_space<vmem>>
        %parallel_loop3A_723 = arith.constant 896 : index
        %parallel_loop3A_724 = tpu.vector_load %parallel_loop3A_722[%parallel_loop3A_723] {strides = array<i32>} : memref<1024xf32, #tpu.memory_space<vmem>>, vector<16xf32>,
        %parallel_loop3A_725 = vector.shape_cast %parallel_loop3A_724 : vector<16xf32> to vector<16xf32>
        %parallel_loop3A_726 = arith.index_cast %parallel_loop3A_103 : i32 to index
        %parallel_loop3A_727 = arith.constant 896 : index
        %parallel_loop3A_728 = tpu.vector_load %arg10[%parallel_loop3A_726, %parallel_loop3A_727] {strides = array<i32>} : memref<20x1001xf32, #tpu.memory_space<vmem>>, vector<1x16xf32>,
        %parallel_loop3A_729 = vector.shape_cast %parallel_loop3A_728 : vector<1x16xf32> to vector<16xf32>
        %parallel_loop3A_730 = vector.shape_cast %parallel_loop3A_725 : vector<16xf32> to vector<1x16xf32>
        tpu.vector_store %arg10[%parallel_loop3A_726, %parallel_loop3A_727], %parallel_loop3A_730 {strides = array<i32>} : memref<20x1001xf32, #tpu.memory_space<vmem>>, vector<1x16xf32>,
        %parallel_loop3A_731 = arith.constant 0 : i32
        %parallel_loop3A_732 = tpu.memref_slice %arg8[%parallel_loop3A_103, %parallel_loop3A_731] : memref<24x1024xf32, #tpu.memory_space<vmem>> -> memref<1x1024xf32, #tpu.memory_space<vmem>>
        %parallel_loop3A_733 = tpu.memref_squeeze %parallel_loop3A_732 : memref<1x1024xf32, #tpu.memory_space<vmem>> -> memref<1024xf32, #tpu.memory_space<vmem>>
        %parallel_loop3A_734 = arith.constant 912 : index
        %parallel_loop3A_735 = tpu.vector_load %parallel_loop3A_733[%parallel_loop3A_734] {strides = array<i32>} : memref<1024xf32, #tpu.memory_space<vmem>>, vector<16xf32>,
        %parallel_loop3A_736 = vector.shape_cast %parallel_loop3A_735 : vector<16xf32> to vector<16xf32>
        %parallel_loop3A_737 = arith.index_cast %parallel_loop3A_103 : i32 to index
        %parallel_loop3A_738 = arith.constant 912 : index
        %parallel_loop3A_739 = tpu.vector_load %arg10[%parallel_loop3A_737, %parallel_loop3A_738] {strides = array<i32>} : memref<20x1001xf32, #tpu.memory_space<vmem>>, vector<1x16xf32>,
        %parallel_loop3A_740 = vector.shape_cast %parallel_loop3A_739 : vector<1x16xf32> to vector<16xf32>
        %parallel_loop3A_741 = vector.shape_cast %parallel_loop3A_736 : vector<16xf32> to vector<1x16xf32>
        tpu.vector_store %arg10[%parallel_loop3A_737, %parallel_loop3A_738], %parallel_loop3A_741 {strides = array<i32>} : memref<20x1001xf32, #tpu.memory_space<vmem>>, vector<1x16xf32>,
        %parallel_loop3A_742 = arith.constant 0 : i32
        %parallel_loop3A_743 = tpu.memref_slice %arg8[%parallel_loop3A_103, %parallel_loop3A_742] : memref<24x1024xf32, #tpu.memory_space<vmem>> -> memref<1x1024xf32, #tpu.memory_space<vmem>>
        %parallel_loop3A_744 = tpu.memref_squeeze %parallel_loop3A_743 : memref<1x1024xf32, #tpu.memory_space<vmem>> -> memref<1024xf32, #tpu.memory_space<vmem>>
        %parallel_loop3A_745 = arith.constant 928 : index
        %parallel_loop3A_746 = tpu.vector_load %parallel_loop3A_744[%parallel_loop3A_745] {strides = array<i32>} : memref<1024xf32, #tpu.memory_space<vmem>>, vector<16xf32>,
        %parallel_loop3A_747 = vector.shape_cast %parallel_loop3A_746 : vector<16xf32> to vector<16xf32>
        %parallel_loop3A_748 = arith.index_cast %parallel_loop3A_103 : i32 to index
        %parallel_loop3A_749 = arith.constant 928 : index
        %parallel_loop3A_750 = tpu.vector_load %arg10[%parallel_loop3A_748, %parallel_loop3A_749] {strides = array<i32>} : memref<20x1001xf32, #tpu.memory_space<vmem>>, vector<1x16xf32>,
        %parallel_loop3A_751 = vector.shape_cast %parallel_loop3A_750 : vector<1x16xf32> to vector<16xf32>
        %parallel_loop3A_752 = vector.shape_cast %parallel_loop3A_747 : vector<16xf32> to vector<1x16xf32>
        tpu.vector_store %arg10[%parallel_loop3A_748, %parallel_loop3A_749], %parallel_loop3A_752 {strides = array<i32>} : memref<20x1001xf32, #tpu.memory_space<vmem>>, vector<1x16xf32>,
        %parallel_loop3A_753 = arith.constant 0 : i32
        %parallel_loop3A_754 = tpu.memref_slice %arg8[%parallel_loop3A_103, %parallel_loop3A_753] : memref<24x1024xf32, #tpu.memory_space<vmem>> -> memref<1x1024xf32, #tpu.memory_space<vmem>>
        %parallel_loop3A_755 = tpu.memref_squeeze %parallel_loop3A_754 : memref<1x1024xf32, #tpu.memory_space<vmem>> -> memref<1024xf32, #tpu.memory_space<vmem>>
        %parallel_loop3A_756 = arith.constant 944 : index
        %parallel_loop3A_757 = tpu.vector_load %parallel_loop3A_755[%parallel_loop3A_756] {strides = array<i32>} : memref<1024xf32, #tpu.memory_space<vmem>>, vector<16xf32>,
        %parallel_loop3A_758 = vector.shape_cast %parallel_loop3A_757 : vector<16xf32> to vector<16xf32>
        %parallel_loop3A_759 = arith.index_cast %parallel_loop3A_103 : i32 to index
        %parallel_loop3A_760 = arith.constant 944 : index
        %parallel_loop3A_761 = tpu.vector_load %arg10[%parallel_loop3A_759, %parallel_loop3A_760] {strides = array<i32>} : memref<20x1001xf32, #tpu.memory_space<vmem>>, vector<1x16xf32>,
        %parallel_loop3A_762 = vector.shape_cast %parallel_loop3A_761 : vector<1x16xf32> to vector<16xf32>
        %parallel_loop3A_763 = vector.shape_cast %parallel_loop3A_758 : vector<16xf32> to vector<1x16xf32>
        tpu.vector_store %arg10[%parallel_loop3A_759, %parallel_loop3A_760], %parallel_loop3A_763 {strides = array<i32>} : memref<20x1001xf32, #tpu.memory_space<vmem>>, vector<1x16xf32>,
        %parallel_loop3A_764 = arith.constant 0 : i32
        %parallel_loop3A_765 = tpu.memref_slice %arg8[%parallel_loop3A_103, %parallel_loop3A_764] : memref<24x1024xf32, #tpu.memory_space<vmem>> -> memref<1x1024xf32, #tpu.memory_space<vmem>>
        %parallel_loop3A_766 = tpu.memref_squeeze %parallel_loop3A_765 : memref<1x1024xf32, #tpu.memory_space<vmem>> -> memref<1024xf32, #tpu.memory_space<vmem>>
        %parallel_loop3A_767 = arith.constant 960 : index
        %parallel_loop3A_768 = tpu.vector_load %parallel_loop3A_766[%parallel_loop3A_767] {strides = array<i32>} : memref<1024xf32, #tpu.memory_space<vmem>>, vector<16xf32>,
        %parallel_loop3A_769 = vector.shape_cast %parallel_loop3A_768 : vector<16xf32> to vector<16xf32>
        %parallel_loop3A_770 = arith.index_cast %parallel_loop3A_103 : i32 to index
        %parallel_loop3A_771 = arith.constant 960 : index
        %parallel_loop3A_772 = tpu.vector_load %arg10[%parallel_loop3A_770, %parallel_loop3A_771] {strides = array<i32>} : memref<20x1001xf32, #tpu.memory_space<vmem>>, vector<1x16xf32>,
        %parallel_loop3A_773 = vector.shape_cast %parallel_loop3A_772 : vector<1x16xf32> to vector<16xf32>
        %parallel_loop3A_774 = vector.shape_cast %parallel_loop3A_769 : vector<16xf32> to vector<1x16xf32>
        tpu.vector_store %arg10[%parallel_loop3A_770, %parallel_loop3A_771], %parallel_loop3A_774 {strides = array<i32>} : memref<20x1001xf32, #tpu.memory_space<vmem>>, vector<1x16xf32>,
        %parallel_loop3A_775 = arith.constant 0 : i32
        %parallel_loop3A_776 = tpu.memref_slice %arg8[%parallel_loop3A_103, %parallel_loop3A_775] : memref<24x1024xf32, #tpu.memory_space<vmem>> -> memref<1x1024xf32, #tpu.memory_space<vmem>>
        %parallel_loop3A_777 = tpu.memref_squeeze %parallel_loop3A_776 : memref<1x1024xf32, #tpu.memory_space<vmem>> -> memref<1024xf32, #tpu.memory_space<vmem>>
        %parallel_loop3A_778 = arith.constant 976 : index
        %parallel_loop3A_779 = tpu.vector_load %parallel_loop3A_777[%parallel_loop3A_778] {strides = array<i32>} : memref<1024xf32, #tpu.memory_space<vmem>>, vector<16xf32>,
        %parallel_loop3A_780 = vector.shape_cast %parallel_loop3A_779 : vector<16xf32> to vector<16xf32>
        %parallel_loop3A_781 = arith.index_cast %parallel_loop3A_103 : i32 to index
        %parallel_loop3A_782 = arith.constant 976 : index
        %parallel_loop3A_783 = tpu.vector_load %arg10[%parallel_loop3A_781, %parallel_loop3A_782] {strides = array<i32>} : memref<20x1001xf32, #tpu.memory_space<vmem>>, vector<1x16xf32>,
        %parallel_loop3A_784 = vector.shape_cast %parallel_loop3A_783 : vector<1x16xf32> to vector<16xf32>
        %parallel_loop3A_785 = vector.shape_cast %parallel_loop3A_780 : vector<16xf32> to vector<1x16xf32>
        tpu.vector_store %arg10[%parallel_loop3A_781, %parallel_loop3A_782], %parallel_loop3A_785 {strides = array<i32>} : memref<20x1001xf32, #tpu.memory_space<vmem>>, vector<1x16xf32>,
        %parallel_loop3A_786 = arith.constant 0 : i32
        %parallel_loop3A_787 = tpu.memref_slice %arg8[%parallel_loop3A_103, %parallel_loop3A_786] : memref<24x1024xf32, #tpu.memory_space<vmem>> -> memref<1x1024xf32, #tpu.memory_space<vmem>>
        %parallel_loop3A_788 = tpu.memref_squeeze %parallel_loop3A_787 : memref<1x1024xf32, #tpu.memory_space<vmem>> -> memref<1024xf32, #tpu.memory_space<vmem>>
        %parallel_loop3A_789 = arith.constant 985 : index
        %parallel_loop3A_790 = tpu.vector_load %parallel_loop3A_788[%parallel_loop3A_789] {strides = array<i32>} : memref<1024xf32, #tpu.memory_space<vmem>>, vector<16xf32>,
        %parallel_loop3A_791 = vector.shape_cast %parallel_loop3A_790 : vector<16xf32> to vector<16xf32>
        %parallel_loop3A_792 = arith.index_cast %parallel_loop3A_103 : i32 to index
        %parallel_loop3A_793 = arith.constant 985 : index
        %parallel_loop3A_794 = tpu.vector_load %arg10[%parallel_loop3A_792, %parallel_loop3A_793] {strides = array<i32>} : memref<20x1001xf32, #tpu.memory_space<vmem>>, vector<1x16xf32>,
        %parallel_loop3A_795 = vector.shape_cast %parallel_loop3A_794 : vector<1x16xf32> to vector<16xf32>
        %parallel_loop3A_796 = vector.shape_cast %parallel_loop3A_791 : vector<16xf32> to vector<1x16xf32>
        tpu.vector_store %arg10[%parallel_loop3A_792, %parallel_loop3A_793], %parallel_loop3A_796 {strides = array<i32>} : memref<20x1001xf32, #tpu.memory_space<vmem>>, vector<1x16xf32>,
      } {sc.loop_unroll_factor = 2 : i64, sc.parallel_access}
      %add3A_94 = arith.addi %mul3A_2, %add3A_79 : i32
      %dma_start3A_95 = arith.constant 0 : i32
      %dma_start3A_96 = arith.constant 0 : i32
      %dma_start3A_97 = tpu.memref_slice %arg4[%add3A_94, %dma_start3A_95, %dma_start3A_96] : memref<4096x20x1001xf32, #tpu.memory_space<hbm>> -> memref<1x20x1001xf32, #tpu.memory_space<hbm>>
      %dma_start3A_98 = tpu.memref_squeeze %dma_start3A_97 : memref<1x20x1001xf32, #tpu.memory_space<hbm>> -> memref<20x1001xf32, #tpu.memory_space<hbm>>
      %dma_start3A_99 = arith.constant 0 : i32
      %dma_start3A_100 = arith.constant 0 : i32
      %dma_start3A_101 = tpu.memref_slice %arg4[%add3A_94, %dma_start3A_99, %dma_start3A_100] : memref<4096x20x1001xf32, #tpu.memory_space<hbm>> -> memref<1x20x1001xf32, #tpu.memory_space<hbm>>
      %dma_start3A_102 = tpu.memref_squeeze %dma_start3A_101 : memref<1x20x1001xf32, #tpu.memory_space<hbm>> -> memref<20x1001xf32, #tpu.memory_space<hbm>>
      tpu.enqueue_dma source(%arg10 : memref<20x1001xf32, #tpu.memory_space<vmem>>) target(%dma_start3A_102 : memref<20x1001xf32, #tpu.memory_space<hbm>>) target_semaphore(%arg14 : memref<!tpu.dma_semaphore, #tpu.memory_space<semaphore_mem>>)
    }
    %scan3A_19 = arith.constant 64 : i32
    %add3A_20 = arith.constant 128 : i32
    %add3A_21 = arith.addi %mul3A_2, %add3A_20 : i32
    %sub3A = arith.constant 2 : i32
    %sub3A_22 = arith.subi %add3A_21, %sub3A : i32
    %dma_wait3A = arith.constant 0 : i32
    %dma_wait3A_23 = arith.constant 0 : i32
    %dma_wait3A_24 = tpu.memref_slice %arg4[%sub3A_22, %dma_wait3A, %dma_wait3A_23] : memref<4096x20x1001xf32, #tpu.memory_space<hbm>> -> memref<1x20x1001xf32, #tpu.memory_space<hbm>>
    %dma_wait3A_25 = tpu.memref_squeeze %dma_wait3A_24 : memref<1x20x1001xf32, #tpu.memory_space<hbm>> -> memref<20x1001xf32, #tpu.memory_space<hbm>>
    %dma_wait3A_26 = arith.constant 0 : i32
    %dma_wait3A_27 = arith.constant 0 : i32
    %dma_wait3A_28 = tpu.memref_slice %arg4[%sub3A_22, %dma_wait3A_26, %dma_wait3A_27] : memref<4096x20x1001xf32, #tpu.memory_space<hbm>> -> memref<1x20x1001xf32, #tpu.memory_space<hbm>>
    %dma_wait3A_29 = tpu.memref_squeeze %dma_wait3A_28 : memref<1x20x1001xf32, #tpu.memory_space<hbm>> -> memref<20x1001xf32, #tpu.memory_space<hbm>>
    tpu.wait_dma2 semaphore(%arg13 : memref<!tpu.dma_semaphore, #tpu.memory_space<semaphore_mem>>) src(%arg9 : memref<20x1001xf32, #tpu.memory_space<vmem>>) dst(%dma_wait3A_29 : memref<20x1001xf32, #tpu.memory_space<hbm>>)
    %add3A_30 = arith.constant 128 : i32
    %add3A_31 = arith.addi %mul3A_2, %add3A_30 : i32
    %sub3A_32 = arith.constant 1 : i32
    %sub3A_33 = arith.subi %add3A_31, %sub3A_32 : i32
    %dma_wait3A_34 = arith.constant 0 : i32
    %dma_wait3A_35 = arith.constant 0 : i32
    %dma_wait3A_36 = tpu.memref_slice %arg4[%sub3A_33, %dma_wait3A_34, %dma_wait3A_35] : memref<4096x20x1001xf32, #tpu.memory_space<hbm>> -> memref<1x20x1001xf32, #tpu.memory_space<hbm>>
    %dma_wait3A_37 = tpu.memref_squeeze %dma_wait3A_36 : memref<1x20x1001xf32, #tpu.memory_space<hbm>> -> memref<20x1001xf32, #tpu.memory_space<hbm>>
    %dma_wait3A_38 = arith.constant 0 : i32
    %dma_wait3A_39 = arith.constant 0 : i32
    %dma_wait3A_40 = tpu.memref_slice %arg4[%sub3A_33, %dma_wait3A_38, %dma_wait3A_39] : memref<4096x20x1001xf32, #tpu.memory_space<hbm>> -> memref<1x20x1001xf32, #tpu.memory_space<hbm>>
    %dma_wait3A_41 = tpu.memref_squeeze %dma_wait3A_40 : memref<1x20x1001xf32, #tpu.memory_space<hbm>> -> memref<20x1001xf32, #tpu.memory_space<hbm>>
    tpu.wait_dma2 semaphore(%arg14 : memref<!tpu.dma_semaphore, #tpu.memory_space<semaphore_mem>>) src(%arg10 : memref<20x1001xf32, #tpu.memory_space<vmem>>) dst(%dma_wait3A_41 : memref<20x1001xf32, #tpu.memory_space<hbm>>)
    return
  }
}

module attributes {stable_mosaic.version = 14 : i64} {
  func.func @_gram_body(%arg0: memref<1001x128xf32, #tpu.memory_space<vmem>>, %arg1: memref<1024x128xf32, #tpu.memory_space<vmem>>, %arg2: memref<1001x1024xf32, #tpu.memory_space<vmem>>) attributes {dimension_semantics = [], scalar_prefetch = 0 : i64, scratch_operands = 0 : i64, tpu.core_type = #tpu.core_type<tc>} {
    %get3A = arith.constant 0 : index
    %get3A_0 = arith.constant 0 : index
    %get3A_1 = vector.load %arg0[%get3A, %get3A_0] : memref<1001x128xf32, #tpu.memory_space<vmem>>, vector<1001x128xf32>
    %get3A_2 = arith.constant 0 : index
    %get3A_3 = arith.constant 0 : index
    %get3A_4 = vector.load %arg1[%get3A_2, %get3A_3] : memref<1024x128xf32, #tpu.memory_space<vmem>>, vector<1024x128xf32>
    %dot_general3A = arith.constant dense<0.000000e+00> : vector<1001x1024xf32>
    %dot_general3A_5 = tpu.matmul %get3A_1, %get3A_4, %dot_general3A {dimension_numbers = #tpu.dot_dimension_numbers<[1], [1], [0], [0], [0, 0, 1, 0], [], []>, transpose_lhs_hint = false} : vector<1001x128xf32>, vector<1024x128xf32>, vector<1001x1024xf32> -> vector<1001x1024xf32>
    %swap3A = arith.constant 0 : index
    %swap3A_6 = arith.constant 0 : index
    %swap3A_7 = vector.load %arg2[%swap3A, %swap3A_6] : memref<1001x1024xf32, #tpu.memory_space<vmem>>, vector<1001x1024xf32>
    tpu.vector_store %arg2[%swap3A, %swap3A_6], %dot_general3A_5 {strides = array<i32>} : memref<1001x1024xf32, #tpu.memory_space<vmem>>, vector<1001x1024xf32>,
    return
  }
}

</mosaic_0001>

<sc_bundles>
// kernel: kernel.4.cloned.1.call-start
scs
__scs_entry_jumppad:
0x0: {  	(pc) =	sbr.rel $0x88, $3  }
0x1: {  	(tag) =	ssettag $0x0;
	lr =	simm.s32 $0x1  }
0x2: {  	[smem:$0x3F9F] =	sst lr;
	_ =	strace $0xD0000000  }
0x3: {  	_ = 	snop  }
0x4: {  	_ = 	snop  }
0x5: {  	_ = 	snop  }
0x6: {  	_ = 	snop  }
0x7: {  	_ = 	snop  }
__scs_overlays_trampoline_lowered:
0x8: {  	[smem:$0x3FAE] =	sst s0  }
0x9: {  	[smem:$0x3FAF] =	sst s1  }
0xa: {  	[smem:$0x3FB0] =	sst s2  }
0xb: {  	[smem:$0x3FB1] =	sst s3  }
0xc: {  	[smem:$0x3FB2] =	sst s4  }
0xd: {  	[smem:$0x3FB3] =	sst s5  }
0xe: {  	[smem:$0x3FB4] =	sst s6  }
0xf: {  	[smem:$0x3FB5] =	sst s7  }
0x10: {  	[smem:$0x3FB6] =	sst s8  }
0x11: {  	[smem:$0x3FB7] =	sst s9;
	s0 =	simm.s32 @!p0 $0x0  }
0x12: {  	s1 =	sld [smem:$0x3F9D];
	s0 =	simm.s32 @p0 $0x1  }
0x13: {  	[smem:$0x3FB8] =	sst s0;
	s0 =	simm.s32 @!p1 $0x0  }
0x14: {  	s2 =	sld [smem:$0x3F9C];
	s0 =	simm.s32 @p1 $0x1  }
0x15: {  	[smem:$0x3FB9] =	sst s0;
	s0 =	simm.s32 @!p2 $0x0  }
0x16: {  	s3 =	sld [smem:$0x3FDB];
	s0 =	simm.s32 @p2 $0x1  }
0x17: {  	s4 =	simm.s32 $0x1BF5;
	[smem:$0x3FBB] =	sst s0  }
0x18: {  	s0 =	sld [smem:$0x3F9E];
	_ =	swait.ge [sflag:s4], $0x0  }
0x19: {  	s7 =	sld [smem:$0x3F9F]  }
0x1a: {  	s8 =	sadd.s32 $0xFFFFE003, lr  }
0x1b: {  	s9 =	sadd.s32 $0xFFFFFEF7, lr;
	s5 =	simm.s32 $0xFFFFFFFF;
	p2 =	slt.u32 s8, $0xFFFFF086  }
0x1c: {  	p1 =	slt.u32 s9, $0xF7A;
	s5 =	simm.s32 @!p2 $0x0  }
0x1d: {  	s5 =	simm.s32 @p1 $0x1;
	p0 =	seq.s32 s7, s2  }
0x1e: {  	s7 =	smul.u32 @!p0 $0xF7A, s2;
	p2 =	seq.s32 @!p0 s5, $0x0  }
0x1f: {  	s9 =	smul.u32 $0xF7A, s1;
	s8 =	simm.s32 @!p0 $0x1BF5;
	p2 =	por !p2, p0  }
0x20: {  	[sflag:s8] =	ssyncset.s32 @!p0 $0xFFFFF086;
	s6 =	sadd.s32 @!p0 s3, s7;
	s7 =	simm.s32 @!p0 $0x108  }
0x21: {  	s3 =	sadd.s32 s3, s9;
	s6 =	sadd.s32 @!p0 $0x88, s6;
	s7 =	simm.s32 @p2 $0x1082  }
0x22: {  	[simem:s7], [sflag:s8] =	dma.local @!p0 [hbm:s6], $0xF7A  }
0x23: {  	s9 =	sor.u32 $0xD0000000, s2;
	s6 =	simm.s32 $0x108;
	_ =	swait.ge @!p0 [sflag:s8], $0x0  }
0x24: {  	s3 =	sadd.s32 $0x88, s3;
	s6 =	simm.s32 @!p1 $0x1082;
	[sflag:s4] =	ssyncset.s32 $0xFFFFF086  }
0x25: {  	[simem:s6], [sflag:s4] =	dma.local [hbm:s3], $0xF7A  }
0x26: {  	[smem:$0x3F9F] =	sst s1;
	(tag) =	ssettag s2;
	_ =	strace s9  }
0x27: {  	s1 =	sld [smem:$0x3FAF]  }
0x28: {  	s2 =	sld [smem:$0x3FB0]  }
0x29: {  	s4 =	sld [smem:$0x3FB2]  }
0x2a: {  	p0 =	seq.s32 s5, $0x0;
	s5 =	sld [smem:$0x3FB3]  }
0x2b: {  	s6 =	sld [smem:$0x3FB4]  }
0x2c: {  	s7 =	sld [smem:$0x3FB5]  }
0x2d: {  	s3 =	simm.s32 $0x108;
	s8 =	sld [smem:$0x3FB6]  }
0x2e: {  	s3 =	simm.s32 @!p0 $0x1082;
	s9 =	sld [smem:$0x3FB7]  }
0x2f: {  	lr =	sadd.s32 s0, s3;
	s0 =	sld [smem:$0x3FAE]  }
0x30: {  	s3 =	sld [smem:$0x3FB1]  }
0x31: {  	[smem:$0x3FBA] =	sst s10  }
0x32: {  	s10 =	sld [smem:$0x3FB8];
	_ =	sdelay $0x3  }
0x33: {  	p0 =	seq.s32 s10, $0x1;
	s10 =	sld [smem:$0x3FBA];
	_ =	sdelay $0x3  }
0x34: {  	[smem:$0x3FBA] =	sst s10  }
0x35: {  	s10 =	sld [smem:$0x3FB9];
	_ =	sdelay $0x3  }
0x36: {  	p1 =	seq.s32 s10, $0x1;
	s10 =	sld [smem:$0x3FBA];
	_ =	sdelay $0x3  }
0x37: {  	[smem:$0x3FBA] =	sst s10  }
0x38: {  	s10 =	sld [smem:$0x3FBB]  }
0x39: {  	_ = 	snop;
	(pc) =	sbr.ind lr, $3  }
0x3a: {  	_ = 	snop  }
0x3b: {  	_ = 	snop  }
0x3c: {  	p2 =	seq.s32 s10, $0x1;
	s10 =	sld [smem:$0x3FBA]  }
0x3d: {  	_ =	shalt  }
0x3e: {  	_ =	shalt  }
0x3f: {  	_ =	shalt  }
0x40: {  	_ =	shalt  }
0x41: {  	_ =	shalt  }
0x42: {  	_ =	shalt  }
0x43: {  	_ =	shalt  }
0x44: {  	_ =	shalt  }
0x45: {  	_ =	shalt  }
0x46: {  	_ =	shalt  }
0x47: {  	_ =	shalt  }
0x48: {  	_ =	shalt  }
0x49: {  	_ =	shalt  }
0x4a: {  	_ =	shalt  }
0x4b: {  	_ =	shalt  }
0x4c: {  	_ =	shalt  }
0x4d: {  	_ =	shalt  }
0x4e: {  	_ =	shalt  }
0x4f: {  	_ =	shalt  }
0x50: {  	_ =	shalt  }
0x51: {  	_ =	shalt  }
0x52: {  	_ =	shalt  }
0x53: {  	_ =	shalt  }
0x54: {  	_ =	shalt  }
0x55: {  	_ =	shalt  }
0x56: {  	_ =	shalt  }
0x57: {  	_ =	shalt  }
0x58: {  	_ =	shalt  }
0x59: {  	_ =	shalt  }
0x5a: {  	_ =	shalt  }
0x5b: {  	_ =	shalt  }
0x5c: {  	_ =	shalt  }
0x5d: {  	_ =	shalt  }
0x5e: {  	_ =	shalt  }
0x5f: {  	_ =	shalt  }
0x60: {  	_ =	shalt  }
0x61: {  	_ =	shalt  }
0x62: {  	_ =	shalt  }
0x63: {  	_ =	shalt  }
0x64: {  	_ =	shalt  }
0x65: {  	_ =	shalt  }
0x66: {  	_ =	shalt  }
0x67: {  	_ =	shalt  }
0x68: {  	_ =	shalt  }
0x69: {  	_ =	shalt  }
0x6a: {  	_ =	shalt  }
0x6b: {  	_ =	shalt  }
0x6c: {  	_ =	shalt  }
0x6d: {  	_ =	shalt  }
0x6e: {  	_ =	shalt  }
0x6f: {  	_ =	shalt  }
0x70: {  	_ =	shalt  }
0x71: {  	_ =	shalt  }
0x72: {  	_ =	shalt  }
0x73: {  	_ =	shalt  }
0x74: {  	_ =	shalt  }
0x75: {  	_ =	shalt  }
0x76: {  	_ =	shalt  }
0x77: {  	_ =	shalt  }
0x78: {  	_ =	shalt  }
0x79: {  	_ =	shalt  }
0x7a: {  	_ =	shalt  }
0x7b: {  	_ =	shalt  }
0x7c: {  	_ =	shalt  }
0x7d: {  	_ =	shalt  }
0x7e: {  	_ =	shalt  }
0x7f: {  	_ =	shalt  }
0x80: {  	_ =	shalt  }
0x81: {  	_ =	shalt  }
0x82: {  	_ =	shalt  }
0x83: {  	_ =	shalt  }
0x84: {  	_ =	shalt  }
0x85: {  	_ =	shalt  }
0x86: {  	_ =	shalt  }
0x87: {  	_ =	shalt  }
.Lfunc_end0:
.L_simem_size_0:
called_computation_lowered:
.L_overlay_start_0:
0x88: {  	s2 =	sld [smem:$0x3FD9]  }
0x89: {  	s3 =	sld [smem:$0x3FFE];
	_ =	sdelay $0x1  }
0x8a: {  	s1 =	srdreg.scid  }
0x8b: {  	s0 =	sand.u32 $0x1, s1  }
0x8c: {  	s17 =	sshll.u32 s0, $0xA;
	s2 =	sadd.s32 s3, s2  }
0x8d: {  	s2 =	sadd.s32 s2, s17  }
0x8e: {  	[smem:$0x3FC6] =	sst s2  }
0x8f: {  	_ = 	snop  }
0x90: {  	s2 =	sld [smem:$0x3FD0];
	(tm) =	ssettm $0x1  }
0x91: {  	s18 =	sld [smem:$0x3FFB];
	_ =	sdelay $0x3  }
0x92: {  	_ =	strace s18  }
0x93: {  	s3 =	sld [smem:$0x3FFC];
	_ =	sdelay $0x3  }
0x94: {  	_ =	strace s3  }
0x95: {  	s3 =	sld [smem:$0x3FFD];
	_ =	sdelay $0x3  }
0x96: {  	_ =	strace s3  }
0x97: {  	_ =	strace $0x8FFFFFFF  }
0x98: {  	s19 =	sld [smem:$0x3FDB];
	_ =	sdelay $0x1  }
0x99: {  	s4 =	simm.s32 $_scs_section_size  }
0x9a: {  	s5 =	simm.s32 $_size__tile_overlayer_lowered;
	s6 =	simm.s32 $_tile_overlayer_lowered  }
0x9b: {  	s22 =	simm.s32 $0x1BFF;
	s21 =	sshll.u32 s6, $0x1;
	s3 =	sadd.s32 s4, s19  }
0x9c: {  	s7 =	simm.s32 $0x0;
	s20 =	sshll.u32 s5, $0x1;
	s5 =	sadd.s32 s21, s3  }
0x9d: {  	[timem:s7], [sflag:s22] =	dma.local [hbm:s5], s20  }
0x9e: {  	_ =	swait.ge [sflag:s22], s20  }
0x9f: {  	s4 =	ssub.s32 $0x0, s20;
	[sflag:s22] =	ssyncset.done $0x0  }
0xa0: {  	[sflag:s22] =	ssyncadd.s32 s4;
	_ =	sdelay $0x1  }
0xa1: {  	s23 =	simm.s32 $0x1B8B  }
0xa2: {  	_ =	swait.ge [sflag:s23], $0x1  }
0xa3: {  	[sflag:s23] =	ssyncset.done $0x0  }
0xa4: {  	s25 =	simm.s32 $0x1B8E;
	s24 =	sld [smem:$0x3FFE];
	[sflag:s23] =	ssyncadd.s32 $0xFFFFFFFF  }
0xa5: {  	s26 =	simm.s32 $execute0_lowered;
	[smem:$0x3FD2] =	sst s25  }
0xa6: {  	s5 =	sshll.u32 s26, $0x1;
	_ =	strace $0x80000046;
	[dreg:$0x1] =	wrdreg $0xFFFFFFFF  }
0xa7: {  	s28 =	simm.s32 $_size_execute0_lowered;
	s3 =	sadd.s32 s3, s5;
	[dreg:$0x0] =	wrdreg $0x0  }
0xa8: {  	s5 =	sshll.u32 s28, $0x1;
	[dreg:$0x2] =	wrdreg s3  }
0xa9: {  	[dreg:$0x3] =	wrdreg s5  }
0xaa: {  	[dreg:$0x4] =	wrdreg $0xC0  }
0xab: {  	_ =	task [dreg:s7], $0x5FFFF  }
0xac: {  	[dreg:$0x1] =	wrdreg $0xFFFFFFFF  }
0xad: {  	[dreg:$0x0] =	wrdreg $0x60  }
0xae: {  	[dreg:$0x2] =	wrdreg s24  }
0xaf: {  	[dreg:$0x3] =	wrdreg s2  }
0xb0: {  	[dreg:$0x4] =	wrdreg $0x9  }
0xb1: {  	_ =	task.clear_ibuf [dreg:s7], $0x5FFFF;
	_ =	strace $0x90000046  }
0xb2: {  	s29 =	simm.s32 $0x9;
	_ =	strace $0x80000048  }
0xb3: {  	_ =	swait.ge [sflag:s29], $0x1  }
0xb4: {  	[sflag:s29] =	ssyncadd.s32 $0xFFFFFFFF  }
0xb5: {  	_ =	strace $0x90000048  }
0xb6: {  	_ =	sfence  }
0xb7: {  	s30 =	sld [smem:$0x0];
	_ =	sdelay $0x2  }
0xb8: {  	s31 =	sshll.u32 s1, $0xD;
	s1 =	sshrl.u32 s1, $0x2  }
0xb9: {  	s3 =	sand.u32 $0x4000, s31;
	s1 =	sadd.s32 s1, s30  }
0xba: {  	s0 =	sor.u32 s3, s0;
	s1 =	sshll.u32 s1, $0x11  }
0xbb: {  	s0 =	sor.u32 s1, s0  }
0xbc: {  	s0 =	sadd.s32 $0x8F2B, s0  }
0xbd: {  	[sflag:s0] =	ssyncadd.remote.s32 $0x1  }
0xbe: {  	_ =	sfence.sel $0xFFFF  }
0xbf: {  	[dreg:$0x0] =	wrdreg $0xFFFFFFFF;
	(pc) =	sbr.abs _section_cstart, $3  }
0xc0: {  	[dreg:$0x1] =	wrdreg $0xFFFFFFFF  }
0xc1: {  	_ =	task.clear_ibuf [dreg:s7], $0x2FFFF;
	_ =	strace $0x9FFFFFFF  }
0xc2: {  	(tm) =	ssettm $0x7FFFFFFF  }
0xc3: {  	_ =	shalt  }
tec
execute0_lowered:
.L_overlay_start_1:
0x0: {  	(tag) =	ssettag $0x1  }
0x1: {  	s0 =	rddreg [dreg:$0x0];
	s1 =	srdreg.scid  }
0x2: {  	s3 =	stileid.u32;
	s2 =	rddreg [dreg:$0x1];
	s10 =	simm.s32 $0xC800  }
0x3: {  	s11 =	simm.s32 $0xD000;
	s12 =	simm.s32 $0x1;
	s13 =	simm.s32 $0xD800  }
0x4: {  	s14 =	simm.s32 $0x2;
	s15 =	simm.s32 $0x4;
	s16 =	simm.s32 $0x13800  }
0x5: {  	s18 =	simm.s32 $0x0;
	s1 =	sand.u32 $0x1, s1;
	s4 =	sshll.u32 s3, $0x1  }
0x6: {  	s3 =	simm.s32 $0x0;
	s7 =	sadd.s32 $0x100, s2;
	s5 =	sor.u32 s1, s4  }
0x7: {  	s8 =	sadd.s32 $0x200, s2;
	[smem:$0x7FF] =	sst s3;
	s4 =	smul.u32 $0x180, s5  }
0x8: {  	s9 =	sadd.s32 $0x300, s2;
	s1 =	ssub.s32 $0x2, s1;
	_ =	strace $0x80000047  }
0x9: {  	s30 =	sshrl.u32 s1, $0x1;
	s5 =	sshll.u32 s5, $0x7;
	s6 =	sadd.s32 s4, s0  }
0xa: {  	v2 =	vlaneseq.u32;
	s4 =	sadd.s32 $0x3800, s0;
	s0 =	ssub.s32 s1, s30;
	s31 =	sadd.s32 $0x800, s6  }
0xb: {  	vm0 =	vmmov $0xffff;
	v1 =	vshrl.u32 v2, $0x3;
	s1 =	simm.s32 $0xB000;
	s0 =	smax.u32 s0, $0x1;
	[dreg:$0x3] =	wrdreg s31  }
0xc: {  	v0 =	vand.u32 $0x7, v2;
	v2 =	vor.u32 $0x8, v2;
	v1 =	vmul.u32 $0x8, v1;
	s6 =	simm.s32 $0xC000;
	[dreg:$0x4] =	wrdreg s0;
	s0 =	simm.s32 $0xB800  }
.LBB2_1:
0xd: {  	[dreg:$0x5] =	wrdreg s18  }
0xe: {  	s17 =	rddreg [dreg:$0x3];
	s31 =	simm.s32 $0x5  }
0xf: {  	[tilespmem:s3], [sflag:$0x5] =	stream.linear.gather [hbm4b:s17+s3], $0xC00, $0x38;
	[tilespmem:$0x19800] =	vst v63  }
0x10: {  	_ =	swait.ge [sflag:s31], $0xC00  }
0x11: {  	[sflag:s31] =	ssyncset.done $0x0  }
0x12: {  	s17 =	simm.s32 $0x0;
	[sflag:s31] =	ssyncadd.s32 $0xFFFFF400  }
0x13: {  	v3 =	vld [tilespmem:s17+$0x0];
	_ =	sdelay $0x3  }
0x14: {  	s18 =	simm.s32 $0x40  }
.LBB2_2:
0x15: {  	s19 =	sshra.s32 s18, $0x2;
	p0 =	sne.s32 s18, $0x2FC0;
	s18 =	sadd.s32 $0x40, s18;
	v4 =	vmul.f32 $1.000000000e+03, v3  }
.Ltmp0:
0x16: {  	v3 =	vld [tilespmem:s19+$0x0];
	(pc) =	sbr.rel @p0 .LBB2_2-.Ltmp0, $3  }
0x17: {  	v4 =	vtrunc.f32 v4  }
0x18: {  	v4 =	vcvt.f32.s32 v4;
	_ =	sdelay $0x1  }
0x19: {  	[tilespmem:s17+$0xC00] =	vst v4;
	s17 =	smov.u32 s19  }
0x1a: {  	v3 =	vmul.f32 $1.000000000e+03, v3;
	_ =	sdelay $0x1  }
0x1b: {  	v3 =	vtrunc.f32 v3  }
0x1c: {  	v3 =	vcvt.f32.s32 v3;
	_ =	sdelay $0x1  }
0x1d: {  	[tilespmem:s17+$0xC00] =	vst v3  }
0x1e: {  	v3 =	vld [tilespmem:$0xC00];
	_ =	sdelay $0x4  }
0x1f: {  	v4 =	vshll.u32 v3, $0x3  }
0x20: {  	v3 =	vand.u32 $0x7, v3;
	v4 =	vand.u32 $0xFFFFFFC0, v4  }
0x21: {  	v3 =	vor.u32 v3, v4  }
0x22: {  	v4 =	vperm.xlane v3, v0;
	_ =	sdelay $0x1  }
0x23: {  	v4 =	vadd.s32 v1, v4;
	_ =	sdelay $0x3  }
0x24: {  	s18 =	simm.s32 $0x1800;
	s17 =	simm.s32 $0x0  }
0x25: {  	[tilespmem:s18], [sflag:$0x1] =	stream.indirect_vreg.gather [hbm4b:s2+s17], $0x80, v4, vm0, $0xb8;
	[tilespmem:$0x19800] =	vst v63  }
0x26: {  	s20 =	simm.s32 $0x2000;
	v3 =	vperm.xlane v3, v2  }
0x27: {  	[tilespmem:s20], [sflag:$0x1] =	stream.indirect_vreg.gather [hbm4b:s7+s17], $0x80, v4, vm0, $0xb8;
	[tilespmem:$0x19800] =	vst v63  }
0x28: {  	s21 =	simm.s32 $0x2800;
	v3 =	vadd.s32 v1, v3  }
0x29: {  	[tilespmem:s21], [sflag:$0x1] =	stream.indirect_vreg.gather [hbm4b:s8+s17], $0x80, v4, vm0, $0xb8;
	[tilespmem:$0x19800] =	vst v63  }
0x2a: {  	s22 =	simm.s32 $0x3000  }
0x2b: {  	[tilespmem:s22], [sflag:$0x1] =	stream.indirect_vreg.gather [hbm4b:s9+s17], $0x80, v4, vm0, $0xb8;
	[tilespmem:$0x19800] =	vst v63  }
0x2c: {  	s23 =	simm.s32 $0x3800  }
0x2d: {  	[tilespmem:s23], [sflag:$0x1] =	stream.indirect_vreg.gather [hbm4b:s2+s17], $0x80, v3, vm0, $0xb8;
	[tilespmem:$0x19800] =	vst v63  }
0x2e: {  	s24 =	simm.s32 $0x4000  }
0x2f: {  	[tilespmem:s24], [sflag:$0x1] =	stream.indirect_vreg.gather [hbm4b:s7+s17], $0x80, v3, vm0, $0xb8;
	[tilespmem:$0x19800] =	vst v63  }
0x30: {  	s25 =	simm.s32 $0x4800  }
0x31: {  	[tilespmem:s25], [sflag:$0x1] =	stream.indirect_vreg.gather [hbm4b:s8+s17], $0x80, v3, vm0, $0xb8;
	[tilespmem:$0x19800] =	vst v63  }
0x32: {  	s26 =	simm.s32 $0x5000  }
0x33: {  	[tilespmem:s26], [sflag:$0x1] =	stream.indirect_vreg.gather [hbm4b:s9+s17], $0x80, v3, vm0, $0xb8;
	[tilespmem:$0x19800] =	vst v63  }
0x34: {  	v3 =	vld.msk [tilespmem:$0xC10], $0xff;
	_ =	sdelay $0x4  }
0x35: {  	v63 =	vshll.u32 v3, $0x3  }
0x36: {  	v3 =	vand.u32 $0x7, v3;
	v4 =	vand.u32 $0xFFFFFFC0, v63  }
0x37: {  	v3 =	vor.u32 v3, v4  }
0x38: {  	v3 =	vperm.xlane v3, v0;
	_ =	sdelay $0x1  }
0x39: {  	v3 =	vadd.s32 v1, v3;
	_ =	sdelay $0x3  }
0x3a: {  	s28 =	simm.s32 $0x5800  }
0x3b: {  	[tilespmem:s28], [sflag:$0x1] =	stream.indirect_vreg.gather [hbm4b:s2+s17], $0x80, v3, vm0, $0xb8;
	[tilespmem:$0x19800] =	vst v63  }
0x3c: {  	s29 =	simm.s32 $0x6000  }
0x3d: {  	[tilespmem:s29], [sflag:$0x1] =	stream.indirect_vreg.gather [hbm4b:s7+s17], $0x80, v3, vm0, $0xb8;
	[tilespmem:$0x19800] =	vst v63  }
0x3e: {  	s30 =	simm.s32 $0x6800  }
0x3f: {  	[tilespmem:s30], [sflag:$0x1] =	stream.indirect_vreg.gather [hbm4b:s8+s17], $0x80, v3, vm0, $0xb8;
	[tilespmem:$0x19800] =	vst v63  }
0x40: {  	s31 =	simm.s32 $0x7000;
	s18 =	simm.s32 $0x0  }
0x41: {  	[tilespmem:s31], [sflag:$0x1] =	stream.indirect_vreg.gather [hbm4b:s9+s17], $0x80, v3, vm0, $0xb8;
	[tilespmem:$0x19800] =	vst v63  }
.LBB2_4:
0x42: {  	s19 =	sshllo.u32 s18, $0x1  }
0x43: {  	s20 =	smul.u32 $0x60, s19;
	_ =	sdelay $0x1  }
0x44: {  	s20 =	sshra.s32 s20, $0x2  }
0x45: {  	v3 =	vld [tilespmem:s20+$0xC00];
	_ =	sdelay $0x4  }
0x46: {  	v4 =	vshll.u32 v3, $0x3  }
0x47: {  	v3 =	vand.u32 $0x7, v3;
	v4 =	vand.u32 $0xFFFFFFC0, v4  }
0x48: {  	v3 =	vor.u32 v3, v4  }
0x49: {  	v4 =	vperm.xlane v3, v0;
	_ =	sdelay $0x1  }
0x4a: {  	v4 =	vadd.s32 v1, v4;
	_ =	sdelay $0x3  }
0x4b: {  	s21 =	simm.s32 $0x7800  }
0x4c: {  	[tilespmem:s21], [sflag:$0x2] =	stream.indirect_vreg.gather [hbm4b:s2+s3], $0x80, v4, vm0, $0xb8;
	[tilespmem:$0x19800] =	vst v63  }
0x4d: {  	s25 =	simm.s32 $0x8000;
	v3 =	vperm.xlane v3, v2  }
0x4e: {  	[tilespmem:s25], [sflag:$0x2] =	stream.indirect_vreg.gather [hbm4b:s7+s3], $0x80, v4, vm0, $0xb8;
	[tilespmem:$0x19800] =	vst v63  }
0x4f: {  	s26 =	simm.s32 $0x8800;
	v3 =	vadd.s32 v1, v3  }
0x50: {  	[tilespmem:s26], [sflag:$0x2] =	stream.indirect_vreg.gather [hbm4b:s8+s3], $0x80, v4, vm0, $0xb8;
	[tilespmem:$0x19800] =	vst v63  }
0x51: {  	s30 =	simm.s32 $0x9000  }
0x52: {  	[tilespmem:s30], [sflag:$0x2] =	stream.indirect_vreg.gather [hbm4b:s9+s3], $0x80, v4, vm0, $0xb8;
	[tilespmem:$0x19800] =	vst v63  }
0x53: {  	s31 =	simm.s32 $0x9800  }
0x54: {  	[tilespmem:s31], [sflag:$0x2] =	stream.indirect_vreg.gather [hbm4b:s2+s3], $0x80, v3, vm0, $0xb8;
	[tilespmem:$0x19800] =	vst v63  }
0x55: {  	s22 =	simm.s32 $0xA000  }
0x56: {  	[tilespmem:s22], [sflag:$0x2] =	stream.indirect_vreg.gather [hbm4b:s7+s3], $0x80, v3, vm0, $0xb8;
	[tilespmem:$0x19800] =	vst v63  }
0x57: {  	s23 =	simm.s32 $0xA800  }
0x58: {  	[tilespmem:s23], [sflag:$0x2] =	stream.indirect_vreg.gather [hbm4b:s8+s3], $0x80, v3, vm0, $0xb8;
	[tilespmem:$0x19800] =	vst v63  }
0x59: {  	_ = 	snop  }
0x5a: {  	[tilespmem:s1], [sflag:$0x2] =	stream.indirect_vreg.gather [hbm4b:s9+s3], $0x80, v3, vm0, $0xb8;
	[tilespmem:$0x19800] =	vst v63  }
0x5b: {  	v3 =	vld.msk [tilespmem:s20+$0xC10], $0xff;
	_ =	sdelay $0x4  }
0x5c: {  	v4 =	vshll.u32 v3, $0x3  }
0x5d: {  	v3 =	vand.u32 $0x7, v3;
	v4 =	vand.u32 $0xFFFFFFC0, v4  }
0x5e: {  	v3 =	vor.u32 v3, v4  }
0x5f: {  	v3 =	vperm.xlane v3, v0;
	_ =	sdelay $0x1  }
0x60: {  	v3 =	vadd.s32 v1, v3;
	_ =	sdelay $0x4  }
0x61: {  	[tilespmem:s0], [sflag:$0x2] =	stream.indirect_vreg.gather [hbm4b:s2+s3], $0x80, v3, vm0, $0xb8;
	[tilespmem:$0x19800] =	vst v63  }
0x62: {  	_ = 	snop  }
0x63: {  	[tilespmem:s6], [sflag:$0x2] =	stream.indirect_vreg.gather [hbm4b:s7+s3], $0x80, v3, vm0, $0xb8;
	[tilespmem:$0x19800] =	vst v63  }
0x64: {  	_ = 	snop  }
0x65: {  	[tilespmem:s10], [sflag:$0x2] =	stream.indirect_vreg.gather [hbm4b:s8+s3], $0x80, v3, vm0, $0xb8;
	[tilespmem:$0x19800] =	vst v63  }
0x66: {  	_ = 	snop  }
0x67: {  	[tilespmem:s11], [sflag:$0x2] =	stream.indirect_vreg.gather [hbm4b:s9+s3], $0x80, v3, vm0, $0xb8;
	[tilespmem:$0x19800] =	vst v63  }
0x68: {  	_ =	swait.ge [sflag:s12], $0x6000  }
0x69: {  	p0 =	seq.s32 s18, $0x0;
	[sflag:s12] =	ssyncset.done $0x0  }
0x6a: {  	s20 =	simm.s32 @!p0 $0x3;
	[sflag:s12] =	ssyncadd.s32 $0xFFFFA000  }
0x6b: {  	_ =	swait.ge @!p0 [sflag:s20], $0x6000  }
0x6c: {  	s24 =	sand.u32 $0x6000, s17;
	s22 =	sand.u32 $0x300, s17;
	[sflag:s20] =	ssyncset.done @!p0 $0x0  }
0x6d: {  	[sflag:s20] =	ssyncadd.s32 @!p0 $0xFFFFA000;
	s20 =	sor.u32 s22, s24  }
0x6e: {  	v3 =	vld [tilespmem:s20+$0x1800]  }
0x6f: {  	v4 =	vld [tilespmem:s20+$0x1810]  }
0x70: {  	v5 =	vld [tilespmem:s20+$0x1820];
	_ =	sdelay $0x2  }
0x71: {  	[tilespmem:s20+$0xD800] =	vst v3;
	v3 =	vld [tilespmem:s20+$0x1830]  }
0x72: {  	[tilespmem:s20+$0xD810] =	vst v4;
	v4 =	vld [tilespmem:s20+$0x1850]  }
0x73: {  	[tilespmem:s20+$0xD820] =	vst v5;
	v5 =	vld [tilespmem:s20+$0x1860];
	_ =	sdelay $0x2  }
0x74: {  	[tilespmem:s20+$0xD830] =	vst v3;
	v3 =	vld [tilespmem:s20+$0x1870]  }
0x75: {  	[tilespmem:s20+$0xD850] =	vst v4;
	v4 =	vld [tilespmem:s20+$0x1C10]  }
0x76: {  	[tilespmem:s20+$0xD860] =	vst v5;
	v5 =	vld [tilespmem:s20+$0x1C20]  }
0x77: {  	v6 =	vld [tilespmem:s20+$0x1840]  }
0x78: {  	v45 =	vld [tilespmem:s20+$0x1C00]  }
0x79: {  	[tilespmem:s20+$0xD870] =	vst v3;
	v3 =	vld [tilespmem:s20+$0x1C30]  }
0x7a: {  	[tilespmem:s20+$0xDC10] =	vst v4;
	v4 =	vld [tilespmem:s20+$0x1C50]  }
0x7b: {  	[tilespmem:s20+$0xDC20] =	vst v5;
	v5 =	vld [tilespmem:s20+$0x1C60]  }
0x7c: {  	v46 =	vld [tilespmem:s20+$0x1C40];
	[tilespmem:s20+$0xD840] =	vst v6  }
0x7d: {  	v7 =	vld [tilespmem:s20+$0x1C70];
	[tilespmem:s20+$0xDC00] =	vst v45  }
0x7e: {  	[tilespmem:s20+$0xDC30] =	vst v3;
	v3 =	vld [tilespmem:s20+$0x2000]  }
0x7f: {  	[tilespmem:s20+$0xDC50] =	vst v4;
	v4 =	vld [tilespmem:s20+$0x2010]  }
0x80: {  	[tilespmem:s20+$0xDC60] =	vst v5;
	v5 =	vld [tilespmem:s20+$0x2020]  }
0x81: {  	v47 =	vld [tilespmem:s20+$0x2030];
	[tilespmem:s20+$0xDC40] =	vst v46  }
0x82: {  	v48 =	vld [tilespmem:s20+$0x2040];
	[tilespmem:s20+$0xDC70] =	vst v7  }
0x83: {  	[tilespmem:s20+$0xE000] =	vst v3;
	v3 =	vld [tilespmem:s20+$0x2050]  }
0x84: {  	[tilespmem:s20+$0xE010] =	vst v4;
	v4 =	vld [tilespmem:s20+$0x2060]  }
0x85: {  	[tilespmem:s20+$0xE020] =	vst v5;
	v5 =	vld [tilespmem:s20+$0x2070]  }
0x86: {  	v49 =	vld [tilespmem:s20+$0x2400];
	[tilespmem:s20+$0xE030] =	vst v47  }
0x87: {  	v50 =	vld [tilespmem:s20+$0x2410];
	[tilespmem:s20+$0xE040] =	vst v48  }
0x88: {  	[tilespmem:s20+$0xE050] =	vst v3;
	v3 =	vld [tilespmem:s20+$0x2420]  }
0x89: {  	[tilespmem:s20+$0xE060] =	vst v4;
	v4 =	vld [tilespmem:s20+$0x2430]  }
0x8a: {  	[tilespmem:s20+$0xE070] =	vst v5;
	v5 =	vld [tilespmem:s20+$0x2440]  }
0x8b: {  	v51 =	vld [tilespmem:s20+$0x2450];
	[tilespmem:s20+$0xE400] =	vst v49  }
0x8c: {  	v52 =	vld [tilespmem:s20+$0x2460];
	[tilespmem:s20+$0xE410] =	vst v50  }
0x8d: {  	[tilespmem:s20+$0xE420] =	vst v3;
	v3 =	vld [tilespmem:s20+$0x2470]  }
0x8e: {  	[tilespmem:s20+$0xE430] =	vst v4;
	v4 =	vld [tilespmem:s20+$0x2800]  }
0x8f: {  	[tilespmem:s20+$0xE440] =	vst v5;
	v5 =	vld [tilespmem:s20+$0x2810]  }
0x90: {  	v53 =	vld [tilespmem:s20+$0x2820];
	[tilespmem:s20+$0xE450] =	vst v51  }
0x91: {  	v54 =	vld [tilespmem:s20+$0x2830];
	[tilespmem:s20+$0xE460] =	vst v52  }
0x92: {  	[tilespmem:s20+$0xE470] =	vst v3;
	v3 =	vld [tilespmem:s20+$0x2840]  }
0x93: {  	[tilespmem:s20+$0xE800] =	vst v4;
	v4 =	vld [tilespmem:s20+$0x2850]  }
0x94: {  	[tilespmem:s20+$0xE810] =	vst v5;
	v5 =	vld [tilespmem:s20+$0x2860]  }
0x95: {  	v55 =	vld [tilespmem:s20+$0x2870];
	[tilespmem:s20+$0xE820] =	vst v53  }
0x96: {  	v56 =	vld [tilespmem:s20+$0x2C00];
	[tilespmem:s20+$0xE830] =	vst v54  }
0x97: {  	[tilespmem:s20+$0xE840] =	vst v3;
	v3 =	vld [tilespmem:s20+$0x2C10]  }
0x98: {  	[tilespmem:s20+$0xE850] =	vst v4;
	v4 =	vld [tilespmem:s20+$0x2C20]  }
0x99: {  	[tilespmem:s20+$0xE860] =	vst v5;
	v5 =	vld [tilespmem:s20+$0x2C30]  }
0x9a: {  	v57 =	vld [tilespmem:s20+$0x2C40];
	[tilespmem:s20+$0xE870] =	vst v55  }
0x9b: {  	v58 =	vld [tilespmem:s20+$0x2C50];
	[tilespmem:s20+$0xEC00] =	vst v56  }
0x9c: {  	[tilespmem:s20+$0xEC10] =	vst v3;
	v3 =	vld [tilespmem:s20+$0x2C60]  }
0x9d: {  	[tilespmem:s20+$0xEC20] =	vst v4;
	v4 =	vld [tilespmem:s20+$0x2C70]  }
0x9e: {  	[tilespmem:s20+$0xEC30] =	vst v5;
	v5 =	vld [tilespmem:s20+$0x3000]  }
0x9f: {  	s25 =	sand.u32 $0x3, s17;
	[tilespmem:s20+$0xEC40] =	vst v57  }
0xa0: {  	s21 =	sshll.u32 s25, $0x8;
	[tilespmem:s20+$0xEC50] =	vst v58  }
0xa1: {  	s22 =	sadd.s32 $0x0, s21;
	[tilespmem:s20+$0xEC60] =	vst v3  }
0xa2: {  	s21 =	sor.u32 $0x1800, s22;
	[tilespmem:s20+$0xEC70] =	vst v4  }
0xa3: {  	[tilespmem:s21+$0xD800] =	vst v5  }
0xa4: {  	v3 =	vld [tilespmem:s20+$0x3010];
	_ =	sdelay $0x3  }
0xa5: {  	s26 =	sor.u32 $0x1810, s22  }
0xa6: {  	[tilespmem:s26+$0xD800] =	vst v3  }
0xa7: {  	v3 =	vld [tilespmem:s20+$0x3020];
	_ =	sdelay $0x3  }
0xa8: {  	s30 =	sor.u32 $0x1820, s22  }
0xa9: {  	[tilespmem:s30+$0xD800] =	vst v3  }
0xaa: {  	v3 =	vld [tilespmem:s20+$0x3030];
	_ =	sdelay $0x3  }
0xab: {  	s31 =	sor.u32 $0x1830, s22  }
0xac: {  	[tilespmem:s31+$0xD800] =	vst v3  }
0xad: {  	v3 =	vld [tilespmem:s20+$0x3040];
	_ =	sdelay $0x3  }
0xae: {  	s23 =	sor.u32 $0x1840, s22  }
0xaf: {  	[tilespmem:s23+$0xD800] =	vst v3  }
0xb0: {  	v3 =	vld [tilespmem:s20+$0x3050];
	_ =	sdelay $0x3  }
0xb1: {  	s24 =	sor.u32 $0x1850, s22  }
0xb2: {  	[tilespmem:s24+$0xD800] =	vst v3  }
0xb3: {  	v3 =	vld [tilespmem:s20+$0x3060];
	_ =	sdelay $0x3  }
0xb4: {  	s25 =	sor.u32 $0x1860, s22  }
0xb5: {  	[tilespmem:s25+$0xD800] =	vst v3  }
0xb6: {  	v3 =	vld [tilespmem:s20+$0x3070];
	_ =	sdelay $0x3  }
0xb7: {  	s26 =	sor.u32 $0x1870, s22  }
0xb8: {  	[tilespmem:s26+$0xD800] =	vst v3  }
0xb9: {  	v3 =	vld [tilespmem:s20+$0x3400];
	_ =	sdelay $0x3  }
0xba: {  	s30 =	sor.u32 $0x1C00, s22  }
0xbb: {  	[tilespmem:s30+$0xD800] =	vst v3  }
0xbc: {  	v3 =	vld [tilespmem:s20+$0x3410];
	_ =	sdelay $0x3  }
0xbd: {  	s31 =	sor.u32 $0x1C10, s22  }
0xbe: {  	[tilespmem:s31+$0xD800] =	vst v3  }
0xbf: {  	v3 =	vld [tilespmem:s20+$0x3420];
	_ =	sdelay $0x3  }
0xc0: {  	s23 =	sor.u32 $0x1C20, s22  }
0xc1: {  	s31 =	simm.s32 $0x100;
	[tilespmem:s23+$0xD800] =	vst v3;
	s23 =	simm.s32 $0x800  }
0xc2: {  	s21 =	sand.u32 $0x300, s31;
	s23 =	sand.u32 $0x6000, s23  }
0xc3: {  	v3 =	vld [tilespmem:s20+$0x3430];
	s21 =	sor.u32 s21, s23  }
0xc4: {  	v8 =	vld [tilespmem:s21+$0x1800]  }
0xc5: {  	v9 =	vld [tilespmem:s21+$0x1810]  }
0xc6: {  	v10 =	vld [tilespmem:s21+$0x1820]  }
0xc7: {  	s24 =	sor.u32 $0x1C30, s22;
	v62 =	vld [tilespmem:s21+$0x1830]  }
0xc8: {  	v11 =	vld [tilespmem:s21+$0x1840];
	[tilespmem:s24+$0xD800] =	vst v3  }
0xc9: {  	v12 =	vld [tilespmem:s21+$0x1850];
	[tilespmem:s21+$0xD800] =	vst v8  }
0xca: {  	v13 =	vld [tilespmem:s21+$0x1860];
	[tilespmem:s21+$0xD810] =	vst v9  }
0xcb: {  	v16 =	vld [tilespmem:s21+$0x1870];
	[tilespmem:s21+$0xD820] =	vst v10  }
0xcc: {  	v17 =	vld [tilespmem:s21+$0x1C00];
	[tilespmem:s21+$0xD830] =	vst v62  }
0xcd: {  	v18 =	vld [tilespmem:s21+$0x1C10];
	[tilespmem:s21+$0xD840] =	vst v11  }
0xce: {  	v20 =	vld [tilespmem:s21+$0x1C20];
	[tilespmem:s21+$0xD850] =	vst v12  }
0xcf: {  	v22 =	vld [tilespmem:s21+$0x1C30];
	[tilespmem:s21+$0xD860] =	vst v13  }
0xd0: {  	v23 =	vld [tilespmem:s21+$0x1C40];
	[tilespmem:s21+$0xD870] =	vst v16  }
0xd1: {  	v3 =	vld [tilespmem:s20+$0x3440];
	[tilespmem:s21+$0xDC00] =	vst v17  }
0xd2: {  	v24 =	vld [tilespmem:s21+$0x1C50];
	[tilespmem:s21+$0xDC10] =	vst v18  }
0xd3: {  	v26 =	vld [tilespmem:s21+$0x1C60];
	[tilespmem:s21+$0xDC20] =	vst v20  }
0xd4: {  	v29 =	vld [tilespmem:s21+$0x2000];
	[tilespmem:s21+$0xDC30] =	vst v22  }
0xd5: {  	s25 =	sor.u32 $0x1C40, s22;
	v30 =	vld [tilespmem:s21+$0x2010];
	[tilespmem:s21+$0xDC40] =	vst v23  }
0xd6: {  	v32 =	vld [tilespmem:s21+$0x2020];
	[tilespmem:s25+$0xD800] =	vst v3  }
0xd7: {  	[tilespmem:s21+$0xDC50] =	vst v24;
	v3 =	vld [tilespmem:s20+$0x3450]  }
0xd8: {  	v33 =	vld [tilespmem:s21+$0x2030];
	[tilespmem:s21+$0xDC60] =	vst v26  }
0xd9: {  	v36 =	vld [tilespmem:s21+$0x2050];
	[tilespmem:s21+$0xE000] =	vst v29  }
0xda: {  	v38 =	vld [tilespmem:s21+$0x2060];
	[tilespmem:s21+$0xE010] =	vst v30  }
0xdb: {  	s26 =	sor.u32 $0x1C50, s22;
	v39 =	vld [tilespmem:s21+$0x2070];
	[tilespmem:s21+$0xE020] =	vst v32  }
0xdc: {  	v40 =	vld [tilespmem:s21+$0x2400];
	[tilespmem:s26+$0xD800] =	vst v3  }
0xdd: {  	[tilespmem:s21+$0xE030] =	vst v33;
	v3 =	vld.msk [tilespmem:s20+$0x3460], $0x1ff  }
0xde: {  	v44 =	vld [tilespmem:s21+$0x2420];
	[tilespmem:s21+$0xE050] =	vst v36  }
0xdf: {  	v45 =	vld [tilespmem:s21+$0x2430];
	[tilespmem:s21+$0xE060] =	vst v38  }
0xe0: {  	v46 =	vld [tilespmem:s21+$0x2440];
	[tilespmem:s21+$0xE070] =	vst v39  }
0xe1: {  	s30 =	sor.u32 $0x1C60, s22;
	v47 =	vld [tilespmem:s21+$0x2450];
	[tilespmem:s21+$0xE400] =	vst v40  }
0xe2: {  	v49 =	vld [tilespmem:s21+$0x2460];
	[tilespmem:s30+$0xD800] =	vst.msk $0x1ff, v3  }
0xe3: {  	[tilespmem:s21+$0xE420] =	vst v44;
	v3 =	vld [tilespmem:s20+$0x1880]  }
0xe4: {  	[tilespmem:s21+$0xE430] =	vst v45;
	v4 =	vld [tilespmem:s20+$0x1890]  }
0xe5: {  	[tilespmem:s21+$0xE440] =	vst v46;
	v5 =	vld [tilespmem:s20+$0x18A0]  }
0xe6: {  	[tilespmem:s21+$0xE450] =	vst v47;
	v59 =	vld [tilespmem:s20+$0x18B0]  }
0xe7: {  	[tilespmem:s21+$0xE460] =	vst v49;
	v60 =	vld [tilespmem:s20+$0x18C0]  }
0xe8: {  	v61 =	vld [tilespmem:s20+$0x1C80];
	[tilespmem:s20+$0xD880] =	vst v3  }
0xe9: {  	v63 =	vld [tilespmem:s20+$0x1C90];
	[tilespmem:s20+$0xD890] =	vst v4  }
0xea: {  	v3 =	vld [tilespmem:s20+$0x18D0];
	[tilespmem:s20+$0xD8A0] =	vst v5  }
0xeb: {  	v14 =	vld [tilespmem:s20+$0x1CD0];
	[tilespmem:s20+$0xD8B0] =	vst v59  }
0xec: {  	v4 =	vld [tilespmem:s20+$0x18E0];
	[tilespmem:s20+$0xD8C0] =	vst v60  }
0xed: {  	v5 =	vld [tilespmem:s20+$0x18F0];
	[tilespmem:s20+$0xDC80] =	vst v61  }
0xee: {  	v15 =	vld [tilespmem:s20+$0x1CE0];
	[tilespmem:s20+$0xDC90] =	vst v63  }
0xef: {  	[tilespmem:s20+$0xD8D0] =	vst v3;
	v3 =	vld [tilespmem:s20+$0x1CA0]  }
0xf0: {  	v19 =	vld [tilespmem:s20+$0x20A0];
	[tilespmem:s20+$0xDCD0] =	vst v14  }
0xf1: {  	[tilespmem:s20+$0xD8E0] =	vst v4;
	v4 =	vld [tilespmem:s20+$0x1CB0]  }
0xf2: {  	[tilespmem:s20+$0xD8F0] =	vst v5;
	v5 =	vld [tilespmem:s20+$0x1CC0]  }
0xf3: {  	v21 =	vld [tilespmem:s20+$0x20B0];
	[tilespmem:s20+$0xDCE0] =	vst v15  }
0xf4: {  	[tilespmem:s20+$0xDCA0] =	vst v3;
	v3 =	vld [tilespmem:s20+$0x1CF0]  }
0xf5: {  	v25 =	vld [tilespmem:s20+$0x20F0];
	[tilespmem:s20+$0xE0A0] =	vst v19  }
0xf6: {  	[tilespmem:s20+$0xDCB0] =	vst v4;
	v4 =	vld [tilespmem:s20+$0x2080]  }
0xf7: {  	[tilespmem:s20+$0xDCC0] =	vst v5;
	v5 =	vld [tilespmem:s20+$0x2090]  }
0xf8: {  	v27 =	vld [tilespmem:s20+$0x2480];
	[tilespmem:s20+$0xE0B0] =	vst v21  }
0xf9: {  	[tilespmem:s20+$0xDCF0] =	vst v3;
	v3 =	vld [tilespmem:s20+$0x20C0]  }
0xfa: {  	v28 =	vld [tilespmem:s20+$0x2490];
	[tilespmem:s20+$0xE0F0] =	vst v25  }
0xfb: {  	[tilespmem:s20+$0xE080] =	vst v4;
	v4 =	vld [tilespmem:s20+$0x20D0]  }
0xfc: {  	[tilespmem:s20+$0xE090] =	vst v5;
	v5 =	vld [tilespmem:s20+$0x20E0]  }
0xfd: {  	v31 =	vld [tilespmem:s20+$0x24C0];
	[tilespmem:s20+$0xE480] =	vst v27  }
0xfe: {  	[tilespmem:s20+$0xE0C0] =	vst v3;
	v3 =	vld [tilespmem:s21+$0x1C70]  }
0xff: {  	v34 =	vld [tilespmem:s20+$0x24E0];
	[tilespmem:s20+$0xE490] =	vst v28  }
0x100: {  	[tilespmem:s20+$0xE0D0] =	vst v4;
	v4 =	vld [tilespmem:s20+$0x24A0]  }
0x101: {  	[tilespmem:s20+$0xE0E0] =	vst v5;
	v5 =	vld [tilespmem:s20+$0x24B0]  }
0x102: {  	v35 =	vld [tilespmem:s20+$0x24F0];
	[tilespmem:s20+$0xE4C0] =	vst v31  }
0x103: {  	[tilespmem:s21+$0xDC70] =	vst v3;
	v3 =	vld [tilespmem:s20+$0x24D0]  }
0x104: {  	v37 =	vld [tilespmem:s20+$0x2890];
	[tilespmem:s20+$0xE4E0] =	vst v34  }
0x105: {  	[tilespmem:s20+$0xE4A0] =	vst v4;
	v4 =	vld [tilespmem:s21+$0x2040]  }
0x106: {  	[tilespmem:s20+$0xE4B0] =	vst v5;
	v5 =	vld [tilespmem:s20+$0x2880]  }
0x107: {  	v41 =	vld [tilespmem:s20+$0x28C0];
	[tilespmem:s20+$0xE4F0] =	vst v35  }
0x108: {  	[tilespmem:s20+$0xE4D0] =	vst v3;
	v3 =	vld [tilespmem:s20+$0x28A0]  }
0x109: {  	v42 =	vld [tilespmem:s20+$0x28D0];
	[tilespmem:s20+$0xE890] =	vst v37  }
0x10a: {  	[tilespmem:s21+$0xE040] =	vst v4;
	v4 =	vld [tilespmem:s20+$0x28B0]  }
0x10b: {  	[tilespmem:s20+$0xE880] =	vst v5;
	v5 =	vld [tilespmem:s21+$0x2410]  }
0x10c: {  	v43 =	vld [tilespmem:s20+$0x28E0];
	[tilespmem:s20+$0xE8C0] =	vst v41  }
0x10d: {  	[tilespmem:s20+$0xE8A0] =	vst v3;
	v3 =	vld [tilespmem:s20+$0x28F0]  }
0x10e: {  	v48 =	vld [tilespmem:s20+$0x2CA0];
	[tilespmem:s20+$0xE8D0] =	vst v42  }
0x10f: {  	[tilespmem:s20+$0xE8B0] =	vst v4;
	v4 =	vld [tilespmem:s20+$0x2C80]  }
0x110: {  	[tilespmem:s21+$0xE410] =	vst v5;
	v5 =	vld [tilespmem:s20+$0x2C90]  }
0x111: {  	v50 =	vld [tilespmem:s20+$0x2CB0];
	[tilespmem:s20+$0xE8E0] =	vst v43  }
0x112: {  	[tilespmem:s20+$0xE8F0] =	vst v3;
	v3 =	vld [tilespmem:s20+$0x2CC0]  }
0x113: {  	v51 =	vld [tilespmem:s20+$0x2CF0];
	[tilespmem:s20+$0xECA0] =	vst v48  }
0x114: {  	[tilespmem:s20+$0xEC80] =	vst v4;
	v4 =	vld [tilespmem:s20+$0x2CD0]  }
0x115: {  	[tilespmem:s20+$0xEC90] =	vst v5;
	v5 =	vld [tilespmem:s20+$0x2CE0]  }
0x116: {  	v57 =	vld [tilespmem:s20+$0x3080];
	[tilespmem:s20+$0xECB0] =	vst v50  }
0x117: {  	[tilespmem:s20+$0xECC0] =	vst v3;
	v3 =	vld [tilespmem:s21+$0x2840]  }
0x118: {  	v52 =	vld [tilespmem:s21+$0x2470];
	[tilespmem:s20+$0xECF0] =	vst v51  }
0x119: {  	v53 =	vld [tilespmem:s21+$0x2800];
	s25 =	sadd.s32 $0x80, s22;
	[tilespmem:s20+$0xECD0] =	vst v4  }
0x11a: {  	v54 =	vld [tilespmem:s21+$0x2810];
	s22 =	sor.u32 $0x1800, s25;
	[tilespmem:s20+$0xECE0] =	vst v5  }
0x11b: {  	v55 =	vld [tilespmem:s21+$0x2820];
	[tilespmem:s22+$0xD800] =	vst v57  }
0x11c: {  	[tilespmem:s21+$0xE840] =	vst v3;
	v3 =	vld [tilespmem:s20+$0x3090]  }
0x11d: {  	v56 =	vld [tilespmem:s21+$0x2830];
	[tilespmem:s21+$0xE470] =	vst v52  }
0x11e: {  	[tilespmem:s21+$0xE800] =	vst v53;
	v5 =	vld [tilespmem:s21+$0x2860]  }
0x11f: {  	v58 =	vld [tilespmem:s21+$0x2870];
	[tilespmem:s21+$0xE810] =	vst v54  }
0x120: {  	[tilespmem:s21+$0xE820] =	vst v55;
	s24 =	sor.u32 $0x1810, s25;
	v4 =	vld [tilespmem:s21+$0x2850]  }
0x121: {  	v62 =	vld [tilespmem:s21+$0x2C50];
	[tilespmem:s24+$0xD800] =	vst v3  }
0x122: {  	[tilespmem:s21+$0xE830] =	vst v56;
	v60 =	vld [tilespmem:s20+$0x30A0]  }
0x123: {  	[tilespmem:s21+$0xE860] =	vst v5;
	v5 =	vld [tilespmem:s21+$0x2C20]  }
0x124: {  	[tilespmem:s21+$0xE870] =	vst v58;
	v3 =	vld [tilespmem:s21+$0x2C30]  }
0x125: {  	[tilespmem:s21+$0xE850] =	vst v4;
	v4 =	vld [tilespmem:s21+$0x2C10]  }
0x126: {  	[tilespmem:s21+$0xEC50] =	vst v62;
	s26 =	sor.u32 $0x1820, s25;
	v59 =	vld [tilespmem:s21+$0x2C00]  }
0x127: {  	v61 =	vld [tilespmem:s21+$0x2C40];
	[tilespmem:s26+$0xD800] =	vst v60  }
0x128: {  	[tilespmem:s21+$0xEC20] =	vst v5;
	v5 =	vld [tilespmem:s20+$0x30B0]  }
0x129: {  	[tilespmem:s21+$0xEC30] =	vst v3;
	v3 =	vld [tilespmem:s21+$0x2C70]  }
0x12a: {  	[tilespmem:s21+$0xEC10] =	vst v4;
	v4 =	vld [tilespmem:s21+$0x2C60]  }
0x12b: {  	v63 =	vld [tilespmem:s21+$0x3000];
	[tilespmem:s21+$0xEC00] =	vst v59;
	s24 =	simm.s32 $0x1  }
0x12c: {  	s31 =	sor.u32 $0x1830, s25;
	[tilespmem:s21+$0xEC40] =	vst v61;
	s30 =	sand.u32 $0x3, s24  }
0x12d: {  	s22 =	sshll.u32 s30, $0x8;
	[tilespmem:s31+$0xD800] =	vst v5  }
0x12e: {  	s23 =	sadd.s32 $0x800, s22;
	[tilespmem:s21+$0xEC70] =	vst v3;
	v3 =	vld [tilespmem:s20+$0x30C0]  }
0x12f: {  	s22 =	sor.u32 $0x1800, s23;
	[tilespmem:s21+$0xEC60] =	vst v4  }
0x130: {  	[tilespmem:s22+$0xD800] =	vst v63  }
0x131: {  	v4 =	vld [tilespmem:s21+$0x3010]  }
0x132: {  	s26 =	sor.u32 $0x1840, s25  }
0x133: {  	[tilespmem:s26+$0xD800] =	vst v3  }
0x134: {  	v3 =	vld [tilespmem:s20+$0x30D0]  }
0x135: {  	s30 =	sor.u32 $0x1810, s23  }
0x136: {  	[tilespmem:s30+$0xD800] =	vst v4  }
0x137: {  	v4 =	vld [tilespmem:s21+$0x3020]  }
0x138: {  	s31 =	sor.u32 $0x1850, s25  }
0x139: {  	[tilespmem:s31+$0xD800] =	vst v3  }
0x13a: {  	v3 =	vld [tilespmem:s20+$0x30E0]  }
0x13b: {  	s26 =	sor.u32 $0x1820, s23  }
0x13c: {  	[tilespmem:s26+$0xD800] =	vst v4  }
0x13d: {  	v4 =	vld [tilespmem:s21+$0x3030]  }
0x13e: {  	s30 =	sor.u32 $0x1860, s25  }
0x13f: {  	[tilespmem:s30+$0xD800] =	vst v3  }
0x140: {  	v3 =	vld [tilespmem:s20+$0x30F0]  }
0x141: {  	s31 =	sor.u32 $0x1830, s23  }
0x142: {  	[tilespmem:s31+$0xD800] =	vst v4  }
0x143: {  	v4 =	vld [tilespmem:s21+$0x3040]  }
0x144: {  	s26 =	sor.u32 $0x1870, s25  }
0x145: {  	[tilespmem:s26+$0xD800] =	vst v3  }
0x146: {  	v3 =	vld [tilespmem:s20+$0x3480]  }
0x147: {  	s30 =	sor.u32 $0x1840, s23  }
0x148: {  	[tilespmem:s30+$0xD800] =	vst v4  }
0x149: {  	v4 =	vld [tilespmem:s21+$0x3050]  }
0x14a: {  	s31 =	sor.u32 $0x1C00, s25  }
0x14b: {  	[tilespmem:s31+$0xD800] =	vst v3  }
0x14c: {  	v3 =	vld [tilespmem:s20+$0x3490]  }
0x14d: {  	s26 =	sor.u32 $0x1850, s23  }
0x14e: {  	[tilespmem:s26+$0xD800] =	vst v4  }
0x14f: {  	v4 =	vld [tilespmem:s21+$0x3060]  }
0x150: {  	s30 =	sor.u32 $0x1C10, s25  }
0x151: {  	[tilespmem:s30+$0xD800] =	vst v3  }
0x152: {  	v3 =	vld [tilespmem:s20+$0x34A0]  }
0x153: {  	s31 =	sor.u32 $0x1860, s23  }
0x154: {  	[tilespmem:s31+$0xD800] =	vst v4  }
0x155: {  	v4 =	vld [tilespmem:s21+$0x3070]  }
0x156: {  	s26 =	sor.u32 $0x1C20, s25  }
0x157: {  	[tilespmem:s26+$0xD800] =	vst v3  }
0x158: {  	v3 =	vld [tilespmem:s20+$0x34B0]  }
0x159: {  	s29 =	simm.s32 $0x1000;
	s28 =	sor.u32 $0x1870, s23  }
0x15a: {  	s22 =	sshll.u32 s18, $0x1;
	[tilespmem:s28+$0xD800] =	vst v4;
	s28 =	simm.s32 $0x200;
	s26 =	simm.s32 $0x2  }
.LBB2_5:
0x15b: {  	s30 =	sand.u32 $0x6000, s29;
	s31 =	sand.u32 $0x300, s28;
	v4 =	vld [tilespmem:s21+$0x3400]  }
0x15c: {  	s30 =	sor.u32 s31, s30;
	s31 =	sor.u32 $0x1C30, s25  }
0x15d: {  	v5 =	vld [tilespmem:s30+$0x1800];
	[tilespmem:s31+$0xD800] =	vst v3  }
0x15e: {  	v3 =	vld [tilespmem:s20+$0x34C0]  }
0x15f: {  	s31 =	sor.u32 $0x1C00, s23;
	v6 =	vld [tilespmem:s30+$0x1810]  }
0x160: {  	v7 =	vld [tilespmem:s30+$0x1820];
	[tilespmem:s31+$0xD800] =	vst v4  }
0x161: {  	v4 =	vld [tilespmem:s21+$0x3410]  }
0x162: {  	s31 =	sor.u32 $0x1C40, s25;
	[tilespmem:s30+$0xD800] =	vst v5;
	v5 =	vld [tilespmem:s30+$0x1830]  }
0x163: {  	v8 =	vld [tilespmem:s30+$0x1840];
	[tilespmem:s31+$0xD800] =	vst v3  }
0x164: {  	[tilespmem:s30+$0xD810] =	vst v6;
	v3 =	vld [tilespmem:s20+$0x34D0]  }
0x165: {  	s31 =	sor.u32 $0x1C10, s23;
	[tilespmem:s30+$0xD820] =	vst v7;
	v6 =	vld [tilespmem:s30+$0x1850]  }
0x166: {  	v7 =	vld [tilespmem:s30+$0x1860];
	[tilespmem:s31+$0xD800] =	vst v4  }
0x167: {  	[tilespmem:s30+$0xD830] =	vst v5;
	v4 =	vld [tilespmem:s21+$0x3420]  }
0x168: {  	s31 =	sor.u32 $0x1C50, s25;
	[tilespmem:s30+$0xD840] =	vst v8;
	v5 =	vld [tilespmem:s30+$0x1870]  }
0x169: {  	v8 =	vld [tilespmem:s30+$0x1C00];
	[tilespmem:s31+$0xD800] =	vst v3  }
0x16a: {  	[tilespmem:s30+$0xD850] =	vst v6;
	v3 =	vld.msk [tilespmem:s20+$0x34E0], $0x1ff;
	s20 =	smov.u32 s21;
	s21 =	smov.u32 s30  }
0x16b: {  	s30 =	sor.u32 $0x1C20, s23;
	[tilespmem:s21+$0xD860] =	vst v7;
	v6 =	vld [tilespmem:s21+$0x1C10]  }
0x16c: {  	v7 =	vld [tilespmem:s21+$0x1C20];
	[tilespmem:s30+$0xD800] =	vst v4  }
0x16d: {  	[tilespmem:s21+$0xD870] =	vst v5;
	v4 =	vld [tilespmem:s20+$0x3430]  }
0x16e: {  	s25 =	sor.u32 $0x1C60, s25;
	[tilespmem:s21+$0xDC00] =	vst v8;
	v5 =	vld [tilespmem:s21+$0x1C30]  }
0x16f: {  	v8 =	vld [tilespmem:s21+$0x1C40];
	[tilespmem:s25+$0xD800] =	vst.msk $0x1ff, v3  }
0x170: {  	[tilespmem:s21+$0xDC10] =	vst v6;
	v3 =	vld [tilespmem:s21+$0x1C50]  }
0x171: {  	s25 =	sor.u32 $0x1C30, s23;
	[tilespmem:s21+$0xDC20] =	vst v7;
	v6 =	vld [tilespmem:s21+$0x1C60]  }
0x172: {  	v7 =	vld [tilespmem:s21+$0x1C70];
	[tilespmem:s25+$0xD800] =	vst v4  }
0x173: {  	[tilespmem:s21+$0xDC30] =	vst v5;
	v4 =	vld [tilespmem:s20+$0x3440]  }
0x174: {  	[tilespmem:s21+$0xDC40] =	vst v8;
	v5 =	vld [tilespmem:s21+$0x2000]  }
0x175: {  	[tilespmem:s21+$0xDC50] =	vst v3;
	v3 =	vld [tilespmem:s21+$0x2010]  }
0x176: {  	[tilespmem:s21+$0xDC60] =	vst v6;
	v6 =	vld [tilespmem:s21+$0x2020]  }
0x177: {  	s25 =	sor.u32 $0x1C40, s23;
	[tilespmem:s21+$0xDC70] =	vst v7;
	v7 =	vld [tilespmem:s21+$0x2030]  }
0x178: {  	v8 =	vld [tilespmem:s21+$0x2040];
	[tilespmem:s25+$0xD800] =	vst v4  }
0x179: {  	[tilespmem:s21+$0xE000] =	vst v5;
	v4 =	vld [tilespmem:s20+$0x3450]  }
0x17a: {  	[tilespmem:s21+$0xE010] =	vst v3;
	v3 =	vld [tilespmem:s21+$0x2050]  }
0x17b: {  	[tilespmem:s21+$0xE020] =	vst v6;
	v5 =	vld [tilespmem:s21+$0x2060]  }
0x17c: {  	[tilespmem:s21+$0xE030] =	vst v7;
	v6 =	vld [tilespmem:s21+$0x2070]  }
0x17d: {  	s25 =	sor.u32 $0x1C50, s23;
	[tilespmem:s21+$0xE040] =	vst v8;
	v7 =	vld [tilespmem:s21+$0x2400]  }
0x17e: {  	v8 =	vld [tilespmem:s21+$0x2410];
	[tilespmem:s25+$0xD800] =	vst v4  }
0x17f: {  	[tilespmem:s21+$0xE050] =	vst v3;
	v3 =	vld.msk [tilespmem:s20+$0x3460], $0x1ff  }
0x180: {  	[tilespmem:s21+$0xE060] =	vst v5;
	v4 =	vld [tilespmem:s21+$0x2420]  }
0x181: {  	[tilespmem:s21+$0xE070] =	vst v6;
	v5 =	vld [tilespmem:s21+$0x2430]  }
0x182: {  	[tilespmem:s21+$0xE400] =	vst v7;
	v6 =	vld [tilespmem:s21+$0x2440]  }
0x183: {  	s25 =	sor.u32 $0x1C60, s23;
	[tilespmem:s21+$0xE410] =	vst v8;
	v7 =	vld [tilespmem:s21+$0x2450]  }
0x184: {  	v8 =	vld [tilespmem:s21+$0x2460];
	[tilespmem:s25+$0xD800] =	vst.msk $0x1ff, v3  }
0x185: {  	[tilespmem:s21+$0xE420] =	vst v4;
	v3 =	vld [tilespmem:s20+$0x1880]  }
0x186: {  	[tilespmem:s21+$0xE430] =	vst v5;
	v4 =	vld [tilespmem:s20+$0x1890]  }
0x187: {  	[tilespmem:s21+$0xE440] =	vst v6;
	v5 =	vld [tilespmem:s20+$0x18A0]  }
0x188: {  	[tilespmem:s21+$0xE450] =	vst v7;
	v6 =	vld [tilespmem:s20+$0x18B0]  }
0x189: {  	[tilespmem:s21+$0xE460] =	vst v8;
	v7 =	vld [tilespmem:s20+$0x18C0]  }
0x18a: {  	[tilespmem:s20+$0xD880] =	vst v3;
	v3 =	vld [tilespmem:s20+$0x18D0]  }
0x18b: {  	[tilespmem:s20+$0xD890] =	vst v4;
	v4 =	vld [tilespmem:s20+$0x18E0]  }
0x18c: {  	[tilespmem:s20+$0xD8A0] =	vst v5;
	v5 =	vld [tilespmem:s20+$0x18F0]  }
0x18d: {  	[tilespmem:s20+$0xD8B0] =	vst v6;
	v6 =	vld [tilespmem:s20+$0x1C80]  }
0x18e: {  	[tilespmem:s20+$0xD8C0] =	vst v7;
	v7 =	vld [tilespmem:s20+$0x1C90]  }
0x18f: {  	[tilespmem:s20+$0xD8D0] =	vst v3;
	v3 =	vld [tilespmem:s20+$0x1CA0]  }
0x190: {  	[tilespmem:s20+$0xD8E0] =	vst v4;
	v4 =	vld [tilespmem:s20+$0x1CB0]  }
0x191: {  	[tilespmem:s20+$0xD8F0] =	vst v5;
	v5 =	vld [tilespmem:s20+$0x1CC0]  }
0x192: {  	[tilespmem:s20+$0xDC80] =	vst v6;
	v6 =	vld [tilespmem:s20+$0x1CD0]  }
0x193: {  	[tilespmem:s20+$0xDC90] =	vst v7;
	v7 =	vld [tilespmem:s20+$0x1CE0]  }
0x194: {  	[tilespmem:s20+$0xDCA0] =	vst v3;
	v3 =	vld [tilespmem:s20+$0x1CF0]  }
0x195: {  	[tilespmem:s20+$0xDCB0] =	vst v4;
	v4 =	vld [tilespmem:s20+$0x2080]  }
0x196: {  	[tilespmem:s20+$0xDCC0] =	vst v5;
	v5 =	vld [tilespmem:s20+$0x2090]  }
0x197: {  	[tilespmem:s20+$0xDCD0] =	vst v6;
	v6 =	vld [tilespmem:s20+$0x20A0]  }
0x198: {  	[tilespmem:s20+$0xDCE0] =	vst v7;
	v7 =	vld [tilespmem:s20+$0x20B0]  }
0x199: {  	[tilespmem:s20+$0xDCF0] =	vst v3;
	v3 =	vld [tilespmem:s20+$0x20C0]  }
0x19a: {  	[tilespmem:s20+$0xE080] =	vst v4;
	v4 =	vld [tilespmem:s20+$0x20D0]  }
0x19b: {  	[tilespmem:s20+$0xE090] =	vst v5;
	v5 =	vld [tilespmem:s20+$0x20E0]  }
0x19c: {  	[tilespmem:s20+$0xE0A0] =	vst v6;
	v6 =	vld [tilespmem:s20+$0x20F0]  }
0x19d: {  	[tilespmem:s20+$0xE0B0] =	vst v7;
	v7 =	vld [tilespmem:s20+$0x2480]  }
0x19e: {  	[tilespmem:s20+$0xE0C0] =	vst v3;
	v3 =	vld [tilespmem:s20+$0x2490]  }
0x19f: {  	[tilespmem:s20+$0xE0D0] =	vst v4;
	v4 =	vld [tilespmem:s20+$0x24A0]  }
0x1a0: {  	[tilespmem:s20+$0xE0E0] =	vst v5;
	v5 =	vld [tilespmem:s20+$0x24B0]  }
0x1a1: {  	[tilespmem:s20+$0xE0F0] =	vst v6;
	v6 =	vld [tilespmem:s20+$0x24C0]  }
0x1a2: {  	[tilespmem:s20+$0xE480] =	vst v7;
	v7 =	vld [tilespmem:s20+$0x24D0]  }
0x1a3: {  	[tilespmem:s20+$0xE490] =	vst v3;
	v3 =	vld [tilespmem:s20+$0x24E0]  }
0x1a4: {  	[tilespmem:s20+$0xE4A0] =	vst v4;
	v4 =	vld [tilespmem:s20+$0x24F0]  }
0x1a5: {  	[tilespmem:s20+$0xE4B0] =	vst v5;
	v5 =	vld [tilespmem:s20+$0x2880]  }
0x1a6: {  	[tilespmem:s20+$0xE4C0] =	vst v6;
	v6 =	vld [tilespmem:s20+$0x2890]  }
0x1a7: {  	[tilespmem:s20+$0xE4D0] =	vst v7;
	v7 =	vld [tilespmem:s20+$0x28A0]  }
0x1a8: {  	[tilespmem:s20+$0xE4E0] =	vst v3;
	v3 =	vld [tilespmem:s20+$0x28B0]  }
0x1a9: {  	[tilespmem:s20+$0xE4F0] =	vst v4;
	v4 =	vld [tilespmem:s20+$0x28C0]  }
0x1aa: {  	[tilespmem:s20+$0xE880] =	vst v5;
	v5 =	vld [tilespmem:s20+$0x28D0]  }
0x1ab: {  	[tilespmem:s20+$0xE890] =	vst v6;
	v6 =	vld [tilespmem:s20+$0x28E0]  }
0x1ac: {  	[tilespmem:s20+$0xE8A0] =	vst v7;
	v7 =	vld [tilespmem:s20+$0x28F0]  }
0x1ad: {  	[tilespmem:s20+$0xE8B0] =	vst v3;
	v3 =	vld [tilespmem:s20+$0x2C80]  }
0x1ae: {  	[tilespmem:s20+$0xE8C0] =	vst v4;
	v4 =	vld [tilespmem:s20+$0x2C90]  }
0x1af: {  	[tilespmem:s20+$0xE8D0] =	vst v5;
	v5 =	vld [tilespmem:s20+$0x2CA0]  }
0x1b0: {  	[tilespmem:s20+$0xE8E0] =	vst v6;
	v6 =	vld [tilespmem:s20+$0x2CB0]  }
0x1b1: {  	[tilespmem:s20+$0xE8F0] =	vst v7;
	v7 =	vld [tilespmem:s20+$0x2CC0]  }
0x1b2: {  	[tilespmem:s20+$0xEC80] =	vst v3;
	v3 =	vld [tilespmem:s20+$0x2CD0]  }
0x1b3: {  	[tilespmem:s20+$0xEC90] =	vst v4;
	v4 =	vld [tilespmem:s20+$0x2CE0]  }
0x1b4: {  	[tilespmem:s20+$0xECA0] =	vst v5;
	v5 =	vld [tilespmem:s20+$0x2CF0]  }
0x1b5: {  	[tilespmem:s20+$0xECB0] =	vst v6;
	v6 =	vld [tilespmem:s20+$0x3080]  }
0x1b6: {  	v8 =	vld [tilespmem:s21+$0x2470];
	[tilespmem:s20+$0xECC0] =	vst v7  }
0x1b7: {  	v7 =	vld [tilespmem:s21+$0x2800];
	[tilespmem:s20+$0xECD0] =	vst v3  }
0x1b8: {  	s25 =	sadd.s32 $0x80, s23;
	v3 =	vld [tilespmem:s21+$0x2810];
	[tilespmem:s20+$0xECE0] =	vst v4  }
0x1b9: {  	s23 =	sor.u32 $0x1800, s25;
	v4 =	vld [tilespmem:s21+$0x2820];
	[tilespmem:s20+$0xECF0] =	vst v5  }
0x1ba: {  	v5 =	vld [tilespmem:s21+$0x2830];
	[tilespmem:s23+$0xD800] =	vst v6  }
0x1bb: {  	[tilespmem:s21+$0xE470] =	vst v8;
	v6 =	vld [tilespmem:s20+$0x3090]  }
0x1bc: {  	[tilespmem:s21+$0xE800] =	vst v7;
	v7 =	vld [tilespmem:s21+$0x2840]  }
0x1bd: {  	[tilespmem:s21+$0xE810] =	vst v3;
	v3 =	vld [tilespmem:s21+$0x2850]  }
0x1be: {  	[tilespmem:s21+$0xE820] =	vst v4;
	v4 =	vld [tilespmem:s21+$0x2860]  }
0x1bf: {  	s23 =	sor.u32 $0x1810, s25;
	[tilespmem:s21+$0xE830] =	vst v5;
	v5 =	vld [tilespmem:s21+$0x2870]  }
0x1c0: {  	v8 =	vld [tilespmem:s21+$0x2C00];
	[tilespmem:s23+$0xD800] =	vst v6  }
0x1c1: {  	[tilespmem:s21+$0xE840] =	vst v7;
	v6 =	vld [tilespmem:s20+$0x30A0]  }
0x1c2: {  	[tilespmem:s21+$0xE850] =	vst v3;
	v3 =	vld [tilespmem:s21+$0x2C10]  }
0x1c3: {  	[tilespmem:s21+$0xE860] =	vst v4;
	v4 =	vld [tilespmem:s21+$0x2C20]  }
0x1c4: {  	[tilespmem:s21+$0xE870] =	vst v5;
	v5 =	vld [tilespmem:s21+$0x2C30]  }
0x1c5: {  	s23 =	sor.u32 $0x1820, s25;
	[tilespmem:s21+$0xEC00] =	vst v8;
	v7 =	vld [tilespmem:s21+$0x2C40]  }
0x1c6: {  	v8 =	vld [tilespmem:s21+$0x2C50];
	[tilespmem:s23+$0xD800] =	vst v6  }
0x1c7: {  	[tilespmem:s21+$0xEC10] =	vst v3;
	v3 =	vld [tilespmem:s20+$0x30B0]  }
0x1c8: {  	[tilespmem:s21+$0xEC20] =	vst v4;
	v4 =	vld [tilespmem:s21+$0x2C60]  }
0x1c9: {  	[tilespmem:s21+$0xEC30] =	vst v5;
	v5 =	vld [tilespmem:s21+$0x2C70]  }
0x1ca: {  	s24 =	sadd.s32 $0x1, s24;
	[tilespmem:s21+$0xEC40] =	vst v7;
	v6 =	vld [tilespmem:s21+$0x3000]  }
0x1cb: {  	s30 =	sor.u32 $0x1830, s25;
	s23 =	sand.u32 $0x3, s24;
	[tilespmem:s21+$0xEC50] =	vst v8  }
0x1cc: {  	s23 =	sshll.u32 s23, $0x8;
	[tilespmem:s30+$0xD800] =	vst v3  }
0x1cd: {  	s23 =	sadd.s32 s23, s29;
	[tilespmem:s21+$0xEC60] =	vst v4;
	v3 =	vld [tilespmem:s20+$0x30C0]  }
0x1ce: {  	s30 =	sor.u32 $0x1800, s23;
	[tilespmem:s21+$0xEC70] =	vst v5  }
0x1cf: {  	[tilespmem:s30+$0xD800] =	vst v6  }
0x1d0: {  	v4 =	vld [tilespmem:s21+$0x3010]  }
0x1d1: {  	s30 =	sor.u32 $0x1840, s25  }
0x1d2: {  	[tilespmem:s30+$0xD800] =	vst v3  }
0x1d3: {  	v3 =	vld [tilespmem:s20+$0x30D0]  }
0x1d4: {  	s30 =	sor.u32 $0x1810, s23  }
0x1d5: {  	[tilespmem:s30+$0xD800] =	vst v4  }
0x1d6: {  	v4 =	vld [tilespmem:s21+$0x3020]  }
0x1d7: {  	s30 =	sor.u32 $0x1850, s25  }
0x1d8: {  	[tilespmem:s30+$0xD800] =	vst v3  }
0x1d9: {  	v3 =	vld [tilespmem:s20+$0x30E0]  }
0x1da: {  	s30 =	sor.u32 $0x1820, s23  }
0x1db: {  	[tilespmem:s30+$0xD800] =	vst v4  }
0x1dc: {  	v4 =	vld [tilespmem:s21+$0x3030]  }
0x1dd: {  	s30 =	sor.u32 $0x1860, s25  }
0x1de: {  	[tilespmem:s30+$0xD800] =	vst v3  }
0x1df: {  	v3 =	vld [tilespmem:s20+$0x30F0]  }
0x1e0: {  	s30 =	sor.u32 $0x1830, s23  }
0x1e1: {  	[tilespmem:s30+$0xD800] =	vst v4  }
0x1e2: {  	v4 =	vld [tilespmem:s21+$0x3040]  }
0x1e3: {  	s30 =	sor.u32 $0x1870, s25  }
0x1e4: {  	[tilespmem:s30+$0xD800] =	vst v3  }
0x1e5: {  	v3 =	vld [tilespmem:s20+$0x3480]  }
0x1e6: {  	s30 =	sor.u32 $0x1840, s23  }
0x1e7: {  	[tilespmem:s30+$0xD800] =	vst v4  }
0x1e8: {  	v4 =	vld [tilespmem:s21+$0x3050]  }
0x1e9: {  	s30 =	sor.u32 $0x1C00, s25  }
0x1ea: {  	[tilespmem:s30+$0xD800] =	vst v3  }
0x1eb: {  	v3 =	vld [tilespmem:s20+$0x3490]  }
0x1ec: {  	s30 =	sor.u32 $0x1850, s23  }
0x1ed: {  	[tilespmem:s30+$0xD800] =	vst v4  }
0x1ee: {  	v4 =	vld [tilespmem:s21+$0x3060]  }
0x1ef: {  	s30 =	sor.u32 $0x1C10, s25  }
0x1f0: {  	[tilespmem:s30+$0xD800] =	vst v3  }
0x1f1: {  	v3 =	vld [tilespmem:s20+$0x34A0]  }
0x1f2: {  	s30 =	sor.u32 $0x1860, s23  }
0x1f3: {  	s26 =	sadd.s32 $0x2, s26;
	[tilespmem:s30+$0xD800] =	vst v4  }
0x1f4: {  	p1 =	slt.u32 s26, $0x12;
	v4 =	vld [tilespmem:s21+$0x3070]  }
.Ltmp1:
0x1f5: {  	s30 =	sor.u32 $0x1C20, s25;
	(pc) =	sbr.rel @p1 .LBB2_5-.Ltmp1, $4  }
0x1f6: {  	[tilespmem:s30+$0xD800] =	vst v3  }
0x1f7: {  	v3 =	vld [tilespmem:s20+$0x34B0]  }
0x1f8: {  	s30 =	sor.u32 $0x1870, s23  }
0x1f9: {  	s28 =	sadd.s32 $0x100, s28;
	s29 =	sadd.s32 $0x800, s29;
	[tilespmem:s30+$0xD800] =	vst v4  }
0x1fa: {  	v4 =	vld [tilespmem:s21+$0x3400];
	_ =	sdelay $0x3  }
0x1fb: {  	s24 =	sor.u32 $0x1C00, s23  }
0x1fc: {  	[tilespmem:s24+$0xD800] =	vst v4  }
0x1fd: {  	v4 =	vld [tilespmem:s21+$0x3410];
	_ =	sdelay $0x3  }
0x1fe: {  	s31 =	sor.u32 $0x1C10, s23  }
0x1ff: {  	[tilespmem:s31+$0xD800] =	vst v4  }
0x200: {  	v4 =	vld [tilespmem:s21+$0x3420];
	_ =	sdelay $0x3  }
0x201: {  	s26 =	sor.u32 $0x1C20, s23  }
0x202: {  	[tilespmem:s26+$0xD800] =	vst v4  }
0x203: {  	v4 =	vld [tilespmem:s21+$0x3430];
	_ =	sdelay $0x3  }
0x204: {  	s28 =	sor.u32 $0x1C30, s23  }
0x205: {  	[tilespmem:s28+$0xD800] =	vst v4  }
0x206: {  	v4 =	vld [tilespmem:s21+$0x3440];
	_ =	sdelay $0x3  }
0x207: {  	s29 =	sor.u32 $0x1C40, s23  }
0x208: {  	[tilespmem:s29+$0xD800] =	vst v4  }
0x209: {  	v4 =	vld [tilespmem:s21+$0x3450];
	_ =	sdelay $0x3  }
0x20a: {  	s30 =	sor.u32 $0x1C50, s23  }
0x20b: {  	[tilespmem:s30+$0xD800] =	vst v4  }
0x20c: {  	v4 =	vld.msk [tilespmem:s21+$0x3460], $0x1ff;
	_ =	sdelay $0x3  }
0x20d: {  	s31 =	sor.u32 $0x1C60, s23  }
0x20e: {  	[tilespmem:s31+$0xD800] =	vst.msk $0x1ff, v4  }
0x20f: {  	v4 =	vld [tilespmem:s21+$0x1880]  }
0x210: {  	v5 =	vld [tilespmem:s21+$0x1890]  }
0x211: {  	v6 =	vld [tilespmem:s21+$0x18A0]  }
0x212: {  	v7 =	vld [tilespmem:s21+$0x18B0]  }
0x213: {  	v8 =	vld [tilespmem:s21+$0x18C0]  }
0x214: {  	v19 =	vld [tilespmem:s21+$0x18D0];
	[tilespmem:s21+$0xD880] =	vst v4  }
0x215: {  	v20 =	vld [tilespmem:s21+$0x18E0];
	[tilespmem:s21+$0xD890] =	vst v5  }
0x216: {  	v21 =	vld [tilespmem:s21+$0x18F0];
	[tilespmem:s21+$0xD8A0] =	vst v6  }
0x217: {  	v22 =	vld [tilespmem:s21+$0x1C80];
	[tilespmem:s21+$0xD8B0] =	vst v7  }
0x218: {  	v23 =	vld [tilespmem:s21+$0x1C90];
	[tilespmem:s21+$0xD8C0] =	vst v8  }
0x219: {  	v24 =	vld [tilespmem:s21+$0x1CA0];
	[tilespmem:s21+$0xD8D0] =	vst v19  }
0x21a: {  	v25 =	vld [tilespmem:s21+$0x1CB0];
	[tilespmem:s21+$0xD8E0] =	vst v20  }
0x21b: {  	v26 =	vld [tilespmem:s21+$0x1CC0];
	[tilespmem:s21+$0xD8F0] =	vst v21  }
0x21c: {  	v27 =	vld [tilespmem:s21+$0x1CD0];
	[tilespmem:s21+$0xDC80] =	vst v22  }
0x21d: {  	v28 =	vld [tilespmem:s21+$0x1CE0];
	[tilespmem:s21+$0xDC90] =	vst v23  }
0x21e: {  	v29 =	vld [tilespmem:s21+$0x1CF0];
	[tilespmem:s21+$0xDCA0] =	vst v24  }
0x21f: {  	v30 =	vld [tilespmem:s21+$0x2080];
	[tilespmem:s21+$0xDCB0] =	vst v25  }
0x220: {  	v31 =	vld [tilespmem:s21+$0x2090];
	[tilespmem:s21+$0xDCC0] =	vst v26  }
0x221: {  	v32 =	vld [tilespmem:s21+$0x20A0];
	[tilespmem:s21+$0xDCD0] =	vst v27  }
0x222: {  	v33 =	vld [tilespmem:s21+$0x20B0];
	[tilespmem:s21+$0xDCE0] =	vst v28  }
0x223: {  	v34 =	vld [tilespmem:s21+$0x20C0];
	[tilespmem:s21+$0xDCF0] =	vst v29  }
0x224: {  	v35 =	vld [tilespmem:s21+$0x20D0];
	[tilespmem:s21+$0xE080] =	vst v30  }
0x225: {  	v36 =	vld [tilespmem:s21+$0x20E0];
	[tilespmem:s21+$0xE090] =	vst v31  }
0x226: {  	v37 =	vld [tilespmem:s21+$0x20F0];
	[tilespmem:s21+$0xE0A0] =	vst v32  }
0x227: {  	v38 =	vld [tilespmem:s21+$0x2480];
	[tilespmem:s21+$0xE0B0] =	vst v33  }
0x228: {  	v39 =	vld [tilespmem:s21+$0x2490];
	[tilespmem:s21+$0xE0C0] =	vst v34  }
0x229: {  	v40 =	vld [tilespmem:s21+$0x24A0];
	[tilespmem:s21+$0xE0D0] =	vst v35  }
0x22a: {  	v41 =	vld [tilespmem:s21+$0x24B0];
	[tilespmem:s21+$0xE0E0] =	vst v36  }
0x22b: {  	v42 =	vld [tilespmem:s21+$0x24C0];
	[tilespmem:s21+$0xE0F0] =	vst v37  }
0x22c: {  	v43 =	vld [tilespmem:s21+$0x24D0];
	[tilespmem:s21+$0xE480] =	vst v38  }
0x22d: {  	v44 =	vld [tilespmem:s21+$0x24E0];
	[tilespmem:s21+$0xE490] =	vst v39  }
0x22e: {  	v45 =	vld [tilespmem:s21+$0x24F0];
	[tilespmem:s21+$0xE4A0] =	vst v40  }
0x22f: {  	v46 =	vld [tilespmem:s21+$0x2880];
	[tilespmem:s21+$0xE4B0] =	vst v41  }
0x230: {  	v47 =	vld [tilespmem:s21+$0x2890];
	[tilespmem:s21+$0xE4C0] =	vst v42  }
0x231: {  	v48 =	vld [tilespmem:s21+$0x28A0];
	[tilespmem:s21+$0xE4D0] =	vst v43  }
0x232: {  	v49 =	vld [tilespmem:s21+$0x28B0];
	[tilespmem:s21+$0xE4E0] =	vst v44  }
0x233: {  	v50 =	vld [tilespmem:s21+$0x28C0];
	[tilespmem:s21+$0xE4F0] =	vst v45  }
0x234: {  	v51 =	vld [tilespmem:s21+$0x28D0];
	[tilespmem:s21+$0xE880] =	vst v46  }
0x235: {  	v52 =	vld [tilespmem:s21+$0x28E0];
	[tilespmem:s21+$0xE890] =	vst v47  }
0x236: {  	v53 =	vld [tilespmem:s21+$0x28F0];
	[tilespmem:s21+$0xE8A0] =	vst v48  }
0x237: {  	v54 =	vld [tilespmem:s21+$0x2C80];
	[tilespmem:s21+$0xE8B0] =	vst v49  }
0x238: {  	v55 =	vld [tilespmem:s21+$0x2C90];
	[tilespmem:s21+$0xE8C0] =	vst v50  }
0x239: {  	v56 =	vld [tilespmem:s21+$0x2CA0];
	[tilespmem:s21+$0xE8D0] =	vst v51  }
0x23a: {  	v57 =	vld [tilespmem:s21+$0x2CB0];
	[tilespmem:s21+$0xE8E0] =	vst v52  }
0x23b: {  	v58 =	vld [tilespmem:s21+$0x2CC0];
	[tilespmem:s21+$0xE8F0] =	vst v53  }
0x23c: {  	v59 =	vld [tilespmem:s21+$0x2CD0];
	[tilespmem:s21+$0xEC80] =	vst v54  }
0x23d: {  	v60 =	vld [tilespmem:s21+$0x2CE0];
	[tilespmem:s21+$0xEC90] =	vst v55  }
0x23e: {  	v61 =	vld [tilespmem:s21+$0x2CF0];
	[tilespmem:s21+$0xECA0] =	vst v56  }
0x23f: {  	v62 =	vld [tilespmem:s21+$0x3080];
	[tilespmem:s21+$0xECB0] =	vst v57  }
0x240: {  	[tilespmem:s21+$0xECC0] =	vst v58  }
0x241: {  	[tilespmem:s21+$0xECD0] =	vst v59  }
0x242: {  	s23 =	sadd.s32 $0x80, s23;
	[tilespmem:s21+$0xECE0] =	vst v60  }
0x243: {  	s26 =	sor.u32 $0x1800, s23;
	[tilespmem:s21+$0xECF0] =	vst v61  }
0x244: {  	[tilespmem:s26+$0xD800] =	vst v62  }
0x245: {  	v63 =	vld [tilespmem:s21+$0x3090];
	_ =	sdelay $0x3  }
0x246: {  	s28 =	sor.u32 $0x1810, s23  }
0x247: {  	[tilespmem:s28+$0xD800] =	vst v63  }
0x248: {  	v4 =	vld [tilespmem:s21+$0x30A0];
	_ =	sdelay $0x3  }
0x249: {  	s29 =	sor.u32 $0x1820, s23  }
0x24a: {  	[tilespmem:s29+$0xD800] =	vst v4  }
0x24b: {  	v4 =	vld [tilespmem:s21+$0x30B0];
	_ =	sdelay $0x3  }
0x24c: {  	s30 =	sor.u32 $0x1830, s23  }
0x24d: {  	[tilespmem:s30+$0xD800] =	vst v4  }
0x24e: {  	v4 =	vld [tilespmem:s21+$0x30C0];
	_ =	sdelay $0x3  }
0x24f: {  	s31 =	sor.u32 $0x1840, s23  }
0x250: {  	[tilespmem:s31+$0xD800] =	vst v4  }
0x251: {  	v4 =	vld [tilespmem:s21+$0x30D0];
	_ =	sdelay $0x3  }
0x252: {  	s26 =	sor.u32 $0x1850, s23  }
0x253: {  	[tilespmem:s26+$0xD800] =	vst v4  }
0x254: {  	v4 =	vld [tilespmem:s21+$0x30E0];
	_ =	sdelay $0x3  }
0x255: {  	s28 =	sor.u32 $0x1860, s23  }
0x256: {  	[tilespmem:s28+$0xD800] =	vst v4  }
0x257: {  	v4 =	vld [tilespmem:s21+$0x30F0];
	_ =	sdelay $0x3  }
0x258: {  	s29 =	sor.u32 $0x1870, s23  }
0x259: {  	[tilespmem:s29+$0xD800] =	vst v4  }
0x25a: {  	v4 =	vld [tilespmem:s21+$0x3480];
	_ =	sdelay $0x3  }
0x25b: {  	s30 =	sor.u32 $0x1C00, s23  }
0x25c: {  	[tilespmem:s30+$0xD800] =	vst v4  }
0x25d: {  	v4 =	vld [tilespmem:s21+$0x3490];
	_ =	sdelay $0x3  }
0x25e: {  	s31 =	sor.u32 $0x1C10, s23  }
0x25f: {  	[tilespmem:s31+$0xD800] =	vst v4  }
0x260: {  	v4 =	vld [tilespmem:s21+$0x34A0];
	_ =	sdelay $0x3  }
0x261: {  	s26 =	sor.u32 $0x1C20, s23  }
0x262: {  	[tilespmem:s26+$0xD800] =	vst v4  }
0x263: {  	v4 =	vld [tilespmem:s21+$0x34B0];
	_ =	sdelay $0x2  }
0x264: {  	s28 =	sor.u32 $0x1C30, s25  }
0x265: {  	[tilespmem:s28+$0xD800] =	vst v3;
	s29 =	sor.u32 $0x1C30, s23  }
0x266: {  	v3 =	vld [tilespmem:s20+$0x34C0];
	[tilespmem:s29+$0xD800] =	vst v4  }
0x267: {  	v4 =	vld [tilespmem:s21+$0x34C0];
	_ =	sdelay $0x2  }
0x268: {  	s30 =	sor.u32 $0x1C40, s25  }
0x269: {  	[tilespmem:s30+$0xD800] =	vst v3;
	s31 =	sor.u32 $0x1C40, s23  }
0x26a: {  	v3 =	vld [tilespmem:s20+$0x34D0];
	[tilespmem:s31+$0xD800] =	vst v4  }
0x26b: {  	v4 =	vld [tilespmem:s21+$0x34D0];
	_ =	sdelay $0x2  }
0x26c: {  	s26 =	sor.u32 $0x1C50, s25  }
0x26d: {  	s28 =	sor.u32 $0x1C50, s23;
	[tilespmem:s26+$0xD800] =	vst v3  }
0x26e: {  	v3 =	vld.msk [tilespmem:s20+$0x34E0], $0x1ff;
	[tilespmem:s28+$0xD800] =	vst v4  }
0x26f: {  	v4 =	vld.msk [tilespmem:s21+$0x34E0], $0x1ff  }
0x270: {  	p1 =	sne.s32 s18, $0x3F  }
.Ltmp2:
0x271: {  	s29 =	sadd.s32 s5, s22;
	(pc) =	sbr.rel @p1 .LBB2_8-.Ltmp2, $4  }
0x272: {  	s30 =	sor.u32 $0x1C60, s25;
	s20 =	smul.u32 $0xC00, s29  }
0x273: {  	[tilespmem:s30+$0xD800] =	vst.msk $0x1ff, v3;
	s31 =	sor.u32 $0x1C60, s23  }
0x274: {  	s20 =	sadd.s32 s4, s20;
	[tilespmem:s31+$0xD800] =	vst.msk $0x1ff, v4  }
0x275: {  	[hbm4b:s20+s3] =	stream.linear.scatter [tilespmem:s13], [sflag:$0x3], $0x6000, $0x38;
	[tilespmem:$0x19800] =	vst v63  }
.Ltmp3:
0x276: {  	(pc) =	sbr.rel .LBB2_9-.Ltmp3, $4  }
0x277: {  	_ = 	snop  }
0x278: {  	_ =	swait.ge [sflag:s14], $0x6000  }
0x279: {  	[sflag:s14] =	ssyncset.done $0x0  }
0x27a: {  	[sflag:s14] =	ssyncadd.s32 $0xFFFFA000  }
.LBB2_8:
0x27b: {  	s20 =	smul.u32 $0xC0, s18;
	_ =	sdelay $0x1  }
0x27c: {  	s20 =	sshra.s32 s20, $0x2  }
0x27d: {  	v3 =	vld [tilespmem:s20+$0xC30];
	_ =	sdelay $0x4  }
0x27e: {  	v4 =	vshll.u32 v3, $0x3  }
0x27f: {  	v3 =	vand.u32 $0x7, v3;
	v4 =	vand.u32 $0xFFFFFFC0, v4  }
0x280: {  	v3 =	vor.u32 v3, v4  }
0x281: {  	v4 =	vperm.xlane v3, v0;
	_ =	sdelay $0x1  }
0x282: {  	v4 =	vadd.s32 v1, v4;
	_ =	sdelay $0x3  }
0x283: {  	s21 =	simm.s32 $0x1800  }
0x284: {  	[tilespmem:s21], [sflag:$0x1] =	stream.indirect_vreg.gather [hbm4b:s2+s3], $0x80, v4, vm0, $0xb8;
	[tilespmem:$0x19800] =	vst v63  }
0x285: {  	s30 =	simm.s32 $0x2000;
	v3 =	vperm.xlane v3, v2  }
0x286: {  	[tilespmem:s30], [sflag:$0x1] =	stream.indirect_vreg.gather [hbm4b:s7+s3], $0x80, v4, vm0, $0xb8;
	[tilespmem:$0x19800] =	vst v63  }
0x287: {  	s31 =	simm.s32 $0x2800;
	v3 =	vadd.s32 v1, v3  }
0x288: {  	[tilespmem:s31], [sflag:$0x1] =	stream.indirect_vreg.gather [hbm4b:s8+s3], $0x80, v4, vm0, $0xb8;
	[tilespmem:$0x19800] =	vst v63  }
0x289: {  	s22 =	simm.s32 $0x3000  }
0x28a: {  	[tilespmem:s22], [sflag:$0x1] =	stream.indirect_vreg.gather [hbm4b:s9+s3], $0x80, v4, vm0, $0xb8;
	[tilespmem:$0x19800] =	vst v63  }
0x28b: {  	s23 =	simm.s32 $0x3800  }
0x28c: {  	[tilespmem:s23], [sflag:$0x1] =	stream.indirect_vreg.gather [hbm4b:s2+s3], $0x80, v3, vm0, $0xb8;
	[tilespmem:$0x19800] =	vst v63  }
0x28d: {  	s24 =	simm.s32 $0x4000  }
0x28e: {  	[tilespmem:s24], [sflag:$0x1] =	stream.indirect_vreg.gather [hbm4b:s7+s3], $0x80, v3, vm0, $0xb8;
	[tilespmem:$0x19800] =	vst v63  }
0x28f: {  	s25 =	simm.s32 $0x4800  }
0x290: {  	[tilespmem:s25], [sflag:$0x1] =	stream.indirect_vreg.gather [hbm4b:s8+s3], $0x80, v3, vm0, $0xb8;
	[tilespmem:$0x19800] =	vst v63  }
0x291: {  	s26 =	simm.s32 $0x5000  }
0x292: {  	[tilespmem:s26], [sflag:$0x1] =	stream.indirect_vreg.gather [hbm4b:s9+s3], $0x80, v3, vm0, $0xb8;
	[tilespmem:$0x19800] =	vst v63  }
0x293: {  	v3 =	vld.msk [tilespmem:s20+$0xC40], $0xff;
	_ =	sdelay $0x4  }
0x294: {  	v63 =	vshll.u32 v3, $0x3  }
0x295: {  	v3 =	vand.u32 $0x7, v3;
	v4 =	vand.u32 $0xFFFFFFC0, v63  }
0x296: {  	v3 =	vor.u32 v3, v4  }
0x297: {  	v3 =	vperm.xlane v3, v0;
	_ =	sdelay $0x1  }
0x298: {  	v3 =	vadd.s32 v1, v3;
	_ =	sdelay $0x3  }
0x299: {  	s28 =	simm.s32 $0x5800  }
0x29a: {  	[tilespmem:s28], [sflag:$0x1] =	stream.indirect_vreg.gather [hbm4b:s2+s3], $0x80, v3, vm0, $0xb8;
	[tilespmem:$0x19800] =	vst v63  }
0x29b: {  	s29 =	simm.s32 $0x6000  }
0x29c: {  	[tilespmem:s29], [sflag:$0x1] =	stream.indirect_vreg.gather [hbm4b:s7+s3], $0x80, v3, vm0, $0xb8;
	[tilespmem:$0x19800] =	vst v63  }
0x29d: {  	s30 =	simm.s32 $0x6800  }
0x29e: {  	[tilespmem:s30], [sflag:$0x1] =	stream.indirect_vreg.gather [hbm4b:s8+s3], $0x80, v3, vm0, $0xb8;
	[tilespmem:$0x19800] =	vst v63  }
.Ltmp4:
0x29f: {  	s31 =	simm.s32 $0x7000;
	(pc) =	sbr.rel @p0 .LBB2_10-.Ltmp4, $4  }
0x2a0: {  	[tilespmem:s31], [sflag:$0x1] =	stream.indirect_vreg.gather [hbm4b:s9+s3], $0x80, v3, vm0, $0xb8;
	[tilespmem:$0x19800] =	vst v63  }
0x2a1: {  	_ =	swait.ge [sflag:s14], $0x6000  }
0x2a2: {  	[sflag:s14] =	ssyncset.done $0x0  }
0x2a3: {  	[sflag:s14] =	ssyncadd.s32 $0xFFFFA000  }
.LBB2_9:
0x2a4: {  	_ =	swait.ge [sflag:s15], $0x6000  }
0x2a5: {  	[sflag:s15] =	ssyncset.done $0x0  }
0x2a6: {  	[sflag:s15] =	ssyncadd.s32 $0xFFFFA000  }
.LBB2_10:
0x2a7: {  	s21 =	simm.s32 $0x0  }
0x2a8: {  	s20 =	sand.u32 $0x6000, s21;
	s22 =	sand.u32 $0x300, s21  }
0x2a9: {  	s20 =	sor.u32 s22, s20  }
0x2aa: {  	v3 =	vld [tilespmem:s20+$0x7800]  }
0x2ab: {  	v4 =	vld [tilespmem:s20+$0x7810]  }
0x2ac: {  	v5 =	vld [tilespmem:s20+$0x7820];
	_ =	sdelay $0x2  }
0x2ad: {  	[tilespmem:s20+$0x13800] =	vst v3;
	v3 =	vld [tilespmem:s20+$0x7830]  }
0x2ae: {  	[tilespmem:s20+$0x13810] =	vst v4;
	v4 =	vld [tilespmem:s20+$0x7850]  }
0x2af: {  	[tilespmem:s20+$0x13820] =	vst v5;
	v5 =	vld [tilespmem:s20+$0x7860];
	_ =	sdelay $0x2  }
0x2b0: {  	[tilespmem:s20+$0x13830] =	vst v3;
	v3 =	vld [tilespmem:s20+$0x7870]  }
0x2b1: {  	[tilespmem:s20+$0x13850] =	vst v4;
	v4 =	vld [tilespmem:s20+$0x7C10]  }
0x2b2: {  	[tilespmem:s20+$0x13860] =	vst v5;
	v5 =	vld [tilespmem:s20+$0x7C20]  }
0x2b3: {  	v6 =	vld [tilespmem:s20+$0x7840]  }
0x2b4: {  	v45 =	vld [tilespmem:s20+$0x7C00]  }
0x2b5: {  	[tilespmem:s20+$0x13870] =	vst v3;
	v3 =	vld [tilespmem:s20+$0x7C30]  }
0x2b6: {  	[tilespmem:s20+$0x13C10] =	vst v4;
	v4 =	vld [tilespmem:s20+$0x7C50]  }
0x2b7: {  	[tilespmem:s20+$0x13C20] =	vst v5;
	v5 =	vld [tilespmem:s20+$0x7C60]  }
0x2b8: {  	v46 =	vld [tilespmem:s20+$0x7C40];
	[tilespmem:s20+$0x13840] =	vst v6  }
0x2b9: {  	v7 =	vld [tilespmem:s20+$0x7C70];
	[tilespmem:s20+$0x13C00] =	vst v45  }
0x2ba: {  	[tilespmem:s20+$0x13C30] =	vst v3;
	v3 =	vld [tilespmem:s20+$0x8000]  }
0x2bb: {  	[tilespmem:s20+$0x13C50] =	vst v4;
	v4 =	vld [tilespmem:s20+$0x8010]  }
0x2bc: {  	[tilespmem:s20+$0x13C60] =	vst v5;
	v5 =	vld [tilespmem:s20+$0x8020]  }
0x2bd: {  	v47 =	vld [tilespmem:s20+$0x8030];
	[tilespmem:s20+$0x13C40] =	vst v46  }
0x2be: {  	v48 =	vld [tilespmem:s20+$0x8040];
	[tilespmem:s20+$0x13C70] =	vst v7  }
0x2bf: {  	[tilespmem:s20+$0x14000] =	vst v3;
	v3 =	vld [tilespmem:s20+$0x8050]  }
0x2c0: {  	[tilespmem:s20+$0x14010] =	vst v4;
	v4 =	vld [tilespmem:s20+$0x8060]  }
0x2c1: {  	[tilespmem:s20+$0x14020] =	vst v5;
	v5 =	vld [tilespmem:s20+$0x8070]  }
0x2c2: {  	v49 =	vld [tilespmem:s20+$0x8400];
	[tilespmem:s20+$0x14030] =	vst v47  }
0x2c3: {  	v50 =	vld [tilespmem:s20+$0x8410];
	[tilespmem:s20+$0x14040] =	vst v48  }
0x2c4: {  	[tilespmem:s20+$0x14050] =	vst v3;
	v3 =	vld [tilespmem:s20+$0x8420]  }
0x2c5: {  	[tilespmem:s20+$0x14060] =	vst v4;
	v4 =	vld [tilespmem:s20+$0x8430]  }
0x2c6: {  	[tilespmem:s20+$0x14070] =	vst v5;
	v5 =	vld [tilespmem:s20+$0x8440]  }
0x2c7: {  	v51 =	vld [tilespmem:s20+$0x8450];
	[tilespmem:s20+$0x14400] =	vst v49  }
0x2c8: {  	v52 =	vld [tilespmem:s20+$0x8460];
	[tilespmem:s20+$0x14410] =	vst v50  }
0x2c9: {  	[tilespmem:s20+$0x14420] =	vst v3;
	v3 =	vld [tilespmem:s20+$0x8470]  }
0x2ca: {  	[tilespmem:s20+$0x14430] =	vst v4;
	v4 =	vld [tilespmem:s20+$0x8800]  }
0x2cb: {  	[tilespmem:s20+$0x14440] =	vst v5;
	v5 =	vld [tilespmem:s20+$0x8810]  }
0x2cc: {  	v53 =	vld [tilespmem:s20+$0x8820];
	[tilespmem:s20+$0x14450] =	vst v51  }
0x2cd: {  	v54 =	vld [tilespmem:s20+$0x8830];
	[tilespmem:s20+$0x14460] =	vst v52  }
0x2ce: {  	[tilespmem:s20+$0x14470] =	vst v3;
	v3 =	vld [tilespmem:s20+$0x8840]  }
0x2cf: {  	[tilespmem:s20+$0x14800] =	vst v4;
	v4 =	vld [tilespmem:s20+$0x8850]  }
0x2d0: {  	[tilespmem:s20+$0x14810] =	vst v5;
	v5 =	vld [tilespmem:s20+$0x8860]  }
0x2d1: {  	v55 =	vld [tilespmem:s20+$0x8870];
	[tilespmem:s20+$0x14820] =	vst v53  }
0x2d2: {  	v56 =	vld [tilespmem:s20+$0x8C00];
	[tilespmem:s20+$0x14830] =	vst v54  }
0x2d3: {  	[tilespmem:s20+$0x14840] =	vst v3;
	v3 =	vld [tilespmem:s20+$0x8C10]  }
0x2d4: {  	[tilespmem:s20+$0x14850] =	vst v4;
	v4 =	vld [tilespmem:s20+$0x8C20]  }
0x2d5: {  	[tilespmem:s20+$0x14860] =	vst v5;
	v5 =	vld [tilespmem:s20+$0x8C30]  }
0x2d6: {  	v57 =	vld [tilespmem:s20+$0x8C40];
	[tilespmem:s20+$0x14870] =	vst v55  }
0x2d7: {  	v58 =	vld [tilespmem:s20+$0x8C50];
	[tilespmem:s20+$0x14C00] =	vst v56  }
0x2d8: {  	[tilespmem:s20+$0x14C10] =	vst v3;
	v3 =	vld [tilespmem:s20+$0x8C60]  }
0x2d9: {  	[tilespmem:s20+$0x14C20] =	vst v4;
	v4 =	vld [tilespmem:s20+$0x8C70]  }
0x2da: {  	[tilespmem:s20+$0x14C30] =	vst v5;
	v5 =	vld [tilespmem:s20+$0x9000]  }
0x2db: {  	s21 =	sand.u32 $0x3, s21;
	[tilespmem:s20+$0x14C40] =	vst v57  }
0x2dc: {  	s21 =	sshll.u32 s21, $0x8;
	[tilespmem:s20+$0x14C50] =	vst v58  }
0x2dd: {  	s22 =	sadd.s32 $0x0, s21;
	[tilespmem:s20+$0x14C60] =	vst v3  }
0x2de: {  	s21 =	sor.u32 $0x1800, s22;
	[tilespmem:s20+$0x14C70] =	vst v4  }
0x2df: {  	[tilespmem:s21+$0x13800] =	vst v5  }
0x2e0: {  	v3 =	vld [tilespmem:s20+$0x9010];
	_ =	sdelay $0x3  }
0x2e1: {  	s23 =	sor.u32 $0x1810, s22  }
0x2e2: {  	[tilespmem:s23+$0x13800] =	vst v3  }
0x2e3: {  	v3 =	vld [tilespmem:s20+$0x9020];
	_ =	sdelay $0x3  }
0x2e4: {  	s24 =	sor.u32 $0x1820, s22  }
0x2e5: {  	[tilespmem:s24+$0x13800] =	vst v3  }
0x2e6: {  	v3 =	vld [tilespmem:s20+$0x9030];
	_ =	sdelay $0x3  }
0x2e7: {  	s25 =	sor.u32 $0x1830, s22  }
0x2e8: {  	[tilespmem:s25+$0x13800] =	vst v3  }
0x2e9: {  	v3 =	vld [tilespmem:s20+$0x9040];
	_ =	sdelay $0x3  }
0x2ea: {  	s26 =	sor.u32 $0x1840, s22  }
0x2eb: {  	[tilespmem:s26+$0x13800] =	vst v3  }
0x2ec: {  	v3 =	vld [tilespmem:s20+$0x9050];
	_ =	sdelay $0x3  }
0x2ed: {  	s29 =	sor.u32 $0x1850, s22  }
0x2ee: {  	[tilespmem:s29+$0x13800] =	vst v3  }
0x2ef: {  	v3 =	vld [tilespmem:s20+$0x9060];
	_ =	sdelay $0x3  }
0x2f0: {  	s30 =	sor.u32 $0x1860, s22  }
0x2f1: {  	[tilespmem:s30+$0x13800] =	vst v3  }
0x2f2: {  	v3 =	vld [tilespmem:s20+$0x9070];
	_ =	sdelay $0x3  }
0x2f3: {  	s31 =	sor.u32 $0x1870, s22  }
0x2f4: {  	[tilespmem:s31+$0x13800] =	vst v3  }
0x2f5: {  	v3 =	vld [tilespmem:s20+$0x9400];
	_ =	sdelay $0x3  }
0x2f6: {  	s23 =	sor.u32 $0x1C00, s22  }
0x2f7: {  	[tilespmem:s23+$0x13800] =	vst v3  }
0x2f8: {  	v3 =	vld [tilespmem:s20+$0x9410];
	_ =	sdelay $0x3  }
0x2f9: {  	s24 =	sor.u32 $0x1C10, s22  }
0x2fa: {  	[tilespmem:s24+$0x13800] =	vst v3  }
0x2fb: {  	v3 =	vld [tilespmem:s20+$0x9420];
	_ =	sdelay $0x3  }
0x2fc: {  	s25 =	sor.u32 $0x1C20, s22  }
0x2fd: {  	[tilespmem:s25+$0x13800] =	vst v3  }
0x2fe: {  	v3 =	vld [tilespmem:s20+$0x9430];
	_ =	sdelay $0x3  }
0x2ff: {  	s26 =	sor.u32 $0x1C30, s22  }
0x300: {  	[tilespmem:s26+$0x13800] =	vst v3  }
0x301: {  	v3 =	vld [tilespmem:s20+$0x9440];
	_ =	sdelay $0x3  }
0x302: {  	s29 =	sor.u32 $0x1C40, s22  }
0x303: {  	[tilespmem:s29+$0x13800] =	vst v3  }
0x304: {  	v3 =	vld [tilespmem:s20+$0x9450];
	_ =	sdelay $0x3  }
0x305: {  	s30 =	sor.u32 $0x1C50, s22  }
0x306: {  	s31 =	sor.u32 $0x9460, s20;
	[tilespmem:s30+$0x13800] =	vst v3  }
0x307: {  	v3 =	vld.msk [tilespmem:s31+$0x0], $0x1ff;
	_ =	sdelay $0x3  }
0x308: {  	s23 =	sor.u32 $0x1C60, s22  }
0x309: {  	[tilespmem:s23+$0x13800] =	vst.msk $0x1ff, v3  }
0x30a: {  	v3 =	vld [tilespmem:s20+$0x7880]  }
0x30b: {  	v4 =	vld [tilespmem:s20+$0x7890]  }
0x30c: {  	v5 =	vld [tilespmem:s20+$0x78A0]  }
0x30d: {  	v59 =	vld [tilespmem:s20+$0x78B0]  }
0x30e: {  	v60 =	vld [tilespmem:s20+$0x78C0]  }
0x30f: {  	v61 =	vld [tilespmem:s20+$0x7C80];
	[tilespmem:s20+$0x13880] =	vst v3  }
0x310: {  	v63 =	vld [tilespmem:s20+$0x7C90];
	[tilespmem:s20+$0x13890] =	vst v4  }
0x311: {  	v14 =	vld [tilespmem:s20+$0x7CD0];
	[tilespmem:s20+$0x138A0] =	vst v5  }
0x312: {  	v15 =	vld [tilespmem:s20+$0x7CE0];
	[tilespmem:s20+$0x138B0] =	vst v59  }
0x313: {  	v19 =	vld [tilespmem:s20+$0x80A0];
	[tilespmem:s20+$0x138C0] =	vst v60  }
0x314: {  	v21 =	vld [tilespmem:s20+$0x80B0];
	[tilespmem:s20+$0x13C80] =	vst v61  }
0x315: {  	v25 =	vld [tilespmem:s20+$0x80F0];
	[tilespmem:s20+$0x13C90] =	vst v63  }
0x316: {  	v27 =	vld [tilespmem:s20+$0x8480];
	[tilespmem:s20+$0x13CD0] =	vst v14  }
0x317: {  	v28 =	vld [tilespmem:s20+$0x8490];
	[tilespmem:s20+$0x13CE0] =	vst v15  }
0x318: {  	v31 =	vld [tilespmem:s20+$0x84C0];
	[tilespmem:s20+$0x140A0] =	vst v19  }
0x319: {  	v34 =	vld [tilespmem:s20+$0x84E0];
	[tilespmem:s20+$0x140B0] =	vst v21  }
0x31a: {  	v35 =	vld [tilespmem:s20+$0x84F0];
	[tilespmem:s20+$0x140F0] =	vst v25  }
0x31b: {  	v37 =	vld [tilespmem:s20+$0x8890];
	[tilespmem:s20+$0x14480] =	vst v27  }
0x31c: {  	v41 =	vld [tilespmem:s20+$0x88C0];
	[tilespmem:s20+$0x14490] =	vst v28  }
0x31d: {  	v42 =	vld [tilespmem:s20+$0x88D0];
	[tilespmem:s20+$0x144C0] =	vst v31  }
0x31e: {  	v43 =	vld [tilespmem:s20+$0x88E0];
	[tilespmem:s20+$0x144E0] =	vst v34  }
0x31f: {  	s24 =	simm.s32 $0x100;
	s23 =	simm.s32 $0x800;
	v48 =	vld [tilespmem:s20+$0x8CA0];
	[tilespmem:s20+$0x144F0] =	vst v35  }
0x320: {  	s21 =	sand.u32 $0x300, s24;
	s23 =	sand.u32 $0x6000, s23;
	v50 =	vld [tilespmem:s20+$0x8CB0];
	[tilespmem:s20+$0x14890] =	vst v37  }
0x321: {  	v51 =	vld [tilespmem:s20+$0x8CF0];
	s21 =	sor.u32 s21, s23;
	[tilespmem:s20+$0x148C0] =	vst v41  }
0x322: {  	v8 =	vld [tilespmem:s21+$0x7800];
	[tilespmem:s20+$0x148D0] =	vst v42  }
0x323: {  	v9 =	vld [tilespmem:s21+$0x7810];
	[tilespmem:s20+$0x148E0] =	vst v43  }
0x324: {  	v10 =	vld [tilespmem:s21+$0x7820];
	[tilespmem:s20+$0x14CA0] =	vst v48  }
0x325: {  	v62 =	vld [tilespmem:s21+$0x7830];
	[tilespmem:s20+$0x14CB0] =	vst v50  }
0x326: {  	v11 =	vld [tilespmem:s21+$0x7840];
	[tilespmem:s20+$0x14CF0] =	vst v51  }
0x327: {  	v12 =	vld [tilespmem:s21+$0x7850];
	[tilespmem:s21+$0x13800] =	vst v8  }
0x328: {  	v13 =	vld [tilespmem:s21+$0x7860];
	[tilespmem:s21+$0x13810] =	vst v9  }
0x329: {  	v16 =	vld [tilespmem:s21+$0x7870];
	[tilespmem:s21+$0x13820] =	vst v10  }
0x32a: {  	v17 =	vld [tilespmem:s21+$0x7C00];
	[tilespmem:s21+$0x13830] =	vst v62  }
0x32b: {  	v18 =	vld [tilespmem:s21+$0x7C10];
	[tilespmem:s21+$0x13840] =	vst v11  }
0x32c: {  	v20 =	vld [tilespmem:s21+$0x7C20];
	[tilespmem:s21+$0x13850] =	vst v12  }
0x32d: {  	v3 =	vld [tilespmem:s20+$0x78D0];
	[tilespmem:s21+$0x13860] =	vst v13  }
0x32e: {  	v22 =	vld [tilespmem:s21+$0x7C30];
	[tilespmem:s21+$0x13870] =	vst v16  }
0x32f: {  	v4 =	vld [tilespmem:s20+$0x78E0];
	[tilespmem:s21+$0x13C00] =	vst v17  }
0x330: {  	v5 =	vld [tilespmem:s20+$0x78F0];
	[tilespmem:s21+$0x13C10] =	vst v18  }
0x331: {  	v23 =	vld [tilespmem:s21+$0x7C40];
	[tilespmem:s21+$0x13C20] =	vst v20  }
0x332: {  	[tilespmem:s20+$0x138D0] =	vst v3;
	v3 =	vld [tilespmem:s20+$0x7CA0]  }
0x333: {  	v24 =	vld [tilespmem:s21+$0x7C50];
	[tilespmem:s21+$0x13C30] =	vst v22  }
0x334: {  	[tilespmem:s20+$0x138E0] =	vst v4;
	v4 =	vld [tilespmem:s20+$0x7CB0]  }
0x335: {  	[tilespmem:s20+$0x138F0] =	vst v5;
	v5 =	vld [tilespmem:s20+$0x7CC0]  }
0x336: {  	v26 =	vld [tilespmem:s21+$0x7C60];
	[tilespmem:s21+$0x13C40] =	vst v23  }
0x337: {  	[tilespmem:s20+$0x13CA0] =	vst v3;
	v3 =	vld [tilespmem:s20+$0x7CF0]  }
0x338: {  	v29 =	vld [tilespmem:s21+$0x8000];
	[tilespmem:s21+$0x13C50] =	vst v24  }
0x339: {  	[tilespmem:s20+$0x13CB0] =	vst v4;
	v4 =	vld [tilespmem:s20+$0x8080]  }
0x33a: {  	[tilespmem:s20+$0x13CC0] =	vst v5;
	v5 =	vld [tilespmem:s20+$0x8090]  }
0x33b: {  	v30 =	vld [tilespmem:s21+$0x8010];
	[tilespmem:s21+$0x13C60] =	vst v26  }
0x33c: {  	[tilespmem:s20+$0x13CF0] =	vst v3;
	v3 =	vld [tilespmem:s20+$0x80C0]  }
0x33d: {  	v32 =	vld [tilespmem:s21+$0x8020];
	[tilespmem:s21+$0x14000] =	vst v29  }
0x33e: {  	[tilespmem:s20+$0x14080] =	vst v4;
	v4 =	vld [tilespmem:s20+$0x80D0]  }
0x33f: {  	[tilespmem:s20+$0x14090] =	vst v5;
	v5 =	vld [tilespmem:s20+$0x80E0]  }
0x340: {  	v33 =	vld [tilespmem:s21+$0x8030];
	[tilespmem:s21+$0x14010] =	vst v30  }
0x341: {  	[tilespmem:s20+$0x140C0] =	vst v3;
	v3 =	vld [tilespmem:s21+$0x7C70]  }
0x342: {  	v36 =	vld [tilespmem:s21+$0x8050];
	[tilespmem:s21+$0x14020] =	vst v32  }
0x343: {  	[tilespmem:s20+$0x140D0] =	vst v4;
	v4 =	vld [tilespmem:s20+$0x84A0]  }
0x344: {  	[tilespmem:s20+$0x140E0] =	vst v5;
	v5 =	vld [tilespmem:s20+$0x84B0]  }
0x345: {  	v38 =	vld [tilespmem:s21+$0x8060];
	[tilespmem:s21+$0x14030] =	vst v33  }
0x346: {  	[tilespmem:s21+$0x13C70] =	vst v3;
	v3 =	vld [tilespmem:s20+$0x84D0]  }
0x347: {  	v39 =	vld [tilespmem:s21+$0x8070];
	[tilespmem:s21+$0x14050] =	vst v36  }
0x348: {  	[tilespmem:s20+$0x144A0] =	vst v4;
	v4 =	vld [tilespmem:s21+$0x8040]  }
0x349: {  	[tilespmem:s20+$0x144B0] =	vst v5;
	v5 =	vld [tilespmem:s20+$0x8880]  }
0x34a: {  	v40 =	vld [tilespmem:s21+$0x8400];
	[tilespmem:s21+$0x14060] =	vst v38  }
0x34b: {  	[tilespmem:s20+$0x144D0] =	vst v3;
	v3 =	vld [tilespmem:s20+$0x88A0]  }
0x34c: {  	v44 =	vld [tilespmem:s21+$0x8420];
	[tilespmem:s21+$0x14070] =	vst v39  }
0x34d: {  	[tilespmem:s21+$0x14040] =	vst v4;
	v4 =	vld [tilespmem:s20+$0x88B0]  }
0x34e: {  	[tilespmem:s20+$0x14880] =	vst v5;
	v5 =	vld [tilespmem:s21+$0x8410]  }
0x34f: {  	v45 =	vld [tilespmem:s21+$0x8430];
	[tilespmem:s21+$0x14400] =	vst v40  }
0x350: {  	[tilespmem:s20+$0x148A0] =	vst v3;
	v3 =	vld [tilespmem:s20+$0x88F0]  }
0x351: {  	v46 =	vld [tilespmem:s21+$0x8440];
	[tilespmem:s21+$0x14420] =	vst v44  }
0x352: {  	[tilespmem:s20+$0x148B0] =	vst v4;
	v4 =	vld [tilespmem:s20+$0x8C80]  }
0x353: {  	[tilespmem:s21+$0x14410] =	vst v5;
	v5 =	vld [tilespmem:s20+$0x8C90]  }
0x354: {  	v47 =	vld [tilespmem:s21+$0x8450];
	[tilespmem:s21+$0x14430] =	vst v45  }
0x355: {  	[tilespmem:s20+$0x148F0] =	vst v3;
	v3 =	vld [tilespmem:s20+$0x8CC0]  }
0x356: {  	v49 =	vld [tilespmem:s21+$0x8460];
	[tilespmem:s21+$0x14440] =	vst v46  }
0x357: {  	[tilespmem:s20+$0x14C80] =	vst v4;
	v4 =	vld [tilespmem:s20+$0x8CD0]  }
0x358: {  	[tilespmem:s20+$0x14C90] =	vst v5;
	v5 =	vld [tilespmem:s20+$0x8CE0]  }
0x359: {  	v57 =	vld [tilespmem:s20+$0x9080];
	[tilespmem:s21+$0x14450] =	vst v47  }
0x35a: {  	[tilespmem:s20+$0x14CC0] =	vst v3;
	v3 =	vld [tilespmem:s21+$0x8840]  }
0x35b: {  	v52 =	vld [tilespmem:s21+$0x8470];
	[tilespmem:s21+$0x14460] =	vst v49  }
0x35c: {  	s24 =	sadd.s32 $0x80, s22;
	v53 =	vld [tilespmem:s21+$0x8800];
	[tilespmem:s20+$0x14CD0] =	vst v4  }
0x35d: {  	s22 =	sor.u32 $0x1800, s24;
	v54 =	vld [tilespmem:s21+$0x8810];
	[tilespmem:s20+$0x14CE0] =	vst v5  }
0x35e: {  	v55 =	vld [tilespmem:s21+$0x8820];
	[tilespmem:s22+$0x13800] =	vst v57  }
0x35f: {  	[tilespmem:s21+$0x14840] =	vst v3;
	v3 =	vld [tilespmem:s20+$0x9090]  }
0x360: {  	v56 =	vld [tilespmem:s21+$0x8830];
	[tilespmem:s21+$0x14470] =	vst v52  }
0x361: {  	[tilespmem:s21+$0x14800] =	vst v53;
	v5 =	vld [tilespmem:s21+$0x8860]  }
0x362: {  	v58 =	vld [tilespmem:s21+$0x8870];
	[tilespmem:s21+$0x14810] =	vst v54  }
0x363: {  	s25 =	sor.u32 $0x1810, s24;
	[tilespmem:s21+$0x14820] =	vst v55;
	v4 =	vld [tilespmem:s21+$0x8850]  }
0x364: {  	v59 =	vld [tilespmem:s21+$0x8C00];
	[tilespmem:s25+$0x13800] =	vst v3  }
0x365: {  	[tilespmem:s21+$0x14830] =	vst v56;
	v60 =	vld [tilespmem:s20+$0x90A0]  }
0x366: {  	[tilespmem:s21+$0x14860] =	vst v5;
	v5 =	vld [tilespmem:s21+$0x8C20]  }
0x367: {  	[tilespmem:s21+$0x14870] =	vst v58;
	v3 =	vld [tilespmem:s21+$0x8C30]  }
0x368: {  	[tilespmem:s21+$0x14850] =	vst v4;
	v4 =	vld [tilespmem:s21+$0x8C10]  }
0x369: {  	s26 =	sor.u32 $0x1820, s24;
	v61 =	vld [tilespmem:s21+$0x8C40];
	[tilespmem:s21+$0x14C00] =	vst v59  }
0x36a: {  	v62 =	vld [tilespmem:s21+$0x8C50];
	[tilespmem:s26+$0x13800] =	vst v60  }
0x36b: {  	[tilespmem:s21+$0x14C20] =	vst v5;
	v5 =	vld [tilespmem:s20+$0x90B0]  }
0x36c: {  	[tilespmem:s21+$0x14C30] =	vst v3;
	v3 =	vld [tilespmem:s21+$0x8C70]  }
0x36d: {  	[tilespmem:s21+$0x14C10] =	vst v4;
	v4 =	vld [tilespmem:s21+$0x8C60]  }
0x36e: {  	s23 =	simm.s32 $0x1;
	v63 =	vld [tilespmem:s21+$0x9000];
	[tilespmem:s21+$0x14C40] =	vst v61  }
0x36f: {  	s29 =	sand.u32 $0x3, s23;
	[tilespmem:s21+$0x14C50] =	vst v62;
	s25 =	sor.u32 $0x1830, s24  }
0x370: {  	s22 =	sshll.u32 s29, $0x8;
	[tilespmem:s25+$0x13800] =	vst v5  }
0x371: {  	s22 =	sadd.s32 $0x800, s22;
	[tilespmem:s21+$0x14C70] =	vst v3;
	v3 =	vld [tilespmem:s20+$0x90C0]  }
0x372: {  	s30 =	sor.u32 $0x1800, s22;
	[tilespmem:s21+$0x14C60] =	vst v4  }
0x373: {  	[tilespmem:s30+$0x13800] =	vst v63  }
0x374: {  	v4 =	vld [tilespmem:s21+$0x9010]  }
0x375: {  	s31 =	sor.u32 $0x1840, s24  }
0x376: {  	[tilespmem:s31+$0x13800] =	vst v3  }
0x377: {  	v3 =	vld [tilespmem:s20+$0x90D0]  }
0x378: {  	s26 =	sor.u32 $0x1810, s22  }
0x379: {  	[tilespmem:s26+$0x13800] =	vst v4  }
0x37a: {  	v4 =	vld [tilespmem:s21+$0x9020]  }
0x37b: {  	s29 =	sor.u32 $0x1850, s24  }
0x37c: {  	[tilespmem:s29+$0x13800] =	vst v3  }
0x37d: {  	v3 =	vld [tilespmem:s20+$0x90E0]  }
0x37e: {  	s30 =	sor.u32 $0x1820, s22  }
0x37f: {  	[tilespmem:s30+$0x13800] =	vst v4  }
0x380: {  	v4 =	vld [tilespmem:s21+$0x9030]  }
0x381: {  	s31 =	sor.u32 $0x1860, s24  }
0x382: {  	[tilespmem:s31+$0x13800] =	vst v3  }
0x383: {  	v3 =	vld [tilespmem:s20+$0x90F0]  }
0x384: {  	s26 =	sor.u32 $0x1830, s22  }
0x385: {  	[tilespmem:s26+$0x13800] =	vst v4  }
0x386: {  	v4 =	vld [tilespmem:s21+$0x9040]  }
0x387: {  	s29 =	sor.u32 $0x1870, s24  }
0x388: {  	[tilespmem:s29+$0x13800] =	vst v3  }
0x389: {  	v3 =	vld [tilespmem:s20+$0x9480]  }
0x38a: {  	s30 =	sor.u32 $0x1840, s22  }
0x38b: {  	[tilespmem:s30+$0x13800] =	vst v4  }
0x38c: {  	v4 =	vld [tilespmem:s21+$0x9050]  }
0x38d: {  	s31 =	sor.u32 $0x1C00, s24  }
0x38e: {  	[tilespmem:s31+$0x13800] =	vst v3  }
0x38f: {  	v3 =	vld [tilespmem:s20+$0x9490]  }
0x390: {  	s26 =	sor.u32 $0x1850, s22  }
0x391: {  	[tilespmem:s26+$0x13800] =	vst v4  }
0x392: {  	v4 =	vld [tilespmem:s21+$0x9060]  }
0x393: {  	s29 =	sor.u32 $0x1C10, s24  }
0x394: {  	[tilespmem:s29+$0x13800] =	vst v3  }
0x395: {  	v3 =	vld [tilespmem:s20+$0x94A0]  }
0x396: {  	s30 =	sor.u32 $0x1860, s22  }
0x397: {  	[tilespmem:s30+$0x13800] =	vst v4  }
0x398: {  	v4 =	vld [tilespmem:s21+$0x9070]  }
0x399: {  	s31 =	sor.u32 $0x1C20, s24  }
0x39a: {  	[tilespmem:s31+$0x13800] =	vst v3  }
0x39b: {  	v3 =	vld [tilespmem:s20+$0x94B0]  }
0x39c: {  	s18 =	sadd.s32 $0x1, s18;
	s26 =	sor.u32 $0x1870, s22  }
0x39d: {  	s28 =	simm.s32 $0x1000;
	s25 =	simm.s32 $0x2;
	[tilespmem:s26+$0x13800] =	vst v4;
	s26 =	simm.s32 $0x200  }
.LBB2_11:
0x39e: {  	s29 =	sand.u32 $0x6000, s28;
	s30 =	sand.u32 $0x300, s26;
	v4 =	vld [tilespmem:s21+$0x9400]  }
0x39f: {  	s29 =	sor.u32 s30, s29;
	s30 =	sor.u32 $0x1C30, s24  }
0x3a0: {  	v5 =	vld [tilespmem:s29+$0x7800];
	[tilespmem:s30+$0x13800] =	vst v3  }
0x3a1: {  	v3 =	vld [tilespmem:s20+$0x94C0]  }
0x3a2: {  	s30 =	sor.u32 $0x1C00, s22;
	v6 =	vld [tilespmem:s29+$0x7810]  }
0x3a3: {  	v7 =	vld [tilespmem:s29+$0x7820];
	[tilespmem:s30+$0x13800] =	vst v4  }
0x3a4: {  	v4 =	vld [tilespmem:s21+$0x9410]  }
0x3a5: {  	s30 =	sor.u32 $0x1C40, s24;
	[tilespmem:s29+$0x13800] =	vst v5;
	v5 =	vld [tilespmem:s29+$0x7830]  }
0x3a6: {  	v8 =	vld [tilespmem:s29+$0x7840];
	[tilespmem:s30+$0x13800] =	vst v3  }
0x3a7: {  	[tilespmem:s29+$0x13810] =	vst v6;
	v3 =	vld [tilespmem:s20+$0x94D0]  }
0x3a8: {  	s30 =	sor.u32 $0x1C10, s22;
	[tilespmem:s29+$0x13820] =	vst v7;
	v6 =	vld [tilespmem:s29+$0x7850]  }
0x3a9: {  	v7 =	vld [tilespmem:s29+$0x7860];
	[tilespmem:s30+$0x13800] =	vst v4  }
0x3aa: {  	[tilespmem:s29+$0x13830] =	vst v5;
	v4 =	vld [tilespmem:s21+$0x9420]  }
0x3ab: {  	s30 =	sor.u32 $0x1C50, s24;
	[tilespmem:s29+$0x13840] =	vst v8;
	v5 =	vld [tilespmem:s29+$0x7870]  }
0x3ac: {  	v8 =	vld [tilespmem:s29+$0x7C00];
	[tilespmem:s30+$0x13800] =	vst v3;
	s30 =	sor.u32 $0x94E0, s20;
	s20 =	smov.u32 s21;
	s21 =	smov.u32 s29  }
0x3ad: {  	[tilespmem:s21+$0x13850] =	vst v6;
	v3 =	vld.msk [tilespmem:s30+$0x0], $0x1ff  }
0x3ae: {  	s29 =	sor.u32 $0x1C20, s22;
	[tilespmem:s21+$0x13860] =	vst v7;
	v6 =	vld [tilespmem:s21+$0x7C10]  }
0x3af: {  	v7 =	vld [tilespmem:s21+$0x7C20];
	[tilespmem:s29+$0x13800] =	vst v4  }
0x3b0: {  	[tilespmem:s21+$0x13870] =	vst v5;
	v4 =	vld [tilespmem:s20+$0x9430]  }
0x3b1: {  	s24 =	sor.u32 $0x1C60, s24;
	[tilespmem:s21+$0x13C00] =	vst v8;
	v5 =	vld [tilespmem:s21+$0x7C30]  }
0x3b2: {  	v8 =	vld [tilespmem:s21+$0x7C40];
	[tilespmem:s24+$0x13800] =	vst.msk $0x1ff, v3  }
0x3b3: {  	[tilespmem:s21+$0x13C10] =	vst v6;
	v3 =	vld [tilespmem:s21+$0x7C50]  }
0x3b4: {  	s24 =	sor.u32 $0x1C30, s22;
	[tilespmem:s21+$0x13C20] =	vst v7;
	v6 =	vld [tilespmem:s21+$0x7C60]  }
0x3b5: {  	v7 =	vld [tilespmem:s21+$0x7C70];
	[tilespmem:s24+$0x13800] =	vst v4  }
0x3b6: {  	[tilespmem:s21+$0x13C30] =	vst v5;
	v4 =	vld [tilespmem:s20+$0x9440]  }
0x3b7: {  	[tilespmem:s21+$0x13C40] =	vst v8;
	v5 =	vld [tilespmem:s21+$0x8000]  }
0x3b8: {  	[tilespmem:s21+$0x13C50] =	vst v3;
	v3 =	vld [tilespmem:s21+$0x8010]  }
0x3b9: {  	[tilespmem:s21+$0x13C60] =	vst v6;
	v6 =	vld [tilespmem:s21+$0x8020]  }
0x3ba: {  	s24 =	sor.u32 $0x1C40, s22;
	[tilespmem:s21+$0x13C70] =	vst v7;
	v7 =	vld [tilespmem:s21+$0x8030]  }
0x3bb: {  	v8 =	vld [tilespmem:s21+$0x8040];
	[tilespmem:s24+$0x13800] =	vst v4  }
0x3bc: {  	[tilespmem:s21+$0x14000] =	vst v5;
	v4 =	vld [tilespmem:s20+$0x9450]  }
0x3bd: {  	[tilespmem:s21+$0x14010] =	vst v3;
	v3 =	vld [tilespmem:s21+$0x8050]  }
0x3be: {  	[tilespmem:s21+$0x14020] =	vst v6;
	v5 =	vld [tilespmem:s21+$0x8060]  }
0x3bf: {  	[tilespmem:s21+$0x14030] =	vst v7;
	v6 =	vld [tilespmem:s21+$0x8070]  }
0x3c0: {  	s24 =	sor.u32 $0x1C50, s22;
	[tilespmem:s21+$0x14040] =	vst v8;
	v7 =	vld [tilespmem:s21+$0x8400]  }
0x3c1: {  	v8 =	vld [tilespmem:s21+$0x8410];
	[tilespmem:s24+$0x13800] =	vst v4;
	s24 =	sor.u32 $0x9460, s20  }
0x3c2: {  	[tilespmem:s21+$0x14050] =	vst v3;
	v3 =	vld.msk [tilespmem:s24+$0x0], $0x1ff  }
0x3c3: {  	[tilespmem:s21+$0x14060] =	vst v5;
	v4 =	vld [tilespmem:s21+$0x8420]  }
0x3c4: {  	[tilespmem:s21+$0x14070] =	vst v6;
	v5 =	vld [tilespmem:s21+$0x8430]  }
0x3c5: {  	[tilespmem:s21+$0x14400] =	vst v7;
	v6 =	vld [tilespmem:s21+$0x8440]  }
0x3c6: {  	s24 =	sor.u32 $0x1C60, s22;
	[tilespmem:s21+$0x14410] =	vst v8;
	v7 =	vld [tilespmem:s21+$0x8450]  }
0x3c7: {  	v8 =	vld [tilespmem:s21+$0x8460];
	[tilespmem:s24+$0x13800] =	vst.msk $0x1ff, v3  }
0x3c8: {  	[tilespmem:s21+$0x14420] =	vst v4;
	v3 =	vld [tilespmem:s20+$0x7880]  }
0x3c9: {  	[tilespmem:s21+$0x14430] =	vst v5;
	v4 =	vld [tilespmem:s20+$0x7890]  }
0x3ca: {  	[tilespmem:s21+$0x14440] =	vst v6;
	v5 =	vld [tilespmem:s20+$0x78A0]  }
0x3cb: {  	[tilespmem:s21+$0x14450] =	vst v7;
	v6 =	vld [tilespmem:s20+$0x78B0]  }
0x3cc: {  	[tilespmem:s21+$0x14460] =	vst v8;
	v7 =	vld [tilespmem:s20+$0x78C0]  }
0x3cd: {  	[tilespmem:s20+$0x13880] =	vst v3;
	v3 =	vld [tilespmem:s20+$0x78D0]  }
0x3ce: {  	[tilespmem:s20+$0x13890] =	vst v4;
	v4 =	vld [tilespmem:s20+$0x78E0]  }
0x3cf: {  	[tilespmem:s20+$0x138A0] =	vst v5;
	v5 =	vld [tilespmem:s20+$0x78F0]  }
0x3d0: {  	[tilespmem:s20+$0x138B0] =	vst v6;
	v6 =	vld [tilespmem:s20+$0x7C80]  }
0x3d1: {  	[tilespmem:s20+$0x138C0] =	vst v7;
	v7 =	vld [tilespmem:s20+$0x7C90]  }
0x3d2: {  	[tilespmem:s20+$0x138D0] =	vst v3;
	v3 =	vld [tilespmem:s20+$0x7CA0]  }
0x3d3: {  	[tilespmem:s20+$0x138E0] =	vst v4;
	v4 =	vld [tilespmem:s20+$0x7CB0]  }
0x3d4: {  	[tilespmem:s20+$0x138F0] =	vst v5;
	v5 =	vld [tilespmem:s20+$0x7CC0]  }
0x3d5: {  	[tilespmem:s20+$0x13C80] =	vst v6;
	v6 =	vld [tilespmem:s20+$0x7CD0]  }
0x3d6: {  	[tilespmem:s20+$0x13C90] =	vst v7;
	v7 =	vld [tilespmem:s20+$0x7CE0]  }
0x3d7: {  	[tilespmem:s20+$0x13CA0] =	vst v3;
	v3 =	vld [tilespmem:s20+$0x7CF0]  }
0x3d8: {  	[tilespmem:s20+$0x13CB0] =	vst v4;
	v4 =	vld [tilespmem:s20+$0x8080]  }
0x3d9: {  	[tilespmem:s20+$0x13CC0] =	vst v5;
	v5 =	vld [tilespmem:s20+$0x8090]  }
0x3da: {  	[tilespmem:s20+$0x13CD0] =	vst v6;
	v6 =	vld [tilespmem:s20+$0x80A0]  }
0x3db: {  	[tilespmem:s20+$0x13CE0] =	vst v7;
	v7 =	vld [tilespmem:s20+$0x80B0]  }
0x3dc: {  	[tilespmem:s20+$0x13CF0] =	vst v3;
	v3 =	vld [tilespmem:s20+$0x80C0]  }
0x3dd: {  	[tilespmem:s20+$0x14080] =	vst v4;
	v4 =	vld [tilespmem:s20+$0x80D0]  }
0x3de: {  	[tilespmem:s20+$0x14090] =	vst v5;
	v5 =	vld [tilespmem:s20+$0x80E0]  }
0x3df: {  	[tilespmem:s20+$0x140A0] =	vst v6;
	v6 =	vld [tilespmem:s20+$0x80F0]  }
0x3e0: {  	[tilespmem:s20+$0x140B0] =	vst v7;
	v7 =	vld [tilespmem:s20+$0x8480]  }
0x3e1: {  	[tilespmem:s20+$0x140C0] =	vst v3;
	v3 =	vld [tilespmem:s20+$0x8490]  }
0x3e2: {  	[tilespmem:s20+$0x140D0] =	vst v4;
	v4 =	vld [tilespmem:s20+$0x84A0]  }
0x3e3: {  	[tilespmem:s20+$0x140E0] =	vst v5;
	v5 =	vld [tilespmem:s20+$0x84B0]  }
0x3e4: {  	[tilespmem:s20+$0x140F0] =	vst v6;
	v6 =	vld [tilespmem:s20+$0x84C0]  }
0x3e5: {  	[tilespmem:s20+$0x14480] =	vst v7;
	v7 =	vld [tilespmem:s20+$0x84D0]  }
0x3e6: {  	[tilespmem:s20+$0x14490] =	vst v3;
	v3 =	vld [tilespmem:s20+$0x84E0]  }
0x3e7: {  	[tilespmem:s20+$0x144A0] =	vst v4;
	v4 =	vld [tilespmem:s20+$0x84F0]  }
0x3e8: {  	[tilespmem:s20+$0x144B0] =	vst v5;
	v5 =	vld [tilespmem:s20+$0x8880]  }
0x3e9: {  	[tilespmem:s20+$0x144C0] =	vst v6;
	v6 =	vld [tilespmem:s20+$0x8890]  }
0x3ea: {  	[tilespmem:s20+$0x144D0] =	vst v7;
	v7 =	vld [tilespmem:s20+$0x88A0]  }
0x3eb: {  	[tilespmem:s20+$0x144E0] =	vst v3;
	v3 =	vld [tilespmem:s20+$0x88B0]  }
0x3ec: {  	[tilespmem:s20+$0x144F0] =	vst v4;
	v4 =	vld [tilespmem:s20+$0x88C0]  }
0x3ed: {  	[tilespmem:s20+$0x14880] =	vst v5;
	v5 =	vld [tilespmem:s20+$0x88D0]  }
0x3ee: {  	[tilespmem:s20+$0x14890] =	vst v6;
	v6 =	vld [tilespmem:s20+$0x88E0]  }
0x3ef: {  	[tilespmem:s20+$0x148A0] =	vst v7;
	v7 =	vld [tilespmem:s20+$0x88F0]  }
0x3f0: {  	[tilespmem:s20+$0x148B0] =	vst v3;
	v3 =	vld [tilespmem:s20+$0x8C80]  }
0x3f1: {  	[tilespmem:s20+$0x148C0] =	vst v4;
	v4 =	vld [tilespmem:s20+$0x8C90]  }
0x3f2: {  	[tilespmem:s20+$0x148D0] =	vst v5;
	v5 =	vld [tilespmem:s20+$0x8CA0]  }
0x3f3: {  	[tilespmem:s20+$0x148E0] =	vst v6;
	v6 =	vld [tilespmem:s20+$0x8CB0]  }
0x3f4: {  	[tilespmem:s20+$0x148F0] =	vst v7;
	v7 =	vld [tilespmem:s20+$0x8CC0]  }
0x3f5: {  	[tilespmem:s20+$0x14C80] =	vst v3;
	v3 =	vld [tilespmem:s20+$0x8CD0]  }
0x3f6: {  	[tilespmem:s20+$0x14C90] =	vst v4;
	v4 =	vld [tilespmem:s20+$0x8CE0]  }
0x3f7: {  	[tilespmem:s20+$0x14CA0] =	vst v5;
	v5 =	vld [tilespmem:s20+$0x8CF0]  }
0x3f8: {  	[tilespmem:s20+$0x14CB0] =	vst v6;
	v6 =	vld [tilespmem:s20+$0x9080]  }
0x3f9: {  	v8 =	vld [tilespmem:s21+$0x8470];
	[tilespmem:s20+$0x14CC0] =	vst v7  }
0x3fa: {  	v7 =	vld [tilespmem:s21+$0x8800];
	[tilespmem:s20+$0x14CD0] =	vst v3  }
0x3fb: {  	s24 =	sadd.s32 $0x80, s22;
	v3 =	vld [tilespmem:s21+$0x8810];
	[tilespmem:s20+$0x14CE0] =	vst v4  }
0x3fc: {  	s22 =	sor.u32 $0x1800, s24;
	v4 =	vld [tilespmem:s21+$0x8820];
	[tilespmem:s20+$0x14CF0] =	vst v5  }
0x3fd: {  	v5 =	vld [tilespmem:s21+$0x8830];
	[tilespmem:s22+$0x13800] =	vst v6  }
0x3fe: {  	[tilespmem:s21+$0x14470] =	vst v8;
	v6 =	vld [tilespmem:s20+$0x9090]  }
0x3ff: {  	[tilespmem:s21+$0x14800] =	vst v7;
	v7 =	vld [tilespmem:s21+$0x8840]  }
0x400: {  	[tilespmem:s21+$0x14810] =	vst v3;
	v3 =	vld [tilespmem:s21+$0x8850]  }
0x401: {  	[tilespmem:s21+$0x14820] =	vst v4;
	v4 =	vld [tilespmem:s21+$0x8860]  }
0x402: {  	s22 =	sor.u32 $0x1810, s24;
	[tilespmem:s21+$0x14830] =	vst v5;
	v5 =	vld [tilespmem:s21+$0x8870]  }
0x403: {  	v8 =	vld [tilespmem:s21+$0x8C00];
	[tilespmem:s22+$0x13800] =	vst v6  }
0x404: {  	[tilespmem:s21+$0x14840] =	vst v7;
	v6 =	vld [tilespmem:s20+$0x90A0]  }
0x405: {  	[tilespmem:s21+$0x14850] =	vst v3;
	v3 =	vld [tilespmem:s21+$0x8C10]  }
0x406: {  	[tilespmem:s21+$0x14860] =	vst v4;
	v4 =	vld [tilespmem:s21+$0x8C20]  }
0x407: {  	[tilespmem:s21+$0x14870] =	vst v5;
	v5 =	vld [tilespmem:s21+$0x8C30]  }
0x408: {  	s22 =	sor.u32 $0x1820, s24;
	[tilespmem:s21+$0x14C00] =	vst v8;
	v7 =	vld [tilespmem:s21+$0x8C40]  }
0x409: {  	v8 =	vld [tilespmem:s21+$0x8C50];
	[tilespmem:s22+$0x13800] =	vst v6  }
0x40a: {  	[tilespmem:s21+$0x14C10] =	vst v3;
	v3 =	vld [tilespmem:s20+$0x90B0]  }
0x40b: {  	[tilespmem:s21+$0x14C20] =	vst v4;
	v4 =	vld [tilespmem:s21+$0x8C60]  }
0x40c: {  	[tilespmem:s21+$0x14C30] =	vst v5;
	v5 =	vld [tilespmem:s21+$0x8C70]  }
0x40d: {  	s23 =	sadd.s32 $0x1, s23;
	[tilespmem:s21+$0x14C40] =	vst v7;
	v6 =	vld [tilespmem:s21+$0x9000]  }
0x40e: {  	s29 =	sor.u32 $0x1830, s24;
	s22 =	sand.u32 $0x3, s23;
	[tilespmem:s21+$0x14C50] =	vst v8  }
0x40f: {  	s22 =	sshll.u32 s22, $0x8;
	[tilespmem:s29+$0x13800] =	vst v3  }
0x410: {  	s22 =	sadd.s32 s22, s28;
	[tilespmem:s21+$0x14C60] =	vst v4;
	v3 =	vld [tilespmem:s20+$0x90C0]  }
0x411: {  	s29 =	sor.u32 $0x1800, s22;
	[tilespmem:s21+$0x14C70] =	vst v5  }
0x412: {  	[tilespmem:s29+$0x13800] =	vst v6  }
0x413: {  	v4 =	vld [tilespmem:s21+$0x9010]  }
0x414: {  	s29 =	sor.u32 $0x1840, s24  }
0x415: {  	[tilespmem:s29+$0x13800] =	vst v3  }
0x416: {  	v3 =	vld [tilespmem:s20+$0x90D0]  }
0x417: {  	s29 =	sor.u32 $0x1810, s22  }
0x418: {  	[tilespmem:s29+$0x13800] =	vst v4  }
0x419: {  	v4 =	vld [tilespmem:s21+$0x9020]  }
0x41a: {  	s29 =	sor.u32 $0x1850, s24  }
0x41b: {  	[tilespmem:s29+$0x13800] =	vst v3  }
0x41c: {  	v3 =	vld [tilespmem:s20+$0x90E0]  }
0x41d: {  	s29 =	sor.u32 $0x1820, s22  }
0x41e: {  	[tilespmem:s29+$0x13800] =	vst v4  }
0x41f: {  	v4 =	vld [tilespmem:s21+$0x9030]  }
0x420: {  	s29 =	sor.u32 $0x1860, s24  }
0x421: {  	[tilespmem:s29+$0x13800] =	vst v3  }
0x422: {  	v3 =	vld [tilespmem:s20+$0x90F0]  }
0x423: {  	s29 =	sor.u32 $0x1830, s22  }
0x424: {  	[tilespmem:s29+$0x13800] =	vst v4  }
0x425: {  	v4 =	vld [tilespmem:s21+$0x9040]  }
0x426: {  	s29 =	sor.u32 $0x1870, s24  }
0x427: {  	[tilespmem:s29+$0x13800] =	vst v3  }
0x428: {  	v3 =	vld [tilespmem:s20+$0x9480]  }
0x429: {  	s29 =	sor.u32 $0x1840, s22  }
0x42a: {  	[tilespmem:s29+$0x13800] =	vst v4  }
0x42b: {  	v4 =	vld [tilespmem:s21+$0x9050]  }
0x42c: {  	s29 =	sor.u32 $0x1C00, s24  }
0x42d: {  	[tilespmem:s29+$0x13800] =	vst v3  }
0x42e: {  	v3 =	vld [tilespmem:s20+$0x9490]  }
0x42f: {  	s29 =	sor.u32 $0x1850, s22  }
0x430: {  	[tilespmem:s29+$0x13800] =	vst v4  }
0x431: {  	v4 =	vld [tilespmem:s21+$0x9060]  }
0x432: {  	s29 =	sor.u32 $0x1C10, s24  }
0x433: {  	[tilespmem:s29+$0x13800] =	vst v3  }
0x434: {  	v3 =	vld [tilespmem:s20+$0x94A0]  }
0x435: {  	s29 =	sor.u32 $0x1860, s22  }
0x436: {  	s25 =	sadd.s32 $0x2, s25;
	[tilespmem:s29+$0x13800] =	vst v4  }
0x437: {  	p0 =	slt.u32 s25, $0x12;
	v4 =	vld [tilespmem:s21+$0x9070]  }
.Ltmp5:
0x438: {  	s29 =	sor.u32 $0x1C20, s24;
	(pc) =	sbr.rel @p0 .LBB2_11-.Ltmp5, $4  }
0x439: {  	[tilespmem:s29+$0x13800] =	vst v3  }
0x43a: {  	v3 =	vld [tilespmem:s20+$0x94B0]  }
0x43b: {  	s29 =	sor.u32 $0x1870, s22  }
0x43c: {  	s26 =	sadd.s32 $0x100, s26;
	s28 =	sadd.s32 $0x800, s28;
	[tilespmem:s29+$0x13800] =	vst v4  }
0x43d: {  	v4 =	vld [tilespmem:s21+$0x9400];
	_ =	sdelay $0x3  }
0x43e: {  	s23 =	sor.u32 $0x1C00, s22  }
0x43f: {  	[tilespmem:s23+$0x13800] =	vst v4  }
0x440: {  	v4 =	vld [tilespmem:s21+$0x9410];
	_ =	sdelay $0x3  }
0x441: {  	s28 =	sor.u32 $0x1C10, s22  }
0x442: {  	[tilespmem:s28+$0x13800] =	vst v4  }
0x443: {  	v4 =	vld [tilespmem:s21+$0x9420];
	_ =	sdelay $0x3  }
0x444: {  	s29 =	sor.u32 $0x1C20, s22  }
0x445: {  	[tilespmem:s29+$0x13800] =	vst v4  }
0x446: {  	v4 =	vld [tilespmem:s21+$0x9430];
	_ =	sdelay $0x3  }
0x447: {  	s30 =	sor.u32 $0x1C30, s22  }
0x448: {  	[tilespmem:s30+$0x13800] =	vst v4  }
0x449: {  	v4 =	vld [tilespmem:s21+$0x9440];
	_ =	sdelay $0x3  }
0x44a: {  	s31 =	sor.u32 $0x1C40, s22  }
0x44b: {  	[tilespmem:s31+$0x13800] =	vst v4  }
0x44c: {  	v4 =	vld [tilespmem:s21+$0x9450];
	_ =	sdelay $0x3  }
0x44d: {  	s25 =	sor.u32 $0x1C50, s22  }
0x44e: {  	s26 =	sor.u32 $0x9460, s21;
	[tilespmem:s25+$0x13800] =	vst v4  }
0x44f: {  	v4 =	vld.msk [tilespmem:s26+$0x0], $0x1ff;
	_ =	sdelay $0x3  }
0x450: {  	s28 =	sor.u32 $0x1C60, s22  }
0x451: {  	[tilespmem:s28+$0x13800] =	vst.msk $0x1ff, v4  }
0x452: {  	v4 =	vld [tilespmem:s21+$0x7880]  }
0x453: {  	v5 =	vld [tilespmem:s21+$0x7890]  }
0x454: {  	v6 =	vld [tilespmem:s21+$0x78A0]  }
0x455: {  	v7 =	vld [tilespmem:s21+$0x78B0]  }
0x456: {  	v8 =	vld [tilespmem:s21+$0x78C0]  }
0x457: {  	v19 =	vld [tilespmem:s21+$0x78D0];
	[tilespmem:s21+$0x13880] =	vst v4  }
0x458: {  	v20 =	vld [tilespmem:s21+$0x78E0];
	[tilespmem:s21+$0x13890] =	vst v5  }
0x459: {  	v21 =	vld [tilespmem:s21+$0x78F0];
	[tilespmem:s21+$0x138A0] =	vst v6  }
0x45a: {  	v22 =	vld [tilespmem:s21+$0x7C80];
	[tilespmem:s21+$0x138B0] =	vst v7  }
0x45b: {  	v23 =	vld [tilespmem:s21+$0x7C90];
	[tilespmem:s21+$0x138C0] =	vst v8  }
0x45c: {  	v24 =	vld [tilespmem:s21+$0x7CA0];
	[tilespmem:s21+$0x138D0] =	vst v19  }
0x45d: {  	v25 =	vld [tilespmem:s21+$0x7CB0];
	[tilespmem:s21+$0x138E0] =	vst v20  }
0x45e: {  	v26 =	vld [tilespmem:s21+$0x7CC0];
	[tilespmem:s21+$0x138F0] =	vst v21  }
0x45f: {  	v27 =	vld [tilespmem:s21+$0x7CD0];
	[tilespmem:s21+$0x13C80] =	vst v22  }
0x460: {  	v28 =	vld [tilespmem:s21+$0x7CE0];
	[tilespmem:s21+$0x13C90] =	vst v23  }
0x461: {  	v29 =	vld [tilespmem:s21+$0x7CF0];
	[tilespmem:s21+$0x13CA0] =	vst v24  }
0x462: {  	v30 =	vld [tilespmem:s21+$0x8080];
	[tilespmem:s21+$0x13CB0] =	vst v25  }
0x463: {  	v31 =	vld [tilespmem:s21+$0x8090];
	[tilespmem:s21+$0x13CC0] =	vst v26  }
0x464: {  	v32 =	vld [tilespmem:s21+$0x80A0];
	[tilespmem:s21+$0x13CD0] =	vst v27  }
0x465: {  	v33 =	vld [tilespmem:s21+$0x80B0];
	[tilespmem:s21+$0x13CE0] =	vst v28  }
0x466: {  	v34 =	vld [tilespmem:s21+$0x80C0];
	[tilespmem:s21+$0x13CF0] =	vst v29  }
0x467: {  	v35 =	vld [tilespmem:s21+$0x80D0];
	[tilespmem:s21+$0x14080] =	vst v30  }
0x468: {  	v36 =	vld [tilespmem:s21+$0x80E0];
	[tilespmem:s21+$0x14090] =	vst v31  }
0x469: {  	v37 =	vld [tilespmem:s21+$0x80F0];
	[tilespmem:s21+$0x140A0] =	vst v32  }
0x46a: {  	v38 =	vld [tilespmem:s21+$0x8480];
	[tilespmem:s21+$0x140B0] =	vst v33  }
0x46b: {  	v39 =	vld [tilespmem:s21+$0x8490];
	[tilespmem:s21+$0x140C0] =	vst v34  }
0x46c: {  	v40 =	vld [tilespmem:s21+$0x84A0];
	[tilespmem:s21+$0x140D0] =	vst v35  }
0x46d: {  	v41 =	vld [tilespmem:s21+$0x84B0];
	[tilespmem:s21+$0x140E0] =	vst v36  }
0x46e: {  	v42 =	vld [tilespmem:s21+$0x84C0];
	[tilespmem:s21+$0x140F0] =	vst v37  }
0x46f: {  	v43 =	vld [tilespmem:s21+$0x84D0];
	[tilespmem:s21+$0x14480] =	vst v38  }
0x470: {  	v44 =	vld [tilespmem:s21+$0x84E0];
	[tilespmem:s21+$0x14490] =	vst v39  }
0x471: {  	v45 =	vld [tilespmem:s21+$0x84F0];
	[tilespmem:s21+$0x144A0] =	vst v40  }
0x472: {  	v46 =	vld [tilespmem:s21+$0x8880];
	[tilespmem:s21+$0x144B0] =	vst v41  }
0x473: {  	v47 =	vld [tilespmem:s21+$0x8890];
	[tilespmem:s21+$0x144C0] =	vst v42  }
0x474: {  	v48 =	vld [tilespmem:s21+$0x88A0];
	[tilespmem:s21+$0x144D0] =	vst v43  }
0x475: {  	v49 =	vld [tilespmem:s21+$0x88B0];
	[tilespmem:s21+$0x144E0] =	vst v44  }
0x476: {  	v50 =	vld [tilespmem:s21+$0x88C0];
	[tilespmem:s21+$0x144F0] =	vst v45  }
0x477: {  	v51 =	vld [tilespmem:s21+$0x88D0];
	[tilespmem:s21+$0x14880] =	vst v46  }
0x478: {  	v52 =	vld [tilespmem:s21+$0x88E0];
	[tilespmem:s21+$0x14890] =	vst v47  }
0x479: {  	v53 =	vld [tilespmem:s21+$0x88F0];
	[tilespmem:s21+$0x148A0] =	vst v48  }
0x47a: {  	v54 =	vld [tilespmem:s21+$0x8C80];
	[tilespmem:s21+$0x148B0] =	vst v49  }
0x47b: {  	v55 =	vld [tilespmem:s21+$0x8C90];
	[tilespmem:s21+$0x148C0] =	vst v50  }
0x47c: {  	v56 =	vld [tilespmem:s21+$0x8CA0];
	[tilespmem:s21+$0x148D0] =	vst v51  }
0x47d: {  	v57 =	vld [tilespmem:s21+$0x8CB0];
	[tilespmem:s21+$0x148E0] =	vst v52  }
0x47e: {  	v58 =	vld [tilespmem:s21+$0x8CC0];
	[tilespmem:s21+$0x148F0] =	vst v53  }
0x47f: {  	v59 =	vld [tilespmem:s21+$0x8CD0];
	[tilespmem:s21+$0x14C80] =	vst v54  }
0x480: {  	v60 =	vld [tilespmem:s21+$0x8CE0];
	[tilespmem:s21+$0x14C90] =	vst v55  }
0x481: {  	v61 =	vld [tilespmem:s21+$0x8CF0];
	[tilespmem:s21+$0x14CA0] =	vst v56  }
0x482: {  	v62 =	vld [tilespmem:s21+$0x9080];
	[tilespmem:s21+$0x14CB0] =	vst v57  }
0x483: {  	[tilespmem:s21+$0x14CC0] =	vst v58  }
0x484: {  	[tilespmem:s21+$0x14CD0] =	vst v59  }
0x485: {  	s22 =	sadd.s32 $0x80, s22;
	[tilespmem:s21+$0x14CE0] =	vst v60  }
0x486: {  	s29 =	sor.u32 $0x1800, s22;
	[tilespmem:s21+$0x14CF0] =	vst v61  }
0x487: {  	[tilespmem:s29+$0x13800] =	vst v62  }
0x488: {  	v63 =	vld [tilespmem:s21+$0x9090];
	_ =	sdelay $0x3  }
0x489: {  	s30 =	sor.u32 $0x1810, s22  }
0x48a: {  	[tilespmem:s30+$0x13800] =	vst v63  }
0x48b: {  	v4 =	vld [tilespmem:s21+$0x90A0];
	_ =	sdelay $0x3  }
0x48c: {  	s31 =	sor.u32 $0x1820, s22  }
0x48d: {  	[tilespmem:s31+$0x13800] =	vst v4  }
0x48e: {  	v4 =	vld [tilespmem:s21+$0x90B0];
	_ =	sdelay $0x3  }
0x48f: {  	s25 =	sor.u32 $0x1830, s22  }
0x490: {  	[tilespmem:s25+$0x13800] =	vst v4  }
0x491: {  	v4 =	vld [tilespmem:s21+$0x90C0];
	_ =	sdelay $0x3  }
0x492: {  	s26 =	sor.u32 $0x1840, s22  }
0x493: {  	[tilespmem:s26+$0x13800] =	vst v4  }
0x494: {  	v4 =	vld [tilespmem:s21+$0x90D0];
	_ =	sdelay $0x3  }
0x495: {  	s28 =	sor.u32 $0x1850, s22  }
0x496: {  	[tilespmem:s28+$0x13800] =	vst v4  }
0x497: {  	v4 =	vld [tilespmem:s21+$0x90E0];
	_ =	sdelay $0x3  }
0x498: {  	s29 =	sor.u32 $0x1860, s22  }
0x499: {  	[tilespmem:s29+$0x13800] =	vst v4  }
0x49a: {  	v4 =	vld [tilespmem:s21+$0x90F0];
	_ =	sdelay $0x3  }
0x49b: {  	s30 =	sor.u32 $0x1870, s22  }
0x49c: {  	[tilespmem:s30+$0x13800] =	vst v4  }
0x49d: {  	v4 =	vld [tilespmem:s21+$0x9480];
	_ =	sdelay $0x3  }
0x49e: {  	s31 =	sor.u32 $0x1C00, s22  }
0x49f: {  	[tilespmem:s31+$0x13800] =	vst v4  }
0x4a0: {  	v4 =	vld [tilespmem:s21+$0x9490];
	_ =	sdelay $0x3  }
0x4a1: {  	s25 =	sor.u32 $0x1C10, s22  }
0x4a2: {  	[tilespmem:s25+$0x13800] =	vst v4  }
0x4a3: {  	v4 =	vld [tilespmem:s21+$0x94A0];
	_ =	sdelay $0x3  }
0x4a4: {  	s26 =	sor.u32 $0x1C20, s22  }
0x4a5: {  	[tilespmem:s26+$0x13800] =	vst v4  }
0x4a6: {  	v4 =	vld [tilespmem:s21+$0x94B0];
	_ =	sdelay $0x2  }
0x4a7: {  	s28 =	sor.u32 $0x1C30, s24  }
0x4a8: {  	[tilespmem:s28+$0x13800] =	vst v3;
	s29 =	sor.u32 $0x1C30, s22  }
0x4a9: {  	v3 =	vld [tilespmem:s20+$0x94C0];
	[tilespmem:s29+$0x13800] =	vst v4  }
0x4aa: {  	v4 =	vld [tilespmem:s21+$0x94C0];
	_ =	sdelay $0x2  }
0x4ab: {  	s30 =	sor.u32 $0x1C40, s24  }
0x4ac: {  	[tilespmem:s30+$0x13800] =	vst v3;
	s31 =	sor.u32 $0x1C40, s22  }
0x4ad: {  	v3 =	vld [tilespmem:s20+$0x94D0];
	[tilespmem:s31+$0x13800] =	vst v4  }
0x4ae: {  	v4 =	vld [tilespmem:s21+$0x94D0];
	_ =	sdelay $0x2  }
0x4af: {  	s25 =	sor.u32 $0x1C50, s24  }
0x4b0: {  	s28 =	sor.u32 $0x1C50, s22;
	[tilespmem:s25+$0x13800] =	vst v3;
	s26 =	sor.u32 $0x94E0, s20  }
0x4b1: {  	v3 =	vld.msk [tilespmem:s26+$0x0], $0x1ff;
	s29 =	sor.u32 $0x94E0, s21;
	[tilespmem:s28+$0x13800] =	vst v4  }
0x4b2: {  	v4 =	vld.msk [tilespmem:s29+$0x0], $0x1ff  }
0x4b3: {  	p0 =	sne.s32 s18, $0x40  }
.Ltmp6:
0x4b4: {  	s19 =	sadd.s32 s5, s19;
	(pc) =	sbr.rel @p0 .LBB2_4-.Ltmp6, $4  }
0x4b5: {  	s19 =	smul.u32 $0xC00, s19;
	s30 =	sor.u32 $0x1C60, s24  }
0x4b6: {  	[tilespmem:s30+$0x13800] =	vst.msk $0x1ff, v3;
	s31 =	sor.u32 $0x1C60, s22  }
0x4b7: {  	s19 =	sadd.s32 s4, s19;
	[tilespmem:s31+$0x13800] =	vst.msk $0x1ff, v4  }
0x4b8: {  	[hbm4b:s19+s3] =	stream.linear.scatter [tilespmem:s16], [sflag:$0x4], $0x6000, $0x38;
	[tilespmem:$0x19800] =	vst v63  }
0x4b9: {  	s17 =	simm.s32 $0x3  }
0x4ba: {  	_ =	swait.ge [sflag:s17], $0x6000  }
0x4bb: {  	[sflag:s17] =	ssyncset.done $0x0  }
0x4bc: {  	[sflag:s17] =	ssyncadd.s32 $0xFFFFA000  }
0x4bd: {  	_ =	swait.ge [sflag:s15], $0x6000  }
0x4be: {  	s18 =	rddreg [dreg:$0x5]  }
0x4bf: {  	s31 =	rddreg [dreg:$0x4];
	s18 =	sadd.s32 $0x1, s18  }
0x4c0: {  	p0 =	sne.s32 s18, s31  }
.Ltmp7:
0x4c1: {  	_ = 	snop;
	(pc) =	sbr.rel @p0 .LBB2_1-.Ltmp7, $3  }
0x4c2: {  	_ =	sdelay $0x1  }
0x4c3: {  	[sflag:s15] =	ssyncset.done $0x0  }
0x4c4: {  	[sflag:s15] =	ssyncadd.s32 $0xFFFFA000  }
0x4c5: {  	_ =	sfence.sel $0x180000  }
0x4c6: {  	[bflag:$0x0] =	sbarrier.arrive $0xFFFF  }
0x4c7: {  	_ =	strace $0x90000047  }
0x4c8: {  	s0 =	stileid.u32;
	[bflag:$0x2] =	sbarrier.arrive $0xFFFF  }
0x4c9: {  	p0 =	sne.s32 s0, $0x0;
	s0 =	rddreg [dreg:$0x2]  }
0x4ca: {  	s0 =	sadd.s32 @!p0 $0x100000, s0  }
0x4cb: {  	[sflag:s0] =	ssyncadd.tile.s32 @!p0 $0x1;
	_ =	shalt  }
.Lfunc_end2:
_tile_overlayer_lowered:
.L_overlay_start_2:
0x4cc: {  	(tag) =	ssettag $0x2  }
0x4cd: {  	s0 =	rddreg [dreg:$0x0];
	s2 =	stileid.u32  }
0x4ce: {  	s1 =	rddreg [dreg:$0x1];
	p0 =	sne.s32 s2, $0x0  }
0x4cf: {  	s3 =	rddreg [dreg:$0x2];
	[bflag:$0x3] =	sbarrier.arrive $0xFFFF;
	s2 =	simm.s32 @!p0 $0x1C05  }
0x4d0: {  	[timem:s3], [sflag:s2] =	dma.local @!p0 [hbm:s0], s1  }
0x4d1: {  	s0 =	simm.s32 @!p0 $0x5  }
0x4d2: {  	_ =	swait.ge @!p0 [sflag:s0], s1  }
0x4d3: {  	s1 =	ssub.s32 @!p0 $0x0, s1;
	[sflag:s0] =	ssyncset.done @!p0 $0x0  }
0x4d4: {  	[sflag:s0] =	ssyncadd.s32 @!p0 s1  }
0x4d5: {  	[bflag:$0x3] =	sbarrier.arrive $0xFFFF  }
0x4d6: {  	_ =	shalt  }

</sc_bundles>
